<compile_context>
chip_gen: v7x
topology: tpu7x:2x2x1
jax: 0.10.2.dev20260603
libtpu: 0.0.44.dev20260713+nightly
codegen_flags: <defaults>
</compile_context>

<pallas_src>
import functools

import jax
import jax.numpy as jnp
from jax import lax
from jax.experimental import pallas as pl
from jax.experimental.pallas import tpu as pltpu
from jax.experimental.pallas import tpu_sc as plsc

B = 16384
D = 512
L = 16
NC = 2
NS = 16
NW = NC * NS
BPW = B // NW
CHUNK = 32
NCHUNKS = BPW // CHUNK
NBUF = 3

_mesh = plsc.VectorSubcoreMesh(core_axis_name="c", subcore_axis_name="s")


@functools.partial(
    pl.kernel,
    mesh=_mesh,
    out_type=jax.ShapeDtypeStruct((NW, L), jnp.float32),
    scratch_types=[
        pltpu.VMEM((BPW,), jnp.int32),
        pltpu.VMEM((NBUF, CHUNK, D), jnp.float32),
        pltpu.VMEM((NBUF, CHUNK, D), jnp.float32),
        pltpu.VMEM((L,), jnp.float32),
    ] + [pltpu.SemaphoreType.DMA] * (2 * NBUF),
)
def _center_loss_partials(feat_hbm, lab_hbm, cent_hbm, out_hbm,
                          idx_v, rows_v, feat_v, acc_v, *sems):
    gsem = sems[:NBUF]
    fsem = sems[NBUF:]
    wid = lax.axis_index("s") * NC + lax.axis_index("c")
    base = wid * BPW
    pltpu.sync_copy(lab_hbm.at[pl.ds(base, BPW)], idx_v)

    def issue(c, b):
        off = base + c * CHUNK
        pltpu.async_copy(cent_hbm.at[idx_v.at[pl.ds(c * CHUNK, CHUNK)]],
                         rows_v.at[b], gsem[b])
        pltpu.async_copy(feat_hbm.at[pl.ds(off, CHUNK)], feat_v.at[b], fsem[b])

    def drain(c, b):
        off = base + c * CHUNK
        pltpu.make_async_copy(cent_hbm.at[idx_v.at[pl.ds(c * CHUNK, CHUNK)]],
                              rows_v.at[b], gsem[b]).wait()
        pltpu.make_async_copy(feat_hbm.at[pl.ds(off, CHUNK)], feat_v.at[b],
                              fsem[b]).wait()

    for b in range(NBUF):
        issue(b, b)

    def outer(g, acc4):
        c0 = g * NBUF
        for b in range(NBUF):
            drain(c0 + b, b)

            def row_body(r, a4):
                a = list(a4)
                for j in range(D // L):
                    fv = feat_v[b, r, pl.ds(j * L, L)]
                    cv = rows_v[b, r, pl.ds(j * L, L)]
                    d = fv - cv
                    a[j % 4] = a[j % 4] + d * d
                return tuple(a)

            acc4 = lax.fori_loop(0, CHUNK, row_body, acc4)

            nxt = c0 + b + NBUF

            @pl.when(nxt < NCHUNKS)
            def _():
                issue(nxt, b)

        return acc4

    z = jnp.zeros((L,), jnp.float32)
    acc4 = lax.fori_loop(0, NCHUNKS // NBUF, outer, (z, z, z, z))
    for c in range((NCHUNKS // NBUF) * NBUF, NCHUNKS):
        b = c % NBUF
        drain(c, b)

        def row_body_t(r, a4):
            a = list(a4)
            for j in range(D // L):
                fv = feat_v[b, r, pl.ds(j * L, L)]
                cv = rows_v[b, r, pl.ds(j * L, L)]
                d = fv - cv
                a[j % 4] = a[j % 4] + d * d
            return tuple(a)

        acc4 = lax.fori_loop(0, CHUNK, row_body_t, acc4)

    acc_v[...] = acc4[0] + acc4[1] + acc4[2] + acc4[3]
    pltpu.sync_copy(acc_v, out_hbm.at[wid])


def kernel(features, labels, centers):
    partials = _center_loss_partials(features, labels.astype(jnp.int32), centers)
    return jnp.sum(partials) * (1.0 / B)

# --- scband reference (transcript-rebuilt; emitter-appended) ---
"""Pipeline reference for scband-center-loss-52415780880459 (READ-ONLY COPY).

The authoritative reference and input builder live on the scoring server;
editing this copy changes nothing except your own understanding.
"""

import jax, jax.numpy as jnp
import numpy as np

NUM_CLASSES = 100000
FEAT_DIM = 512
BATCH = 16384


def setup_inputs(seed=0) -> dict:
    key = jax.random.key(seed)
    k1, k2, k3 = jax.random.split(key, 3)
    features = jax.random.normal(k1, (BATCH, FEAT_DIM), dtype=jnp.float32)
    labels = jax.random.randint(k2, (BATCH,), 0, NUM_CLASSES, dtype=jnp.int64)
    centers = jax.random.normal(k3, (NUM_CLASSES, FEAT_DIM), dtype=jnp.float32)
    return {"features": features, "labels": labels, "centers": centers}


def reference(features, labels, centers):
    # centers_batch = self.centers.index_select(0, labels)
    centers_batch = jnp.take(centers, labels, axis=0)
    # ((features - centers_batch) ** 2).sum(dim=1).mean()
    diff = features - centers_batch
    per_sample = jnp.sum(diff * diff, axis=1)
    return jnp.mean(per_sample)

if __name__ == "__main__":
    import jax
    _d = setup_inputs()
    print(jax.jit(kernel)(*tuple(_d.values())))

</pallas_src>

<mosaic_0001>
#map = affine_map<(d0, d1) -> (0, 0)>
#map1 = affine_map<(d0, d1) -> (0)>
module attributes {stable_mosaic.version = 14 : i64} {
  func.func @_center_loss_partials(%arg0: i32, %arg1: i32, %arg2: memref<16384x512xf32, #tpu.memory_space<hbm>>, %arg3: memref<16384xi32, #tpu.memory_space<hbm>>, %arg4: memref<100000x512xf32, #tpu.memory_space<hbm>>, %arg5: memref<32x16xf32, #tpu.memory_space<hbm>>, %arg6: memref<512xi32, #tpu.memory_space<vmem>>, %arg7: memref<3x32x512xf32, #tpu.memory_space<vmem>>, %arg8: memref<3x32x512xf32, #tpu.memory_space<vmem>>, %arg9: memref<16xf32, #tpu.memory_space<vmem>>, %arg10: memref<!tpu.dma_semaphore, #tpu.memory_space<semaphore_mem>>, %arg11: memref<!tpu.dma_semaphore, #tpu.memory_space<semaphore_mem>>, %arg12: memref<!tpu.dma_semaphore, #tpu.memory_space<semaphore_mem>>, %arg13: memref<!tpu.dma_semaphore, #tpu.memory_space<semaphore_mem>>, %arg14: memref<!tpu.dma_semaphore, #tpu.memory_space<semaphore_mem>>, %arg15: memref<!tpu.dma_semaphore, #tpu.memory_space<semaphore_mem>>) attributes {dimension_semantics = [#tpu.dimension_semantics<core_parallel>, #tpu.dimension_semantics<subcore_parallel>], iteration_bounds = array<i64: 2, 16>, scalar_prefetch = 0 : i64, scratch_operands = 10 : i64, tpu.core_type = #tpu.core_type<sc_vector_subcore>, window_params = [{transform_indices = #map}, {transform_indices = #map1}, {transform_indices = #map}, {transform_indices = #map}]} {
    %mul3A = arith.constant 2 : i32
    %mul3A_0 = arith.muli %arg1, %mul3A : i32
    %add3A = arith.addi %mul3A_0, %arg0 : i32
    %mul3A_1 = arith.constant 512 : i32
    %mul3A_2 = arith.muli %add3A, %mul3A_1 : i32
    "tpu.region"() ({
      %run_scoped3A = tpu.sem_alloc : memref<!tpu.dma_semaphore, #tpu.memory_space<semaphore_mem>>
      %dma_start3A_119 = tpu.memref_slice %arg3[%mul3A_2] : memref<16384xi32, #tpu.memory_space<hbm>> -> memref<512xi32, #tpu.memory_space<hbm>>
      %dma_start3A_120 = tpu.memref_slice %arg3[%mul3A_2] : memref<16384xi32, #tpu.memory_space<hbm>> -> memref<512xi32, #tpu.memory_space<hbm>>
      tpu.enqueue_dma source(%dma_start3A_120 : memref<512xi32, #tpu.memory_space<hbm>>) target(%arg6 : memref<512xi32, #tpu.memory_space<vmem>>) target_semaphore(%run_scoped3A : memref<!tpu.dma_semaphore, #tpu.memory_space<semaphore_mem>>)
      %dma_wait3A_121 = tpu.memref_slice %arg3[%mul3A_2] : memref<16384xi32, #tpu.memory_space<hbm>> -> memref<512xi32, #tpu.memory_space<hbm>>
      %dma_wait3A_122 = tpu.memref_slice %arg3[%mul3A_2] : memref<16384xi32, #tpu.memory_space<hbm>> -> memref<512xi32, #tpu.memory_space<hbm>>
      tpu.wait_dma2 semaphore(%run_scoped3A : memref<!tpu.dma_semaphore, #tpu.memory_space<semaphore_mem>>) src(%dma_wait3A_122 : memref<512xi32, #tpu.memory_space<hbm>>) dst(%arg6 : memref<512xi32, #tpu.memory_space<vmem>>)
      tpu.yield
    }) : () -> ()
    %add3A_3 = arith.constant 0 : i32
    %add3A_4 = arith.addi %mul3A_2, %add3A_3 : i32
    %dma_start3A = arith.constant 0 : i32
    %dma_start3A_5 = arith.constant 0 : i32
    %dma_start3A_6 = arith.constant 0 : i32
    %dma_start3A_7 = tpu.memref_slice %arg7[%dma_start3A, %dma_start3A_5, %dma_start3A_6] : memref<3x32x512xf32, #tpu.memory_space<vmem>> -> memref<1x32x512xf32, #tpu.memory_space<vmem>>
    %dma_start3A_8 = tpu.memref_squeeze %dma_start3A_7 : memref<1x32x512xf32, #tpu.memory_space<vmem>> -> memref<32x512xf32, #tpu.memory_space<vmem>>
    %dma_start3A_9 = arith.constant 0 : i32
    %dma_start3A_10 = tpu.memref_slice %arg6[%dma_start3A_9] : memref<512xi32, #tpu.memory_space<vmem>> -> memref<32xi32, #tpu.memory_space<vmem>>
    %dma_start3A_11 = arith.constant 0 : i32
    %dma_start3A_12 = arith.constant 0 : i32
    %dma_start3A_13 = tpu.memref_slice %arg4[%dma_start3A_11, %dma_start3A_12] : memref<100000x512xf32, #tpu.memory_space<hbm>> -> memref<100000x512xf32, #tpu.memory_space<hbm>>
    tpu.enqueue_indirect_dma source(%dma_start3A_13 : memref<100000x512xf32, #tpu.memory_space<hbm>>) target(%dma_start3A_8 : memref<32x512xf32, #tpu.memory_space<vmem>>) offsets(%dma_start3A_10 : memref<32xi32, #tpu.memory_space<vmem>>) semaphore(%arg10 : memref<!tpu.dma_semaphore, #tpu.memory_space<semaphore_mem>>)
    %dma_start3A_14 = arith.constant 0 : i32
    %dma_start3A_15 = arith.constant 0 : i32
    %dma_start3A_16 = arith.constant 0 : i32
    %dma_start3A_17 = tpu.memref_slice %arg8[%dma_start3A_14, %dma_start3A_15, %dma_start3A_16] : memref<3x32x512xf32, #tpu.memory_space<vmem>> -> memref<1x32x512xf32, #tpu.memory_space<vmem>>
    %dma_start3A_18 = tpu.memref_squeeze %dma_start3A_17 : memref<1x32x512xf32, #tpu.memory_space<vmem>> -> memref<32x512xf32, #tpu.memory_space<vmem>>
    %dma_start3A_19 = arith.constant 0 : i32
    %dma_start3A_20 = tpu.memref_slice %arg2[%add3A_4, %dma_start3A_19] : memref<16384x512xf32, #tpu.memory_space<hbm>> -> memref<32x512xf32, #tpu.memory_space<hbm>>
    %dma_start3A_21 = arith.constant 0 : i32
    %dma_start3A_22 = arith.constant 0 : i32
    %dma_start3A_23 = tpu.memref_slice %arg8[%dma_start3A_14, %dma_start3A_21, %dma_start3A_22] : memref<3x32x512xf32, #tpu.memory_space<vmem>> -> memref<1x32x512xf32, #tpu.memory_space<vmem>>
    %dma_start3A_24 = tpu.memref_squeeze %dma_start3A_23 : memref<1x32x512xf32, #tpu.memory_space<vmem>> -> memref<32x512xf32, #tpu.memory_space<vmem>>
    %dma_start3A_25 = arith.constant 0 : i32
    %dma_start3A_26 = tpu.memref_slice %arg2[%add3A_4, %dma_start3A_25] : memref<16384x512xf32, #tpu.memory_space<hbm>> -> memref<32x512xf32, #tpu.memory_space<hbm>>
    tpu.enqueue_dma source(%dma_start3A_26 : memref<32x512xf32, #tpu.memory_space<hbm>>) target(%dma_start3A_24 : memref<32x512xf32, #tpu.memory_space<vmem>>) target_semaphore(%arg13 : memref<!tpu.dma_semaphore, #tpu.memory_space<semaphore_mem>>)
    %add3A_27 = arith.constant 32 : i32
    %add3A_28 = arith.addi %mul3A_2, %add3A_27 : i32
    %dma_start3A_29 = arith.constant 1 : i32
    %dma_start3A_30 = arith.constant 0 : i32
    %dma_start3A_31 = arith.constant 0 : i32
    %dma_start3A_32 = tpu.memref_slice %arg7[%dma_start3A_29, %dma_start3A_30, %dma_start3A_31] : memref<3x32x512xf32, #tpu.memory_space<vmem>> -> memref<1x32x512xf32, #tpu.memory_space<vmem>>
    %dma_start3A_33 = tpu.memref_squeeze %dma_start3A_32 : memref<1x32x512xf32, #tpu.memory_space<vmem>> -> memref<32x512xf32, #tpu.memory_space<vmem>>
    %dma_start3A_34 = arith.constant 32 : i32
    %dma_start3A_35 = tpu.memref_slice %arg6[%dma_start3A_34] : memref<512xi32, #tpu.memory_space<vmem>> -> memref<32xi32, #tpu.memory_space<vmem>>
    %dma_start3A_36 = arith.constant 0 : i32
    %dma_start3A_37 = arith.constant 0 : i32
    %dma_start3A_38 = tpu.memref_slice %arg4[%dma_start3A_36, %dma_start3A_37] : memref<100000x512xf32, #tpu.memory_space<hbm>> -> memref<100000x512xf32, #tpu.memory_space<hbm>>
    tpu.enqueue_indirect_dma source(%dma_start3A_38 : memref<100000x512xf32, #tpu.memory_space<hbm>>) target(%dma_start3A_33 : memref<32x512xf32, #tpu.memory_space<vmem>>) offsets(%dma_start3A_35 : memref<32xi32, #tpu.memory_space<vmem>>) semaphore(%arg11 : memref<!tpu.dma_semaphore, #tpu.memory_space<semaphore_mem>>)
    %dma_start3A_39 = arith.constant 1 : i32
    %dma_start3A_40 = arith.constant 0 : i32
    %dma_start3A_41 = arith.constant 0 : i32
    %dma_start3A_42 = tpu.memref_slice %arg8[%dma_start3A_39, %dma_start3A_40, %dma_start3A_41] : memref<3x32x512xf32, #tpu.memory_space<vmem>> -> memref<1x32x512xf32, #tpu.memory_space<vmem>>
    %dma_start3A_43 = tpu.memref_squeeze %dma_start3A_42 : memref<1x32x512xf32, #tpu.memory_space<vmem>> -> memref<32x512xf32, #tpu.memory_space<vmem>>
    %dma_start3A_44 = arith.constant 0 : i32
    %dma_start3A_45 = tpu.memref_slice %arg2[%add3A_28, %dma_start3A_44] : memref<16384x512xf32, #tpu.memory_space<hbm>> -> memref<32x512xf32, #tpu.memory_space<hbm>>
    %dma_start3A_46 = arith.constant 0 : i32
    %dma_start3A_47 = arith.constant 0 : i32
    %dma_start3A_48 = tpu.memref_slice %arg8[%dma_start3A_39, %dma_start3A_46, %dma_start3A_47] : memref<3x32x512xf32, #tpu.memory_space<vmem>> -> memref<1x32x512xf32, #tpu.memory_space<vmem>>
    %dma_start3A_49 = tpu.memref_squeeze %dma_start3A_48 : memref<1x32x512xf32, #tpu.memory_space<vmem>> -> memref<32x512xf32, #tpu.memory_space<vmem>>
    %dma_start3A_50 = arith.constant 0 : i32
    %dma_start3A_51 = tpu.memref_slice %arg2[%add3A_28, %dma_start3A_50] : memref<16384x512xf32, #tpu.memory_space<hbm>> -> memref<32x512xf32, #tpu.memory_space<hbm>>
    tpu.enqueue_dma source(%dma_start3A_51 : memref<32x512xf32, #tpu.memory_space<hbm>>) target(%dma_start3A_49 : memref<32x512xf32, #tpu.memory_space<vmem>>) target_semaphore(%arg14 : memref<!tpu.dma_semaphore, #tpu.memory_space<semaphore_mem>>)
    %add3A_52 = arith.constant 64 : i32
    %add3A_53 = arith.addi %mul3A_2, %add3A_52 : i32
    %dma_start3A_54 = arith.constant 2 : i32
    %dma_start3A_55 = arith.constant 0 : i32
    %dma_start3A_56 = arith.constant 0 : i32
    %dma_start3A_57 = tpu.memref_slice %arg7[%dma_start3A_54, %dma_start3A_55, %dma_start3A_56] : memref<3x32x512xf32, #tpu.memory_space<vmem>> -> memref<1x32x512xf32, #tpu.memory_space<vmem>>
    %dma_start3A_58 = tpu.memref_squeeze %dma_start3A_57 : memref<1x32x512xf32, #tpu.memory_space<vmem>> -> memref<32x512xf32, #tpu.memory_space<vmem>>
    %dma_start3A_59 = arith.constant 64 : i32
    %dma_start3A_60 = tpu.memref_slice %arg6[%dma_start3A_59] : memref<512xi32, #tpu.memory_space<vmem>> -> memref<32xi32, #tpu.memory_space<vmem>>
    %dma_start3A_61 = arith.constant 0 : i32
    %dma_start3A_62 = arith.constant 0 : i32
    %dma_start3A_63 = tpu.memref_slice %arg4[%dma_start3A_61, %dma_start3A_62] : memref<100000x512xf32, #tpu.memory_space<hbm>> -> memref<100000x512xf32, #tpu.memory_space<hbm>>
    tpu.enqueue_indirect_dma source(%dma_start3A_63 : memref<100000x512xf32, #tpu.memory_space<hbm>>) target(%dma_start3A_58 : memref<32x512xf32, #tpu.memory_space<vmem>>) offsets(%dma_start3A_60 : memref<32xi32, #tpu.memory_space<vmem>>) semaphore(%arg12 : memref<!tpu.dma_semaphore, #tpu.memory_space<semaphore_mem>>)
    %dma_start3A_64 = arith.constant 2 : i32
    %dma_start3A_65 = arith.constant 0 : i32
    %dma_start3A_66 = arith.constant 0 : i32
    %dma_start3A_67 = tpu.memref_slice %arg8[%dma_start3A_64, %dma_start3A_65, %dma_start3A_66] : memref<3x32x512xf32, #tpu.memory_space<vmem>> -> memref<1x32x512xf32, #tpu.memory_space<vmem>>
    %dma_start3A_68 = tpu.memref_squeeze %dma_start3A_67 : memref<1x32x512xf32, #tpu.memory_space<vmem>> -> memref<32x512xf32, #tpu.memory_space<vmem>>
    %dma_start3A_69 = arith.constant 0 : i32
    %dma_start3A_70 = tpu.memref_slice %arg2[%add3A_53, %dma_start3A_69] : memref<16384x512xf32, #tpu.memory_space<hbm>> -> memref<32x512xf32, #tpu.memory_space<hbm>>
    %dma_start3A_71 = arith.constant 0 : i32
    %dma_start3A_72 = arith.constant 0 : i32
    %dma_start3A_73 = tpu.memref_slice %arg8[%dma_start3A_64, %dma_start3A_71, %dma_start3A_72] : memref<3x32x512xf32, #tpu.memory_space<vmem>> -> memref<1x32x512xf32, #tpu.memory_space<vmem>>
    %dma_start3A_74 = tpu.memref_squeeze %dma_start3A_73 : memref<1x32x512xf32, #tpu.memory_space<vmem>> -> memref<32x512xf32, #tpu.memory_space<vmem>>
    %dma_start3A_75 = arith.constant 0 : i32
    %dma_start3A_76 = tpu.memref_slice %arg2[%add3A_53, %dma_start3A_75] : memref<16384x512xf32, #tpu.memory_space<hbm>> -> memref<32x512xf32, #tpu.memory_space<hbm>>
    tpu.enqueue_dma source(%dma_start3A_76 : memref<32x512xf32, #tpu.memory_space<hbm>>) target(%dma_start3A_74 : memref<32x512xf32, #tpu.memory_space<vmem>>) target_semaphore(%arg15 : memref<!tpu.dma_semaphore, #tpu.memory_space<semaphore_mem>>)
    %broadcast_in_dim3A = arith.constant 0.000000e+00 : f32
    %broadcast_in_dim3A_77 = vector.broadcast %broadcast_in_dim3A : f32 to vector<16xf32>
    %scan3A = arith.constant 0 : i32
    %scan3A_78 = arith.constant 5 : i32
    %scan3A_79 = arith.addi %scan3A, %scan3A_78 : i32
    %scan3A_80 = arith.constant 1 : i32
    %scan3A_81:4 = scf.for %scan3A_119 = %scan3A to %scan3A_79 step %scan3A_80 iter_args(%scan3A_120 = %broadcast_in_dim3A_77, %scan3A_121 = %broadcast_in_dim3A_77, %scan3A_122 = %broadcast_in_dim3A_77, %scan3A_123 = %broadcast_in_dim3A_77) -> (vector<16xf32>, vector<16xf32>, vector<16xf32>, vector<16xf32>)  : i32 {
      %mul3A_124 = arith.constant 3 : i32
      %mul3A_125 = arith.muli %scan3A_119, %mul3A_124 : i32
      %add3A_126 = arith.constant 0 : i32
      %add3A_127 = arith.addi %mul3A_125, %add3A_126 : i32
      %mul3A_128 = arith.constant 32 : i32
      %mul3A_129 = arith.muli %add3A_127, %mul3A_128 : i32
      %add3A_130 = arith.addi %mul3A_2, %mul3A_129 : i32
      %mul3A_131 = arith.constant 32 : i32
      %mul3A_132 = arith.muli %add3A_127, %mul3A_131 : i32
      %dma_wait3A_133 = arith.constant 0 : i32
      %dma_wait3A_134 = arith.constant 0 : i32
      %dma_wait3A_135 = arith.constant 0 : i32
      %dma_wait3A_136 = tpu.memref_slice %arg7[%dma_wait3A_133, %dma_wait3A_134, %dma_wait3A_135] : memref<3x32x512xf32, #tpu.memory_space<vmem>> -> memref<1x32x512xf32, #tpu.memory_space<vmem>>
      %dma_wait3A_137 = tpu.memref_squeeze %dma_wait3A_136 : memref<1x32x512xf32, #tpu.memory_space<vmem>> -> memref<32x512xf32, #tpu.memory_space<vmem>>
      %dma_wait3A_138 = tpu.memref_slice %arg6[%mul3A_132] : memref<512xi32, #tpu.memory_space<vmem>> -> memref<32xi32, #tpu.memory_space<vmem>>
      %dma_wait3A_139 = arith.constant 0 : i32
      %dma_wait3A_140 = arith.constant 0 : i32
      %dma_wait3A_141 = tpu.memref_slice %arg4[%dma_wait3A_139, %dma_wait3A_140] : memref<100000x512xf32, #tpu.memory_space<hbm>> -> memref<100000x512xf32, #tpu.memory_space<hbm>>
      tpu.wait_indirect_dma semaphore(%arg10 : memref<!tpu.dma_semaphore, #tpu.memory_space<semaphore_mem>>) src(%dma_wait3A_141 : memref<100000x512xf32, #tpu.memory_space<hbm>>) dst(%dma_wait3A_137 : memref<32x512xf32, #tpu.memory_space<vmem>>)
      %dma_wait3A_142 = arith.constant 0 : i32
      %dma_wait3A_143 = arith.constant 0 : i32
      %dma_wait3A_144 = arith.constant 0 : i32
      %dma_wait3A_145 = tpu.memref_slice %arg8[%dma_wait3A_142, %dma_wait3A_143, %dma_wait3A_144] : memref<3x32x512xf32, #tpu.memory_space<vmem>> -> memref<1x32x512xf32, #tpu.memory_space<vmem>>
      %dma_wait3A_146 = tpu.memref_squeeze %dma_wait3A_145 : memref<1x32x512xf32, #tpu.memory_space<vmem>> -> memref<32x512xf32, #tpu.memory_space<vmem>>
      %dma_wait3A_147 = arith.constant 0 : i32
      %dma_wait3A_148 = tpu.memref_slice %arg2[%add3A_130, %dma_wait3A_147] : memref<16384x512xf32, #tpu.memory_space<hbm>> -> memref<32x512xf32, #tpu.memory_space<hbm>>
      %dma_wait3A_149 = arith.constant 0 : i32
      %dma_wait3A_150 = arith.constant 0 : i32
      %dma_wait3A_151 = tpu.memref_slice %arg8[%dma_wait3A_142, %dma_wait3A_149, %dma_wait3A_150] : memref<3x32x512xf32, #tpu.memory_space<vmem>> -> memref<1x32x512xf32, #tpu.memory_space<vmem>>
      %dma_wait3A_152 = tpu.memref_squeeze %dma_wait3A_151 : memref<1x32x512xf32, #tpu.memory_space<vmem>> -> memref<32x512xf32, #tpu.memory_space<vmem>>
      %dma_wait3A_153 = arith.constant 0 : i32
      %dma_wait3A_154 = tpu.memref_slice %arg2[%add3A_130, %dma_wait3A_153] : memref<16384x512xf32, #tpu.memory_space<hbm>> -> memref<32x512xf32, #tpu.memory_space<hbm>>
      tpu.wait_dma2 semaphore(%arg13 : memref<!tpu.dma_semaphore, #tpu.memory_space<semaphore_mem>>) src(%dma_wait3A_154 : memref<32x512xf32, #tpu.memory_space<hbm>>) dst(%dma_wait3A_152 : memref<32x512xf32, #tpu.memory_space<vmem>>)
      %scan3A_155 = arith.constant 0 : i32
      %scan3A_156 = arith.constant 32 : i32
      %scan3A_157 = arith.addi %scan3A_155, %scan3A_156 : i32
      %scan3A_158 = arith.constant 1 : i32
      %scan3A_159:4 = scf.for %scan3A_255 = %scan3A_155 to %scan3A_157 step %scan3A_158 iter_args(%scan3A_256 = %scan3A_120, %scan3A_257 = %scan3A_121, %scan3A_258 = %scan3A_122, %scan3A_259 = %scan3A_123) -> (vector<16xf32>, vector<16xf32>, vector<16xf32>, vector<16xf32>)  : i32 {
        %get3A = arith.constant 0 : i32
        %get3A_260 = arith.index_cast %get3A : i32 to index
        %get3A_261 = arith.index_cast %scan3A_255 : i32 to index
        %get3A_262 = arith.constant 0 : index
        %get3A_263 = tpu.vector_load %arg8[%get3A_260, %get3A_261, %get3A_262] {strides = array<i32>} : memref<3x32x512xf32, #tpu.memory_space<vmem>>, vector<1x1x16xf32>,
        %get3A_264 = vector.shape_cast %get3A_263 : vector<1x1x16xf32> to vector<16xf32>
        %get3A_265 = arith.constant 0 : i32
        %get3A_266 = arith.index_cast %get3A_265 : i32 to index
        %get3A_267 = arith.index_cast %scan3A_255 : i32 to index
        %get3A_268 = arith.constant 0 : index
        %get3A_269 = tpu.vector_load %arg7[%get3A_266, %get3A_267, %get3A_268] {strides = array<i32>} : memref<3x32x512xf32, #tpu.memory_space<vmem>>, vector<1x1x16xf32>,
        %get3A_270 = vector.shape_cast %get3A_269 : vector<1x1x16xf32> to vector<16xf32>
        %sub3A = arith.subf %get3A_264, %get3A_270 : vector<16xf32>
        %mul3A_271 = arith.mulf %sub3A, %sub3A : vector<16xf32>
        %add3A_272 = arith.addf %scan3A_256, %mul3A_271 : vector<16xf32>
        %get3A_273 = arith.constant 0 : i32
        %get3A_274 = arith.index_cast %get3A_273 : i32 to index
        %get3A_275 = arith.index_cast %scan3A_255 : i32 to index
        %get3A_276 = arith.constant 16 : index
        %get3A_277 = tpu.vector_load %arg8[%get3A_274, %get3A_275, %get3A_276] {strides = array<i32>} : memref<3x32x512xf32, #tpu.memory_space<vmem>>, vector<1x1x16xf32>,
        %get3A_278 = vector.shape_cast %get3A_277 : vector<1x1x16xf32> to vector<16xf32>
        %get3A_279 = arith.constant 0 : i32
        %get3A_280 = arith.index_cast %get3A_279 : i32 to index
        %get3A_281 = arith.index_cast %scan3A_255 : i32 to index
        %get3A_282 = arith.constant 16 : index
        %get3A_283 = tpu.vector_load %arg7[%get3A_280, %get3A_281, %get3A_282] {strides = array<i32>} : memref<3x32x512xf32, #tpu.memory_space<vmem>>, vector<1x1x16xf32>,
        %get3A_284 = vector.shape_cast %get3A_283 : vector<1x1x16xf32> to vector<16xf32>
        %sub3A_285 = arith.subf %get3A_278, %get3A_284 : vector<16xf32>
        %mul3A_286 = arith.mulf %sub3A_285, %sub3A_285 : vector<16xf32>
        %add3A_287 = arith.addf %scan3A_257, %mul3A_286 : vector<16xf32>
        %get3A_288 = arith.constant 0 : i32
        %get3A_289 = arith.index_cast %get3A_288 : i32 to index
        %get3A_290 = arith.index_cast %scan3A_255 : i32 to index
        %get3A_291 = arith.constant 32 : index
        %get3A_292 = tpu.vector_load %arg8[%get3A_289, %get3A_290, %get3A_291] {strides = array<i32>} : memref<3x32x512xf32, #tpu.memory_space<vmem>>, vector<1x1x16xf32>,
        %get3A_293 = vector.shape_cast %get3A_292 : vector<1x1x16xf32> to vector<16xf32>
        %get3A_294 = arith.constant 0 : i32
        %get3A_295 = arith.index_cast %get3A_294 : i32 to index
        %get3A_296 = arith.index_cast %scan3A_255 : i32 to index
        %get3A_297 = arith.constant 32 : index
        %get3A_298 = tpu.vector_load %arg7[%get3A_295, %get3A_296, %get3A_297] {strides = array<i32>} : memref<3x32x512xf32, #tpu.memory_space<vmem>>, vector<1x1x16xf32>,
        %get3A_299 = vector.shape_cast %get3A_298 : vector<1x1x16xf32> to vector<16xf32>
        %sub3A_300 = arith.subf %get3A_293, %get3A_299 : vector<16xf32>
        %mul3A_301 = arith.mulf %sub3A_300, %sub3A_300 : vector<16xf32>
        %add3A_302 = arith.addf %scan3A_258, %mul3A_301 : vector<16xf32>
        %get3A_303 = arith.constant 0 : i32
        %get3A_304 = arith.index_cast %get3A_303 : i32 to index
        %get3A_305 = arith.index_cast %scan3A_255 : i32 to index
        %get3A_306 = arith.constant 48 : index
        %get3A_307 = tpu.vector_load %arg8[%get3A_304, %get3A_305, %get3A_306] {strides = array<i32>} : memref<3x32x512xf32, #tpu.memory_space<vmem>>, vector<1x1x16xf32>,
        %get3A_308 = vector.shape_cast %get3A_307 : vector<1x1x16xf32> to vector<16xf32>
        %get3A_309 = arith.constant 0 : i32
        %get3A_310 = arith.index_cast %get3A_309 : i32 to index
        %get3A_311 = arith.index_cast %scan3A_255 : i32 to index
        %get3A_312 = arith.constant 48 : index
        %get3A_313 = tpu.vector_load %arg7[%get3A_310, %get3A_311, %get3A_312] {strides = array<i32>} : memref<3x32x512xf32, #tpu.memory_space<vmem>>, vector<1x1x16xf32>,
        %get3A_314 = vector.shape_cast %get3A_313 : vector<1x1x16xf32> to vector<16xf32>
        %sub3A_315 = arith.subf %get3A_308, %get3A_314 : vector<16xf32>
        %mul3A_316 = arith.mulf %sub3A_315, %sub3A_315 : vector<16xf32>
        %add3A_317 = arith.addf %scan3A_259, %mul3A_316 : vector<16xf32>
        %get3A_318 = arith.constant 0 : i32
        %get3A_319 = arith.index_cast %get3A_318 : i32 to index
        %get3A_320 = arith.index_cast %scan3A_255 : i32 to index
        %get3A_321 = arith.constant 64 : index
        %get3A_322 = tpu.vector_load %arg8[%get3A_319, %get3A_320, %get3A_321] {strides = array<i32>} : memref<3x32x512xf32, #tpu.memory_space<vmem>>, vector<1x1x16xf32>,
        %get3A_323 = vector.shape_cast %get3A_322 : vector<1x1x16xf32> to vector<16xf32>
        %get3A_324 = arith.constant 0 : i32
        %get3A_325 = arith.index_cast %get3A_324 : i32 to index
        %get3A_326 = arith.index_cast %scan3A_255 : i32 to index
        %get3A_327 = arith.constant 64 : index
        %get3A_328 = tpu.vector_load %arg7[%get3A_325, %get3A_326, %get3A_327] {strides = array<i32>} : memref<3x32x512xf32, #tpu.memory_space<vmem>>, vector<1x1x16xf32>,
        %get3A_329 = vector.shape_cast %get3A_328 : vector<1x1x16xf32> to vector<16xf32>
        %sub3A_330 = arith.subf %get3A_323, %get3A_329 : vector<16xf32>
        %mul3A_331 = arith.mulf %sub3A_330, %sub3A_330 : vector<16xf32>
        %add3A_332 = arith.addf %add3A_272, %mul3A_331 : vector<16xf32>
        %get3A_333 = arith.constant 0 : i32
        %get3A_334 = arith.index_cast %get3A_333 : i32 to index
        %get3A_335 = arith.index_cast %scan3A_255 : i32 to index
        %get3A_336 = arith.constant 80 : index
        %get3A_337 = tpu.vector_load %arg8[%get3A_334, %get3A_335, %get3A_336] {strides = array<i32>} : memref<3x32x512xf32, #tpu.memory_space<vmem>>, vector<1x1x16xf32>,
        %get3A_338 = vector.shape_cast %get3A_337 : vector<1x1x16xf32> to vector<16xf32>
        %get3A_339 = arith.constant 0 : i32
        %get3A_340 = arith.index_cast %get3A_339 : i32 to index
        %get3A_341 = arith.index_cast %scan3A_255 : i32 to index
        %get3A_342 = arith.constant 80 : index
        %get3A_343 = tpu.vector_load %arg7[%get3A_340, %get3A_341, %get3A_342] {strides = array<i32>} : memref<3x32x512xf32, #tpu.memory_space<vmem>>, vector<1x1x16xf32>,
        %get3A_344 = vector.shape_cast %get3A_343 : vector<1x1x16xf32> to vector<16xf32>
        %sub3A_345 = arith.subf %get3A_338, %get3A_344 : vector<16xf32>
        %mul3A_346 = arith.mulf %sub3A_345, %sub3A_345 : vector<16xf32>
        %add3A_347 = arith.addf %add3A_287, %mul3A_346 : vector<16xf32>
        %get3A_348 = arith.constant 0 : i32
        %get3A_349 = arith.index_cast %get3A_348 : i32 to index
        %get3A_350 = arith.index_cast %scan3A_255 : i32 to index
        %get3A_351 = arith.constant 96 : index
        %get3A_352 = tpu.vector_load %arg8[%get3A_349, %get3A_350, %get3A_351] {strides = array<i32>} : memref<3x32x512xf32, #tpu.memory_space<vmem>>, vector<1x1x16xf32>,
        %get3A_353 = vector.shape_cast %get3A_352 : vector<1x1x16xf32> to vector<16xf32>
        %get3A_354 = arith.constant 0 : i32
        %get3A_355 = arith.index_cast %get3A_354 : i32 to index
        %get3A_356 = arith.index_cast %scan3A_255 : i32 to index
        %get3A_357 = arith.constant 96 : index
        %get3A_358 = tpu.vector_load %arg7[%get3A_355, %get3A_356, %get3A_357] {strides = array<i32>} : memref<3x32x512xf32, #tpu.memory_space<vmem>>, vector<1x1x16xf32>,
        %get3A_359 = vector.shape_cast %get3A_358 : vector<1x1x16xf32> to vector<16xf32>
        %sub3A_360 = arith.subf %get3A_353, %get3A_359 : vector<16xf32>
        %mul3A_361 = arith.mulf %sub3A_360, %sub3A_360 : vector<16xf32>
        %add3A_362 = arith.addf %add3A_302, %mul3A_361 : vector<16xf32>
        %get3A_363 = arith.constant 0 : i32
        %get3A_364 = arith.index_cast %get3A_363 : i32 to index
        %get3A_365 = arith.index_cast %scan3A_255 : i32 to index
        %get3A_366 = arith.constant 112 : index
        %get3A_367 = tpu.vector_load %arg8[%get3A_364, %get3A_365, %get3A_366] {strides = array<i32>} : memref<3x32x512xf32, #tpu.memory_space<vmem>>, vector<1x1x16xf32>,
        %get3A_368 = vector.shape_cast %get3A_367 : vector<1x1x16xf32> to vector<16xf32>
        %get3A_369 = arith.constant 0 : i32
        %get3A_370 = arith.index_cast %get3A_369 : i32 to index
        %get3A_371 = arith.index_cast %scan3A_255 : i32 to index
        %get3A_372 = arith.constant 112 : index
        %get3A_373 = tpu.vector_load %arg7[%get3A_370, %get3A_371, %get3A_372] {strides = array<i32>} : memref<3x32x512xf32, #tpu.memory_space<vmem>>, vector<1x1x16xf32>,
        %get3A_374 = vector.shape_cast %get3A_373 : vector<1x1x16xf32> to vector<16xf32>
        %sub3A_375 = arith.subf %get3A_368, %get3A_374 : vector<16xf32>
        %mul3A_376 = arith.mulf %sub3A_375, %sub3A_375 : vector<16xf32>
        %add3A_377 = arith.addf %add3A_317, %mul3A_376 : vector<16xf32>
        %get3A_378 = arith.constant 0 : i32
        %get3A_379 = arith.index_cast %get3A_378 : i32 to index
        %get3A_380 = arith.index_cast %scan3A_255 : i32 to index
        %get3A_381 = arith.constant 128 : index
        %get3A_382 = tpu.vector_load %arg8[%get3A_379, %get3A_380, %get3A_381] {strides = array<i32>} : memref<3x32x512xf32, #tpu.memory_space<vmem>>, vector<1x1x16xf32>,
        %get3A_383 = vector.shape_cast %get3A_382 : vector<1x1x16xf32> to vector<16xf32>
        %get3A_384 = arith.constant 0 : i32
        %get3A_385 = arith.index_cast %get3A_384 : i32 to index
        %get3A_386 = arith.index_cast %scan3A_255 : i32 to index
        %get3A_387 = arith.constant 128 : index
        %get3A_388 = tpu.vector_load %arg7[%get3A_385, %get3A_386, %get3A_387] {strides = array<i32>} : memref<3x32x512xf32, #tpu.memory_space<vmem>>, vector<1x1x16xf32>,
        %get3A_389 = vector.shape_cast %get3A_388 : vector<1x1x16xf32> to vector<16xf32>
        %sub3A_390 = arith.subf %get3A_383, %get3A_389 : vector<16xf32>
        %mul3A_391 = arith.mulf %sub3A_390, %sub3A_390 : vector<16xf32>
        %add3A_392 = arith.addf %add3A_332, %mul3A_391 : vector<16xf32>
        %get3A_393 = arith.constant 0 : i32
        %get3A_394 = arith.index_cast %get3A_393 : i32 to index
        %get3A_395 = arith.index_cast %scan3A_255 : i32 to index
        %get3A_396 = arith.constant 144 : index
        %get3A_397 = tpu.vector_load %arg8[%get3A_394, %get3A_395, %get3A_396] {strides = array<i32>} : memref<3x32x512xf32, #tpu.memory_space<vmem>>, vector<1x1x16xf32>,
        %get3A_398 = vector.shape_cast %get3A_397 : vector<1x1x16xf32> to vector<16xf32>
        %get3A_399 = arith.constant 0 : i32
        %get3A_400 = arith.index_cast %get3A_399 : i32 to index
        %get3A_401 = arith.index_cast %scan3A_255 : i32 to index
        %get3A_402 = arith.constant 144 : index
        %get3A_403 = tpu.vector_load %arg7[%get3A_400, %get3A_401, %get3A_402] {strides = array<i32>} : memref<3x32x512xf32, #tpu.memory_space<vmem>>, vector<1x1x16xf32>,
        %get3A_404 = vector.shape_cast %get3A_403 : vector<1x1x16xf32> to vector<16xf32>
        %sub3A_405 = arith.subf %get3A_398, %get3A_404 : vector<16xf32>
        %mul3A_406 = arith.mulf %sub3A_405, %sub3A_405 : vector<16xf32>
        %add3A_407 = arith.addf %add3A_347, %mul3A_406 : vector<16xf32>
        %get3A_408 = arith.constant 0 : i32
        %get3A_409 = arith.index_cast %get3A_408 : i32 to index
        %get3A_410 = arith.index_cast %scan3A_255 : i32 to index
        %get3A_411 = arith.constant 160 : index
        %get3A_412 = tpu.vector_load %arg8[%get3A_409, %get3A_410, %get3A_411] {strides = array<i32>} : memref<3x32x512xf32, #tpu.memory_space<vmem>>, vector<1x1x16xf32>,
        %get3A_413 = vector.shape_cast %get3A_412 : vector<1x1x16xf32> to vector<16xf32>
        %get3A_414 = arith.constant 0 : i32
        %get3A_415 = arith.index_cast %get3A_414 : i32 to index
        %get3A_416 = arith.index_cast %scan3A_255 : i32 to index
        %get3A_417 = arith.constant 160 : index
        %get3A_418 = tpu.vector_load %arg7[%get3A_415, %get3A_416, %get3A_417] {strides = array<i32>} : memref<3x32x512xf32, #tpu.memory_space<vmem>>, vector<1x1x16xf32>,
        %get3A_419 = vector.shape_cast %get3A_418 : vector<1x1x16xf32> to vector<16xf32>
        %sub3A_420 = arith.subf %get3A_413, %get3A_419 : vector<16xf32>
        %mul3A_421 = arith.mulf %sub3A_420, %sub3A_420 : vector<16xf32>
        %add3A_422 = arith.addf %add3A_362, %mul3A_421 : vector<16xf32>
        %get3A_423 = arith.constant 0 : i32
        %get3A_424 = arith.index_cast %get3A_423 : i32 to index
        %get3A_425 = arith.index_cast %scan3A_255 : i32 to index
        %get3A_426 = arith.constant 176 : index
        %get3A_427 = tpu.vector_load %arg8[%get3A_424, %get3A_425, %get3A_426] {strides = array<i32>} : memref<3x32x512xf32, #tpu.memory_space<vmem>>, vector<1x1x16xf32>,
        %get3A_428 = vector.shape_cast %get3A_427 : vector<1x1x16xf32> to vector<16xf32>
        %get3A_429 = arith.constant 0 : i32
        %get3A_430 = arith.index_cast %get3A_429 : i32 to index
        %get3A_431 = arith.index_cast %scan3A_255 : i32 to index
        %get3A_432 = arith.constant 176 : index
        %get3A_433 = tpu.vector_load %arg7[%get3A_430, %get3A_431, %get3A_432] {strides = array<i32>} : memref<3x32x512xf32, #tpu.memory_space<vmem>>, vector<1x1x16xf32>,
        %get3A_434 = vector.shape_cast %get3A_433 : vector<1x1x16xf32> to vector<16xf32>
        %sub3A_435 = arith.subf %get3A_428, %get3A_434 : vector<16xf32>
        %mul3A_436 = arith.mulf %sub3A_435, %sub3A_435 : vector<16xf32>
        %add3A_437 = arith.addf %add3A_377, %mul3A_436 : vector<16xf32>
        %get3A_438 = arith.constant 0 : i32
        %get3A_439 = arith.index_cast %get3A_438 : i32 to index
        %get3A_440 = arith.index_cast %scan3A_255 : i32 to index
        %get3A_441 = arith.constant 192 : index
        %get3A_442 = tpu.vector_load %arg8[%get3A_439, %get3A_440, %get3A_441] {strides = array<i32>} : memref<3x32x512xf32, #tpu.memory_space<vmem>>, vector<1x1x16xf32>,
        %get3A_443 = vector.shape_cast %get3A_442 : vector<1x1x16xf32> to vector<16xf32>
        %get3A_444 = arith.constant 0 : i32
        %get3A_445 = arith.index_cast %get3A_444 : i32 to index
        %get3A_446 = arith.index_cast %scan3A_255 : i32 to index
        %get3A_447 = arith.constant 192 : index
        %get3A_448 = tpu.vector_load %arg7[%get3A_445, %get3A_446, %get3A_447] {strides = array<i32>} : memref<3x32x512xf32, #tpu.memory_space<vmem>>, vector<1x1x16xf32>,
        %get3A_449 = vector.shape_cast %get3A_448 : vector<1x1x16xf32> to vector<16xf32>
        %sub3A_450 = arith.subf %get3A_443, %get3A_449 : vector<16xf32>
        %mul3A_451 = arith.mulf %sub3A_450, %sub3A_450 : vector<16xf32>
        %add3A_452 = arith.addf %add3A_392, %mul3A_451 : vector<16xf32>
        %get3A_453 = arith.constant 0 : i32
        %get3A_454 = arith.index_cast %get3A_453 : i32 to index
        %get3A_455 = arith.index_cast %scan3A_255 : i32 to index
        %get3A_456 = arith.constant 208 : index
        %get3A_457 = tpu.vector_load %arg8[%get3A_454, %get3A_455, %get3A_456] {strides = array<i32>} : memref<3x32x512xf32, #tpu.memory_space<vmem>>, vector<1x1x16xf32>,
        %get3A_458 = vector.shape_cast %get3A_457 : vector<1x1x16xf32> to vector<16xf32>
        %get3A_459 = arith.constant 0 : i32
        %get3A_460 = arith.index_cast %get3A_459 : i32 to index
        %get3A_461 = arith.index_cast %scan3A_255 : i32 to index
        %get3A_462 = arith.constant 208 : index
        %get3A_463 = tpu.vector_load %arg7[%get3A_460, %get3A_461, %get3A_462] {strides = array<i32>} : memref<3x32x512xf32, #tpu.memory_space<vmem>>, vector<1x1x16xf32>,
        %get3A_464 = vector.shape_cast %get3A_463 : vector<1x1x16xf32> to vector<16xf32>
        %sub3A_465 = arith.subf %get3A_458, %get3A_464 : vector<16xf32>
        %mul3A_466 = arith.mulf %sub3A_465, %sub3A_465 : vector<16xf32>
        %add3A_467 = arith.addf %add3A_407, %mul3A_466 : vector<16xf32>
        %get3A_468 = arith.constant 0 : i32
        %get3A_469 = arith.index_cast %get3A_468 : i32 to index
        %get3A_470 = arith.index_cast %scan3A_255 : i32 to index
        %get3A_471 = arith.constant 224 : index
        %get3A_472 = tpu.vector_load %arg8[%get3A_469, %get3A_470, %get3A_471] {strides = array<i32>} : memref<3x32x512xf32, #tpu.memory_space<vmem>>, vector<1x1x16xf32>,
        %get3A_473 = vector.shape_cast %get3A_472 : vector<1x1x16xf32> to vector<16xf32>
        %get3A_474 = arith.constant 0 : i32
        %get3A_475 = arith.index_cast %get3A_474 : i32 to index
        %get3A_476 = arith.index_cast %scan3A_255 : i32 to index
        %get3A_477 = arith.constant 224 : index
        %get3A_478 = tpu.vector_load %arg7[%get3A_475, %get3A_476, %get3A_477] {strides = array<i32>} : memref<3x32x512xf32, #tpu.memory_space<vmem>>, vector<1x1x16xf32>,
        %get3A_479 = vector.shape_cast %get3A_478 : vector<1x1x16xf32> to vector<16xf32>
        %sub3A_480 = arith.subf %get3A_473, %get3A_479 : vector<16xf32>
        %mul3A_481 = arith.mulf %sub3A_480, %sub3A_480 : vector<16xf32>
        %add3A_482 = arith.addf %add3A_422, %mul3A_481 : vector<16xf32>
        %get3A_483 = arith.constant 0 : i32
        %get3A_484 = arith.index_cast %get3A_483 : i32 to index
        %get3A_485 = arith.index_cast %scan3A_255 : i32 to index
        %get3A_486 = arith.constant 240 : index
        %get3A_487 = tpu.vector_load %arg8[%get3A_484, %get3A_485, %get3A_486] {strides = array<i32>} : memref<3x32x512xf32, #tpu.memory_space<vmem>>, vector<1x1x16xf32>,
        %get3A_488 = vector.shape_cast %get3A_487 : vector<1x1x16xf32> to vector<16xf32>
        %get3A_489 = arith.constant 0 : i32
        %get3A_490 = arith.index_cast %get3A_489 : i32 to index
        %get3A_491 = arith.index_cast %scan3A_255 : i32 to index
        %get3A_492 = arith.constant 240 : index
        %get3A_493 = tpu.vector_load %arg7[%get3A_490, %get3A_491, %get3A_492] {strides = array<i32>} : memref<3x32x512xf32, #tpu.memory_space<vmem>>, vector<1x1x16xf32>,
        %get3A_494 = vector.shape_cast %get3A_493 : vector<1x1x16xf32> to vector<16xf32>
        %sub3A_495 = arith.subf %get3A_488, %get3A_494 : vector<16xf32>
        %mul3A_496 = arith.mulf %sub3A_495, %sub3A_495 : vector<16xf32>
        %add3A_497 = arith.addf %add3A_437, %mul3A_496 : vector<16xf32>
        %get3A_498 = arith.constant 0 : i32
        %get3A_499 = arith.index_cast %get3A_498 : i32 to index
        %get3A_500 = arith.index_cast %scan3A_255 : i32 to index
        %get3A_501 = arith.constant 256 : index
        %get3A_502 = tpu.vector_load %arg8[%get3A_499, %get3A_500, %get3A_501] {strides = array<i32>} : memref<3x32x512xf32, #tpu.memory_space<vmem>>, vector<1x1x16xf32>,
        %get3A_503 = vector.shape_cast %get3A_502 : vector<1x1x16xf32> to vector<16xf32>
        %get3A_504 = arith.constant 0 : i32
        %get3A_505 = arith.index_cast %get3A_504 : i32 to index
        %get3A_506 = arith.index_cast %scan3A_255 : i32 to index
        %get3A_507 = arith.constant 256 : index
        %get3A_508 = tpu.vector_load %arg7[%get3A_505, %get3A_506, %get3A_507] {strides = array<i32>} : memref<3x32x512xf32, #tpu.memory_space<vmem>>, vector<1x1x16xf32>,
        %get3A_509 = vector.shape_cast %get3A_508 : vector<1x1x16xf32> to vector<16xf32>
        %sub3A_510 = arith.subf %get3A_503, %get3A_509 : vector<16xf32>
        %mul3A_511 = arith.mulf %sub3A_510, %sub3A_510 : vector<16xf32>
        %add3A_512 = arith.addf %add3A_452, %mul3A_511 : vector<16xf32>
        %get3A_513 = arith.constant 0 : i32
        %get3A_514 = arith.index_cast %get3A_513 : i32 to index
        %get3A_515 = arith.index_cast %scan3A_255 : i32 to index
        %get3A_516 = arith.constant 272 : index
        %get3A_517 = tpu.vector_load %arg8[%get3A_514, %get3A_515, %get3A_516] {strides = array<i32>} : memref<3x32x512xf32, #tpu.memory_space<vmem>>, vector<1x1x16xf32>,
        %get3A_518 = vector.shape_cast %get3A_517 : vector<1x1x16xf32> to vector<16xf32>
        %get3A_519 = arith.constant 0 : i32
        %get3A_520 = arith.index_cast %get3A_519 : i32 to index
        %get3A_521 = arith.index_cast %scan3A_255 : i32 to index
        %get3A_522 = arith.constant 272 : index
        %get3A_523 = tpu.vector_load %arg7[%get3A_520, %get3A_521, %get3A_522] {strides = array<i32>} : memref<3x32x512xf32, #tpu.memory_space<vmem>>, vector<1x1x16xf32>,
        %get3A_524 = vector.shape_cast %get3A_523 : vector<1x1x16xf32> to vector<16xf32>
        %sub3A_525 = arith.subf %get3A_518, %get3A_524 : vector<16xf32>
        %mul3A_526 = arith.mulf %sub3A_525, %sub3A_525 : vector<16xf32>
        %add3A_527 = arith.addf %add3A_467, %mul3A_526 : vector<16xf32>
        %get3A_528 = arith.constant 0 : i32
        %get3A_529 = arith.index_cast %get3A_528 : i32 to index
        %get3A_530 = arith.index_cast %scan3A_255 : i32 to index
        %get3A_531 = arith.constant 288 : index
        %get3A_532 = tpu.vector_load %arg8[%get3A_529, %get3A_530, %get3A_531] {strides = array<i32>} : memref<3x32x512xf32, #tpu.memory_space<vmem>>, vector<1x1x16xf32>,
        %get3A_533 = vector.shape_cast %get3A_532 : vector<1x1x16xf32> to vector<16xf32>
        %get3A_534 = arith.constant 0 : i32
        %get3A_535 = arith.index_cast %get3A_534 : i32 to index
        %get3A_536 = arith.index_cast %scan3A_255 : i32 to index
        %get3A_537 = arith.constant 288 : index
        %get3A_538 = tpu.vector_load %arg7[%get3A_535, %get3A_536, %get3A_537] {strides = array<i32>} : memref<3x32x512xf32, #tpu.memory_space<vmem>>, vector<1x1x16xf32>,
        %get3A_539 = vector.shape_cast %get3A_538 : vector<1x1x16xf32> to vector<16xf32>
        %sub3A_540 = arith.subf %get3A_533, %get3A_539 : vector<16xf32>
        %mul3A_541 = arith.mulf %sub3A_540, %sub3A_540 : vector<16xf32>
        %add3A_542 = arith.addf %add3A_482, %mul3A_541 : vector<16xf32>
        %get3A_543 = arith.constant 0 : i32
        %get3A_544 = arith.index_cast %get3A_543 : i32 to index
        %get3A_545 = arith.index_cast %scan3A_255 : i32 to index
        %get3A_546 = arith.constant 304 : index
        %get3A_547 = tpu.vector_load %arg8[%get3A_544, %get3A_545, %get3A_546] {strides = array<i32>} : memref<3x32x512xf32, #tpu.memory_space<vmem>>, vector<1x1x16xf32>,
        %get3A_548 = vector.shape_cast %get3A_547 : vector<1x1x16xf32> to vector<16xf32>
        %get3A_549 = arith.constant 0 : i32
        %get3A_550 = arith.index_cast %get3A_549 : i32 to index
        %get3A_551 = arith.index_cast %scan3A_255 : i32 to index
        %get3A_552 = arith.constant 304 : index
        %get3A_553 = tpu.vector_load %arg7[%get3A_550, %get3A_551, %get3A_552] {strides = array<i32>} : memref<3x32x512xf32, #tpu.memory_space<vmem>>, vector<1x1x16xf32>,
        %get3A_554 = vector.shape_cast %get3A_553 : vector<1x1x16xf32> to vector<16xf32>
        %sub3A_555 = arith.subf %get3A_548, %get3A_554 : vector<16xf32>
        %mul3A_556 = arith.mulf %sub3A_555, %sub3A_555 : vector<16xf32>
        %add3A_557 = arith.addf %add3A_497, %mul3A_556 : vector<16xf32>
        %get3A_558 = arith.constant 0 : i32
        %get3A_559 = arith.index_cast %get3A_558 : i32 to index
        %get3A_560 = arith.index_cast %scan3A_255 : i32 to index
        %get3A_561 = arith.constant 320 : index
        %get3A_562 = tpu.vector_load %arg8[%get3A_559, %get3A_560, %get3A_561] {strides = array<i32>} : memref<3x32x512xf32, #tpu.memory_space<vmem>>, vector<1x1x16xf32>,
        %get3A_563 = vector.shape_cast %get3A_562 : vector<1x1x16xf32> to vector<16xf32>
        %get3A_564 = arith.constant 0 : i32
        %get3A_565 = arith.index_cast %get3A_564 : i32 to index
        %get3A_566 = arith.index_cast %scan3A_255 : i32 to index
        %get3A_567 = arith.constant 320 : index
        %get3A_568 = tpu.vector_load %arg7[%get3A_565, %get3A_566, %get3A_567] {strides = array<i32>} : memref<3x32x512xf32, #tpu.memory_space<vmem>>, vector<1x1x16xf32>,
        %get3A_569 = vector.shape_cast %get3A_568 : vector<1x1x16xf32> to vector<16xf32>
        %sub3A_570 = arith.subf %get3A_563, %get3A_569 : vector<16xf32>
        %mul3A_571 = arith.mulf %sub3A_570, %sub3A_570 : vector<16xf32>
        %add3A_572 = arith.addf %add3A_512, %mul3A_571 : vector<16xf32>
        %get3A_573 = arith.constant 0 : i32
        %get3A_574 = arith.index_cast %get3A_573 : i32 to index
        %get3A_575 = arith.index_cast %scan3A_255 : i32 to index
        %get3A_576 = arith.constant 336 : index
        %get3A_577 = tpu.vector_load %arg8[%get3A_574, %get3A_575, %get3A_576] {strides = array<i32>} : memref<3x32x512xf32, #tpu.memory_space<vmem>>, vector<1x1x16xf32>,
        %get3A_578 = vector.shape_cast %get3A_577 : vector<1x1x16xf32> to vector<16xf32>
        %get3A_579 = arith.constant 0 : i32
        %get3A_580 = arith.index_cast %get3A_579 : i32 to index
        %get3A_581 = arith.index_cast %scan3A_255 : i32 to index
        %get3A_582 = arith.constant 336 : index
        %get3A_583 = tpu.vector_load %arg7[%get3A_580, %get3A_581, %get3A_582] {strides = array<i32>} : memref<3x32x512xf32, #tpu.memory_space<vmem>>, vector<1x1x16xf32>,
        %get3A_584 = vector.shape_cast %get3A_583 : vector<1x1x16xf32> to vector<16xf32>
        %sub3A_585 = arith.subf %get3A_578, %get3A_584 : vector<16xf32>
        %mul3A_586 = arith.mulf %sub3A_585, %sub3A_585 : vector<16xf32>
        %add3A_587 = arith.addf %add3A_527, %mul3A_586 : vector<16xf32>
        %get3A_588 = arith.constant 0 : i32
        %get3A_589 = arith.index_cast %get3A_588 : i32 to index
        %get3A_590 = arith.index_cast %scan3A_255 : i32 to index
        %get3A_591 = arith.constant 352 : index
        %get3A_592 = tpu.vector_load %arg8[%get3A_589, %get3A_590, %get3A_591] {strides = array<i32>} : memref<3x32x512xf32, #tpu.memory_space<vmem>>, vector<1x1x16xf32>,
        %get3A_593 = vector.shape_cast %get3A_592 : vector<1x1x16xf32> to vector<16xf32>
        %get3A_594 = arith.constant 0 : i32
        %get3A_595 = arith.index_cast %get3A_594 : i32 to index
        %get3A_596 = arith.index_cast %scan3A_255 : i32 to index
        %get3A_597 = arith.constant 352 : index
        %get3A_598 = tpu.vector_load %arg7[%get3A_595, %get3A_596, %get3A_597] {strides = array<i32>} : memref<3x32x512xf32, #tpu.memory_space<vmem>>, vector<1x1x16xf32>,
        %get3A_599 = vector.shape_cast %get3A_598 : vector<1x1x16xf32> to vector<16xf32>
        %sub3A_600 = arith.subf %get3A_593, %get3A_599 : vector<16xf32>
        %mul3A_601 = arith.mulf %sub3A_600, %sub3A_600 : vector<16xf32>
        %add3A_602 = arith.addf %add3A_542, %mul3A_601 : vector<16xf32>
        %get3A_603 = arith.constant 0 : i32
        %get3A_604 = arith.index_cast %get3A_603 : i32 to index
        %get3A_605 = arith.index_cast %scan3A_255 : i32 to index
        %get3A_606 = arith.constant 368 : index
        %get3A_607 = tpu.vector_load %arg8[%get3A_604, %get3A_605, %get3A_606] {strides = array<i32>} : memref<3x32x512xf32, #tpu.memory_space<vmem>>, vector<1x1x16xf32>,
        %get3A_608 = vector.shape_cast %get3A_607 : vector<1x1x16xf32> to vector<16xf32>
        %get3A_609 = arith.constant 0 : i32
        %get3A_610 = arith.index_cast %get3A_609 : i32 to index
        %get3A_611 = arith.index_cast %scan3A_255 : i32 to index
        %get3A_612 = arith.constant 368 : index
        %get3A_613 = tpu.vector_load %arg7[%get3A_610, %get3A_611, %get3A_612] {strides = array<i32>} : memref<3x32x512xf32, #tpu.memory_space<vmem>>, vector<1x1x16xf32>,
        %get3A_614 = vector.shape_cast %get3A_613 : vector<1x1x16xf32> to vector<16xf32>
        %sub3A_615 = arith.subf %get3A_608, %get3A_614 : vector<16xf32>
        %mul3A_616 = arith.mulf %sub3A_615, %sub3A_615 : vector<16xf32>
        %add3A_617 = arith.addf %add3A_557, %mul3A_616 : vector<16xf32>
        %get3A_618 = arith.constant 0 : i32
        %get3A_619 = arith.index_cast %get3A_618 : i32 to index
        %get3A_620 = arith.index_cast %scan3A_255 : i32 to index
        %get3A_621 = arith.constant 384 : index
        %get3A_622 = tpu.vector_load %arg8[%get3A_619, %get3A_620, %get3A_621] {strides = array<i32>} : memref<3x32x512xf32, #tpu.memory_space<vmem>>, vector<1x1x16xf32>,
        %get3A_623 = vector.shape_cast %get3A_622 : vector<1x1x16xf32> to vector<16xf32>
        %get3A_624 = arith.constant 0 : i32
        %get3A_625 = arith.index_cast %get3A_624 : i32 to index
        %get3A_626 = arith.index_cast %scan3A_255 : i32 to index
        %get3A_627 = arith.constant 384 : index
        %get3A_628 = tpu.vector_load %arg7[%get3A_625, %get3A_626, %get3A_627] {strides = array<i32>} : memref<3x32x512xf32, #tpu.memory_space<vmem>>, vector<1x1x16xf32>,
        %get3A_629 = vector.shape_cast %get3A_628 : vector<1x1x16xf32> to vector<16xf32>
        %sub3A_630 = arith.subf %get3A_623, %get3A_629 : vector<16xf32>
        %mul3A_631 = arith.mulf %sub3A_630, %sub3A_630 : vector<16xf32>
        %add3A_632 = arith.addf %add3A_572, %mul3A_631 : vector<16xf32>
        %get3A_633 = arith.constant 0 : i32
        %get3A_634 = arith.index_cast %get3A_633 : i32 to index
        %get3A_635 = arith.index_cast %scan3A_255 : i32 to index
        %get3A_636 = arith.constant 400 : index
        %get3A_637 = tpu.vector_load %arg8[%get3A_634, %get3A_635, %get3A_636] {strides = array<i32>} : memref<3x32x512xf32, #tpu.memory_space<vmem>>, vector<1x1x16xf32>,
        %get3A_638 = vector.shape_cast %get3A_637 : vector<1x1x16xf32> to vector<16xf32>
        %get3A_639 = arith.constant 0 : i32
        %get3A_640 = arith.index_cast %get3A_639 : i32 to index
        %get3A_641 = arith.index_cast %scan3A_255 : i32 to index
        %get3A_642 = arith.constant 400 : index
        %get3A_643 = tpu.vector_load %arg7[%get3A_640, %get3A_641, %get3A_642] {strides = array<i32>} : memref<3x32x512xf32, #tpu.memory_space<vmem>>, vector<1x1x16xf32>,
        %get3A_644 = vector.shape_cast %get3A_643 : vector<1x1x16xf32> to vector<16xf32>
        %sub3A_645 = arith.subf %get3A_638, %get3A_644 : vector<16xf32>
        %mul3A_646 = arith.mulf %sub3A_645, %sub3A_645 : vector<16xf32>
        %add3A_647 = arith.addf %add3A_587, %mul3A_646 : vector<16xf32>
        %get3A_648 = arith.constant 0 : i32
        %get3A_649 = arith.index_cast %get3A_648 : i32 to index
        %get3A_650 = arith.index_cast %scan3A_255 : i32 to index
        %get3A_651 = arith.constant 416 : index
        %get3A_652 = tpu.vector_load %arg8[%get3A_649, %get3A_650, %get3A_651] {strides = array<i32>} : memref<3x32x512xf32, #tpu.memory_space<vmem>>, vector<1x1x16xf32>,
        %get3A_653 = vector.shape_cast %get3A_652 : vector<1x1x16xf32> to vector<16xf32>
        %get3A_654 = arith.constant 0 : i32
        %get3A_655 = arith.index_cast %get3A_654 : i32 to index
        %get3A_656 = arith.index_cast %scan3A_255 : i32 to index
        %get3A_657 = arith.constant 416 : index
        %get3A_658 = tpu.vector_load %arg7[%get3A_655, %get3A_656, %get3A_657] {strides = array<i32>} : memref<3x32x512xf32, #tpu.memory_space<vmem>>, vector<1x1x16xf32>,
        %get3A_659 = vector.shape_cast %get3A_658 : vector<1x1x16xf32> to vector<16xf32>
        %sub3A_660 = arith.subf %get3A_653, %get3A_659 : vector<16xf32>
        %mul3A_661 = arith.mulf %sub3A_660, %sub3A_660 : vector<16xf32>
        %add3A_662 = arith.addf %add3A_602, %mul3A_661 : vector<16xf32>
        %get3A_663 = arith.constant 0 : i32
        %get3A_664 = arith.index_cast %get3A_663 : i32 to index
        %get3A_665 = arith.index_cast %scan3A_255 : i32 to index
        %get3A_666 = arith.constant 432 : index
        %get3A_667 = tpu.vector_load %arg8[%get3A_664, %get3A_665, %get3A_666] {strides = array<i32>} : memref<3x32x512xf32, #tpu.memory_space<vmem>>, vector<1x1x16xf32>,
        %get3A_668 = vector.shape_cast %get3A_667 : vector<1x1x16xf32> to vector<16xf32>
        %get3A_669 = arith.constant 0 : i32
        %get3A_670 = arith.index_cast %get3A_669 : i32 to index
        %get3A_671 = arith.index_cast %scan3A_255 : i32 to index
        %get3A_672 = arith.constant 432 : index
        %get3A_673 = tpu.vector_load %arg7[%get3A_670, %get3A_671, %get3A_672] {strides = array<i32>} : memref<3x32x512xf32, #tpu.memory_space<vmem>>, vector<1x1x16xf32>,
        %get3A_674 = vector.shape_cast %get3A_673 : vector<1x1x16xf32> to vector<16xf32>
        %sub3A_675 = arith.subf %get3A_668, %get3A_674 : vector<16xf32>
        %mul3A_676 = arith.mulf %sub3A_675, %sub3A_675 : vector<16xf32>
        %add3A_677 = arith.addf %add3A_617, %mul3A_676 : vector<16xf32>
        %get3A_678 = arith.constant 0 : i32
        %get3A_679 = arith.index_cast %get3A_678 : i32 to index
        %get3A_680 = arith.index_cast %scan3A_255 : i32 to index
        %get3A_681 = arith.constant 448 : index
        %get3A_682 = tpu.vector_load %arg8[%get3A_679, %get3A_680, %get3A_681] {strides = array<i32>} : memref<3x32x512xf32, #tpu.memory_space<vmem>>, vector<1x1x16xf32>,
        %get3A_683 = vector.shape_cast %get3A_682 : vector<1x1x16xf32> to vector<16xf32>
        %get3A_684 = arith.constant 0 : i32
        %get3A_685 = arith.index_cast %get3A_684 : i32 to index
        %get3A_686 = arith.index_cast %scan3A_255 : i32 to index
        %get3A_687 = arith.constant 448 : index
        %get3A_688 = tpu.vector_load %arg7[%get3A_685, %get3A_686, %get3A_687] {strides = array<i32>} : memref<3x32x512xf32, #tpu.memory_space<vmem>>, vector<1x1x16xf32>,
        %get3A_689 = vector.shape_cast %get3A_688 : vector<1x1x16xf32> to vector<16xf32>
        %sub3A_690 = arith.subf %get3A_683, %get3A_689 : vector<16xf32>
        %mul3A_691 = arith.mulf %sub3A_690, %sub3A_690 : vector<16xf32>
        %add3A_692 = arith.addf %add3A_632, %mul3A_691 : vector<16xf32>
        %get3A_693 = arith.constant 0 : i32
        %get3A_694 = arith.index_cast %get3A_693 : i32 to index
        %get3A_695 = arith.index_cast %scan3A_255 : i32 to index
        %get3A_696 = arith.constant 464 : index
        %get3A_697 = tpu.vector_load %arg8[%get3A_694, %get3A_695, %get3A_696] {strides = array<i32>} : memref<3x32x512xf32, #tpu.memory_space<vmem>>, vector<1x1x16xf32>,
        %get3A_698 = vector.shape_cast %get3A_697 : vector<1x1x16xf32> to vector<16xf32>
        %get3A_699 = arith.constant 0 : i32
        %get3A_700 = arith.index_cast %get3A_699 : i32 to index
        %get3A_701 = arith.index_cast %scan3A_255 : i32 to index
        %get3A_702 = arith.constant 464 : index
        %get3A_703 = tpu.vector_load %arg7[%get3A_700, %get3A_701, %get3A_702] {strides = array<i32>} : memref<3x32x512xf32, #tpu.memory_space<vmem>>, vector<1x1x16xf32>,
        %get3A_704 = vector.shape_cast %get3A_703 : vector<1x1x16xf32> to vector<16xf32>
        %sub3A_705 = arith.subf %get3A_698, %get3A_704 : vector<16xf32>
        %mul3A_706 = arith.mulf %sub3A_705, %sub3A_705 : vector<16xf32>
        %add3A_707 = arith.addf %add3A_647, %mul3A_706 : vector<16xf32>
        %get3A_708 = arith.constant 0 : i32
        %get3A_709 = arith.index_cast %get3A_708 : i32 to index
        %get3A_710 = arith.index_cast %scan3A_255 : i32 to index
        %get3A_711 = arith.constant 480 : index
        %get3A_712 = tpu.vector_load %arg8[%get3A_709, %get3A_710, %get3A_711] {strides = array<i32>} : memref<3x32x512xf32, #tpu.memory_space<vmem>>, vector<1x1x16xf32>,
        %get3A_713 = vector.shape_cast %get3A_712 : vector<1x1x16xf32> to vector<16xf32>
        %get3A_714 = arith.constant 0 : i32
        %get3A_715 = arith.index_cast %get3A_714 : i32 to index
        %get3A_716 = arith.index_cast %scan3A_255 : i32 to index
        %get3A_717 = arith.constant 480 : index
        %get3A_718 = tpu.vector_load %arg7[%get3A_715, %get3A_716, %get3A_717] {strides = array<i32>} : memref<3x32x512xf32, #tpu.memory_space<vmem>>, vector<1x1x16xf32>,
        %get3A_719 = vector.shape_cast %get3A_718 : vector<1x1x16xf32> to vector<16xf32>
        %sub3A_720 = arith.subf %get3A_713, %get3A_719 : vector<16xf32>
        %mul3A_721 = arith.mulf %sub3A_720, %sub3A_720 : vector<16xf32>
        %add3A_722 = arith.addf %add3A_662, %mul3A_721 : vector<16xf32>
        %get3A_723 = arith.constant 0 : i32
        %get3A_724 = arith.index_cast %get3A_723 : i32 to index
        %get3A_725 = arith.index_cast %scan3A_255 : i32 to index
        %get3A_726 = arith.constant 496 : index
        %get3A_727 = tpu.vector_load %arg8[%get3A_724, %get3A_725, %get3A_726] {strides = array<i32>} : memref<3x32x512xf32, #tpu.memory_space<vmem>>, vector<1x1x16xf32>,
        %get3A_728 = vector.shape_cast %get3A_727 : vector<1x1x16xf32> to vector<16xf32>
        %get3A_729 = arith.constant 0 : i32
        %get3A_730 = arith.index_cast %get3A_729 : i32 to index
        %get3A_731 = arith.index_cast %scan3A_255 : i32 to index
        %get3A_732 = arith.constant 496 : index
        %get3A_733 = tpu.vector_load %arg7[%get3A_730, %get3A_731, %get3A_732] {strides = array<i32>} : memref<3x32x512xf32, #tpu.memory_space<vmem>>, vector<1x1x16xf32>,
        %get3A_734 = vector.shape_cast %get3A_733 : vector<1x1x16xf32> to vector<16xf32>
        %sub3A_735 = arith.subf %get3A_728, %get3A_734 : vector<16xf32>
        %mul3A_736 = arith.mulf %sub3A_735, %sub3A_735 : vector<16xf32>
        %add3A_737 = arith.addf %add3A_677, %mul3A_736 : vector<16xf32>
        scf.yield %add3A_692, %add3A_707, %add3A_722, %add3A_737 : vector<16xf32>, vector<16xf32>, vector<16xf32>, vector<16xf32>
      }
      %scan3A_160 = arith.constant 32 : i32
      %add3A_161 = arith.constant 0 : i32
      %add3A_162 = arith.addi %mul3A_125, %add3A_161 : i32
      %add3A_163 = arith.constant 3 : i32
      %add3A_164 = arith.addi %add3A_162, %add3A_163 : i32
      %lt3A = arith.constant 16 : i32
      %lt3A_165 = arith.cmpi slt, %add3A_164, %lt3A : i32
      %convert_element_type3A = arith.extui %lt3A_165 : i1 to i32
      %cond3A = arith.constant 0 : i32
      %cond3A_166 = arith.cmpi ne, %convert_element_type3A, %cond3A : i32
      scf.if %cond3A_166 {
        %mul3A_255 = arith.constant 32 : i32
        %mul3A_256 = arith.muli %add3A_164, %mul3A_255 : i32
        %add3A_257 = arith.addi %mul3A_2, %mul3A_256 : i32
        %mul3A_258 = arith.constant 32 : i32
        %mul3A_259 = arith.muli %add3A_164, %mul3A_258 : i32
        %dma_start3A_260 = arith.constant 0 : i32
        %dma_start3A_261 = arith.constant 0 : i32
        %dma_start3A_262 = arith.constant 0 : i32
        %dma_start3A_263 = tpu.memref_slice %arg7[%dma_start3A_260, %dma_start3A_261, %dma_start3A_262] : memref<3x32x512xf32, #tpu.memory_space<vmem>> -> memref<1x32x512xf32, #tpu.memory_space<vmem>>
        %dma_start3A_264 = tpu.memref_squeeze %dma_start3A_263 : memref<1x32x512xf32, #tpu.memory_space<vmem>> -> memref<32x512xf32, #tpu.memory_space<vmem>>
        %dma_start3A_265 = tpu.memref_slice %arg6[%mul3A_259] : memref<512xi32, #tpu.memory_space<vmem>> -> memref<32xi32, #tpu.memory_space<vmem>>
        %dma_start3A_266 = arith.constant 0 : i32
        %dma_start3A_267 = arith.constant 0 : i32
        %dma_start3A_268 = tpu.memref_slice %arg4[%dma_start3A_266, %dma_start3A_267] : memref<100000x512xf32, #tpu.memory_space<hbm>> -> memref<100000x512xf32, #tpu.memory_space<hbm>>
        tpu.enqueue_indirect_dma source(%dma_start3A_268 : memref<100000x512xf32, #tpu.memory_space<hbm>>) target(%dma_start3A_264 : memref<32x512xf32, #tpu.memory_space<vmem>>) offsets(%dma_start3A_265 : memref<32xi32, #tpu.memory_space<vmem>>) semaphore(%arg10 : memref<!tpu.dma_semaphore, #tpu.memory_space<semaphore_mem>>)
        %dma_start3A_269 = arith.constant 0 : i32
        %dma_start3A_270 = arith.constant 0 : i32
        %dma_start3A_271 = arith.constant 0 : i32
        %dma_start3A_272 = tpu.memref_slice %arg8[%dma_start3A_269, %dma_start3A_270, %dma_start3A_271] : memref<3x32x512xf32, #tpu.memory_space<vmem>> -> memref<1x32x512xf32, #tpu.memory_space<vmem>>
        %dma_start3A_273 = tpu.memref_squeeze %dma_start3A_272 : memref<1x32x512xf32, #tpu.memory_space<vmem>> -> memref<32x512xf32, #tpu.memory_space<vmem>>
        %dma_start3A_274 = arith.constant 0 : i32
        %dma_start3A_275 = tpu.memref_slice %arg2[%add3A_257, %dma_start3A_274] : memref<16384x512xf32, #tpu.memory_space<hbm>> -> memref<32x512xf32, #tpu.memory_space<hbm>>
        %dma_start3A_276 = arith.constant 0 : i32
        %dma_start3A_277 = arith.constant 0 : i32
        %dma_start3A_278 = tpu.memref_slice %arg8[%dma_start3A_269, %dma_start3A_276, %dma_start3A_277] : memref<3x32x512xf32, #tpu.memory_space<vmem>> -> memref<1x32x512xf32, #tpu.memory_space<vmem>>
        %dma_start3A_279 = tpu.memref_squeeze %dma_start3A_278 : memref<1x32x512xf32, #tpu.memory_space<vmem>> -> memref<32x512xf32, #tpu.memory_space<vmem>>
        %dma_start3A_280 = arith.constant 0 : i32
        %dma_start3A_281 = tpu.memref_slice %arg2[%add3A_257, %dma_start3A_280] : memref<16384x512xf32, #tpu.memory_space<hbm>> -> memref<32x512xf32, #tpu.memory_space<hbm>>
        tpu.enqueue_dma source(%dma_start3A_281 : memref<32x512xf32, #tpu.memory_space<hbm>>) target(%dma_start3A_279 : memref<32x512xf32, #tpu.memory_space<vmem>>) target_semaphore(%arg13 : memref<!tpu.dma_semaphore, #tpu.memory_space<semaphore_mem>>)
      } else {
      }
      %add3A_167 = arith.constant 1 : i32
      %add3A_168 = arith.addi %mul3A_125, %add3A_167 : i32
      %mul3A_169 = arith.constant 32 : i32
      %mul3A_170 = arith.muli %add3A_168, %mul3A_169 : i32
      %add3A_171 = arith.addi %mul3A_2, %mul3A_170 : i32
      %mul3A_172 = arith.constant 32 : i32
      %mul3A_173 = arith.muli %add3A_168, %mul3A_172 : i32
      %dma_wait3A_174 = arith.constant 1 : i32
      %dma_wait3A_175 = arith.constant 0 : i32
      %dma_wait3A_176 = arith.constant 0 : i32
      %dma_wait3A_177 = tpu.memref_slice %arg7[%dma_wait3A_174, %dma_wait3A_175, %dma_wait3A_176] : memref<3x32x512xf32, #tpu.memory_space<vmem>> -> memref<1x32x512xf32, #tpu.memory_space<vmem>>
      %dma_wait3A_178 = tpu.memref_squeeze %dma_wait3A_177 : memref<1x32x512xf32, #tpu.memory_space<vmem>> -> memref<32x512xf32, #tpu.memory_space<vmem>>
      %dma_wait3A_179 = tpu.memref_slice %arg6[%mul3A_173] : memref<512xi32, #tpu.memory_space<vmem>> -> memref<32xi32, #tpu.memory_space<vmem>>
      %dma_wait3A_180 = arith.constant 0 : i32
      %dma_wait3A_181 = arith.constant 0 : i32
      %dma_wait3A_182 = tpu.memref_slice %arg4[%dma_wait3A_180, %dma_wait3A_181] : memref<100000x512xf32, #tpu.memory_space<hbm>> -> memref<100000x512xf32, #tpu.memory_space<hbm>>
      tpu.wait_indirect_dma semaphore(%arg11 : memref<!tpu.dma_semaphore, #tpu.memory_space<semaphore_mem>>) src(%dma_wait3A_182 : memref<100000x512xf32, #tpu.memory_space<hbm>>) dst(%dma_wait3A_178 : memref<32x512xf32, #tpu.memory_space<vmem>>)
      %dma_wait3A_183 = arith.constant 1 : i32
      %dma_wait3A_184 = arith.constant 0 : i32
      %dma_wait3A_185 = arith.constant 0 : i32
      %dma_wait3A_186 = tpu.memref_slice %arg8[%dma_wait3A_183, %dma_wait3A_184, %dma_wait3A_185] : memref<3x32x512xf32, #tpu.memory_space<vmem>> -> memref<1x32x512xf32, #tpu.memory_space<vmem>>
      %dma_wait3A_187 = tpu.memref_squeeze %dma_wait3A_186 : memref<1x32x512xf32, #tpu.memory_space<vmem>> -> memref<32x512xf32, #tpu.memory_space<vmem>>
      %dma_wait3A_188 = arith.constant 0 : i32
      %dma_wait3A_189 = tpu.memref_slice %arg2[%add3A_171, %dma_wait3A_188] : memref<16384x512xf32, #tpu.memory_space<hbm>> -> memref<32x512xf32, #tpu.memory_space<hbm>>
      %dma_wait3A_190 = arith.constant 0 : i32
      %dma_wait3A_191 = arith.constant 0 : i32
      %dma_wait3A_192 = tpu.memref_slice %arg8[%dma_wait3A_183, %dma_wait3A_190, %dma_wait3A_191] : memref<3x32x512xf32, #tpu.memory_space<vmem>> -> memref<1x32x512xf32, #tpu.memory_space<vmem>>
      %dma_wait3A_193 = tpu.memref_squeeze %dma_wait3A_192 : memref<1x32x512xf32, #tpu.memory_space<vmem>> -> memref<32x512xf32, #tpu.memory_space<vmem>>
      %dma_wait3A_194 = arith.constant 0 : i32
      %dma_wait3A_195 = tpu.memref_slice %arg2[%add3A_171, %dma_wait3A_194] : memref<16384x512xf32, #tpu.memory_space<hbm>> -> memref<32x512xf32, #tpu.memory_space<hbm>>
      tpu.wait_dma2 semaphore(%arg14 : memref<!tpu.dma_semaphore, #tpu.memory_space<semaphore_mem>>) src(%dma_wait3A_195 : memref<32x512xf32, #tpu.memory_space<hbm>>) dst(%dma_wait3A_193 : memref<32x512xf32, #tpu.memory_space<vmem>>)
      %scan3A_196 = arith.constant 0 : i32
      %scan3A_197 = arith.constant 32 : i32
      %scan3A_198 = arith.addi %scan3A_196, %scan3A_197 : i32
      %scan3A_199 = arith.constant 1 : i32
      %scan3A_200:4 = scf.for %scan3A_255 = %scan3A_196 to %scan3A_198 step %scan3A_199 iter_args(%scan3A_256 = %scan3A_159#0, %scan3A_257 = %scan3A_159#1, %scan3A_258 = %scan3A_159#2, %scan3A_259 = %scan3A_159#3) -> (vector<16xf32>, vector<16xf32>, vector<16xf32>, vector<16xf32>)  : i32 {
        %get3A = arith.constant 1 : i32
        %get3A_260 = arith.index_cast %get3A : i32 to index
        %get3A_261 = arith.index_cast %scan3A_255 : i32 to index
        %get3A_262 = arith.constant 0 : index
        %get3A_263 = tpu.vector_load %arg8[%get3A_260, %get3A_261, %get3A_262] {strides = array<i32>} : memref<3x32x512xf32, #tpu.memory_space<vmem>>, vector<1x1x16xf32>,
        %get3A_264 = vector.shape_cast %get3A_263 : vector<1x1x16xf32> to vector<16xf32>
        %get3A_265 = arith.constant 1 : i32
        %get3A_266 = arith.index_cast %get3A_265 : i32 to index
        %get3A_267 = arith.index_cast %scan3A_255 : i32 to index
        %get3A_268 = arith.constant 0 : index
        %get3A_269 = tpu.vector_load %arg7[%get3A_266, %get3A_267, %get3A_268] {strides = array<i32>} : memref<3x32x512xf32, #tpu.memory_space<vmem>>, vector<1x1x16xf32>,
        %get3A_270 = vector.shape_cast %get3A_269 : vector<1x1x16xf32> to vector<16xf32>
        %sub3A = arith.subf %get3A_264, %get3A_270 : vector<16xf32>
        %mul3A_271 = arith.mulf %sub3A, %sub3A : vector<16xf32>
        %add3A_272 = arith.addf %scan3A_256, %mul3A_271 : vector<16xf32>
        %get3A_273 = arith.constant 1 : i32
        %get3A_274 = arith.index_cast %get3A_273 : i32 to index
        %get3A_275 = arith.index_cast %scan3A_255 : i32 to index
        %get3A_276 = arith.constant 16 : index
        %get3A_277 = tpu.vector_load %arg8[%get3A_274, %get3A_275, %get3A_276] {strides = array<i32>} : memref<3x32x512xf32, #tpu.memory_space<vmem>>, vector<1x1x16xf32>,
        %get3A_278 = vector.shape_cast %get3A_277 : vector<1x1x16xf32> to vector<16xf32>
        %get3A_279 = arith.constant 1 : i32
        %get3A_280 = arith.index_cast %get3A_279 : i32 to index
        %get3A_281 = arith.index_cast %scan3A_255 : i32 to index
        %get3A_282 = arith.constant 16 : index
        %get3A_283 = tpu.vector_load %arg7[%get3A_280, %get3A_281, %get3A_282] {strides = array<i32>} : memref<3x32x512xf32, #tpu.memory_space<vmem>>, vector<1x1x16xf32>,
        %get3A_284 = vector.shape_cast %get3A_283 : vector<1x1x16xf32> to vector<16xf32>
        %sub3A_285 = arith.subf %get3A_278, %get3A_284 : vector<16xf32>
        %mul3A_286 = arith.mulf %sub3A_285, %sub3A_285 : vector<16xf32>
        %add3A_287 = arith.addf %scan3A_257, %mul3A_286 : vector<16xf32>
        %get3A_288 = arith.constant 1 : i32
        %get3A_289 = arith.index_cast %get3A_288 : i32 to index
        %get3A_290 = arith.index_cast %scan3A_255 : i32 to index
        %get3A_291 = arith.constant 32 : index
        %get3A_292 = tpu.vector_load %arg8[%get3A_289, %get3A_290, %get3A_291] {strides = array<i32>} : memref<3x32x512xf32, #tpu.memory_space<vmem>>, vector<1x1x16xf32>,
        %get3A_293 = vector.shape_cast %get3A_292 : vector<1x1x16xf32> to vector<16xf32>
        %get3A_294 = arith.constant 1 : i32
        %get3A_295 = arith.index_cast %get3A_294 : i32 to index
        %get3A_296 = arith.index_cast %scan3A_255 : i32 to index
        %get3A_297 = arith.constant 32 : index
        %get3A_298 = tpu.vector_load %arg7[%get3A_295, %get3A_296, %get3A_297] {strides = array<i32>} : memref<3x32x512xf32, #tpu.memory_space<vmem>>, vector<1x1x16xf32>,
        %get3A_299 = vector.shape_cast %get3A_298 : vector<1x1x16xf32> to vector<16xf32>
        %sub3A_300 = arith.subf %get3A_293, %get3A_299 : vector<16xf32>
        %mul3A_301 = arith.mulf %sub3A_300, %sub3A_300 : vector<16xf32>
        %add3A_302 = arith.addf %scan3A_258, %mul3A_301 : vector<16xf32>
        %get3A_303 = arith.constant 1 : i32
        %get3A_304 = arith.index_cast %get3A_303 : i32 to index
        %get3A_305 = arith.index_cast %scan3A_255 : i32 to index
        %get3A_306 = arith.constant 48 : index
        %get3A_307 = tpu.vector_load %arg8[%get3A_304, %get3A_305, %get3A_306] {strides = array<i32>} : memref<3x32x512xf32, #tpu.memory_space<vmem>>, vector<1x1x16xf32>,
        %get3A_308 = vector.shape_cast %get3A_307 : vector<1x1x16xf32> to vector<16xf32>
        %get3A_309 = arith.constant 1 : i32
        %get3A_310 = arith.index_cast %get3A_309 : i32 to index
        %get3A_311 = arith.index_cast %scan3A_255 : i32 to index
        %get3A_312 = arith.constant 48 : index
        %get3A_313 = tpu.vector_load %arg7[%get3A_310, %get3A_311, %get3A_312] {strides = array<i32>} : memref<3x32x512xf32, #tpu.memory_space<vmem>>, vector<1x1x16xf32>,
        %get3A_314 = vector.shape_cast %get3A_313 : vector<1x1x16xf32> to vector<16xf32>
        %sub3A_315 = arith.subf %get3A_308, %get3A_314 : vector<16xf32>
        %mul3A_316 = arith.mulf %sub3A_315, %sub3A_315 : vector<16xf32>
        %add3A_317 = arith.addf %scan3A_259, %mul3A_316 : vector<16xf32>
        %get3A_318 = arith.constant 1 : i32
        %get3A_319 = arith.index_cast %get3A_318 : i32 to index
        %get3A_320 = arith.index_cast %scan3A_255 : i32 to index
        %get3A_321 = arith.constant 64 : index
        %get3A_322 = tpu.vector_load %arg8[%get3A_319, %get3A_320, %get3A_321] {strides = array<i32>} : memref<3x32x512xf32, #tpu.memory_space<vmem>>, vector<1x1x16xf32>,
        %get3A_323 = vector.shape_cast %get3A_322 : vector<1x1x16xf32> to vector<16xf32>
        %get3A_324 = arith.constant 1 : i32
        %get3A_325 = arith.index_cast %get3A_324 : i32 to index
        %get3A_326 = arith.index_cast %scan3A_255 : i32 to index
        %get3A_327 = arith.constant 64 : index
        %get3A_328 = tpu.vector_load %arg7[%get3A_325, %get3A_326, %get3A_327] {strides = array<i32>} : memref<3x32x512xf32, #tpu.memory_space<vmem>>, vector<1x1x16xf32>,
        %get3A_329 = vector.shape_cast %get3A_328 : vector<1x1x16xf32> to vector<16xf32>
        %sub3A_330 = arith.subf %get3A_323, %get3A_329 : vector<16xf32>
        %mul3A_331 = arith.mulf %sub3A_330, %sub3A_330 : vector<16xf32>
        %add3A_332 = arith.addf %add3A_272, %mul3A_331 : vector<16xf32>
        %get3A_333 = arith.constant 1 : i32
        %get3A_334 = arith.index_cast %get3A_333 : i32 to index
        %get3A_335 = arith.index_cast %scan3A_255 : i32 to index
        %get3A_336 = arith.constant 80 : index
        %get3A_337 = tpu.vector_load %arg8[%get3A_334, %get3A_335, %get3A_336] {strides = array<i32>} : memref<3x32x512xf32, #tpu.memory_space<vmem>>, vector<1x1x16xf32>,
        %get3A_338 = vector.shape_cast %get3A_337 : vector<1x1x16xf32> to vector<16xf32>
        %get3A_339 = arith.constant 1 : i32
        %get3A_340 = arith.index_cast %get3A_339 : i32 to index
        %get3A_341 = arith.index_cast %scan3A_255 : i32 to index
        %get3A_342 = arith.constant 80 : index
        %get3A_343 = tpu.vector_load %arg7[%get3A_340, %get3A_341, %get3A_342] {strides = array<i32>} : memref<3x32x512xf32, #tpu.memory_space<vmem>>, vector<1x1x16xf32>,
        %get3A_344 = vector.shape_cast %get3A_343 : vector<1x1x16xf32> to vector<16xf32>
        %sub3A_345 = arith.subf %get3A_338, %get3A_344 : vector<16xf32>
        %mul3A_346 = arith.mulf %sub3A_345, %sub3A_345 : vector<16xf32>
        %add3A_347 = arith.addf %add3A_287, %mul3A_346 : vector<16xf32>
        %get3A_348 = arith.constant 1 : i32
        %get3A_349 = arith.index_cast %get3A_348 : i32 to index
        %get3A_350 = arith.index_cast %scan3A_255 : i32 to index
        %get3A_351 = arith.constant 96 : index
        %get3A_352 = tpu.vector_load %arg8[%get3A_349, %get3A_350, %get3A_351] {strides = array<i32>} : memref<3x32x512xf32, #tpu.memory_space<vmem>>, vector<1x1x16xf32>,
        %get3A_353 = vector.shape_cast %get3A_352 : vector<1x1x16xf32> to vector<16xf32>
        %get3A_354 = arith.constant 1 : i32
        %get3A_355 = arith.index_cast %get3A_354 : i32 to index
        %get3A_356 = arith.index_cast %scan3A_255 : i32 to index
        %get3A_357 = arith.constant 96 : index
        %get3A_358 = tpu.vector_load %arg7[%get3A_355, %get3A_356, %get3A_357] {strides = array<i32>} : memref<3x32x512xf32, #tpu.memory_space<vmem>>, vector<1x1x16xf32>,
        %get3A_359 = vector.shape_cast %get3A_358 : vector<1x1x16xf32> to vector<16xf32>
        %sub3A_360 = arith.subf %get3A_353, %get3A_359 : vector<16xf32>
        %mul3A_361 = arith.mulf %sub3A_360, %sub3A_360 : vector<16xf32>
        %add3A_362 = arith.addf %add3A_302, %mul3A_361 : vector<16xf32>
        %get3A_363 = arith.constant 1 : i32
        %get3A_364 = arith.index_cast %get3A_363 : i32 to index
        %get3A_365 = arith.index_cast %scan3A_255 : i32 to index
        %get3A_366 = arith.constant 112 : index
        %get3A_367 = tpu.vector_load %arg8[%get3A_364, %get3A_365, %get3A_366] {strides = array<i32>} : memref<3x32x512xf32, #tpu.memory_space<vmem>>, vector<1x1x16xf32>,
        %get3A_368 = vector.shape_cast %get3A_367 : vector<1x1x16xf32> to vector<16xf32>
        %get3A_369 = arith.constant 1 : i32
        %get3A_370 = arith.index_cast %get3A_369 : i32 to index
        %get3A_371 = arith.index_cast %scan3A_255 : i32 to index
        %get3A_372 = arith.constant 112 : index
        %get3A_373 = tpu.vector_load %arg7[%get3A_370, %get3A_371, %get3A_372] {strides = array<i32>} : memref<3x32x512xf32, #tpu.memory_space<vmem>>, vector<1x1x16xf32>,
        %get3A_374 = vector.shape_cast %get3A_373 : vector<1x1x16xf32> to vector<16xf32>
        %sub3A_375 = arith.subf %get3A_368, %get3A_374 : vector<16xf32>
        %mul3A_376 = arith.mulf %sub3A_375, %sub3A_375 : vector<16xf32>
        %add3A_377 = arith.addf %add3A_317, %mul3A_376 : vector<16xf32>
        %get3A_378 = arith.constant 1 : i32
        %get3A_379 = arith.index_cast %get3A_378 : i32 to index
        %get3A_380 = arith.index_cast %scan3A_255 : i32 to index
        %get3A_381 = arith.constant 128 : index
        %get3A_382 = tpu.vector_load %arg8[%get3A_379, %get3A_380, %get3A_381] {strides = array<i32>} : memref<3x32x512xf32, #tpu.memory_space<vmem>>, vector<1x1x16xf32>,
        %get3A_383 = vector.shape_cast %get3A_382 : vector<1x1x16xf32> to vector<16xf32>
        %get3A_384 = arith.constant 1 : i32
        %get3A_385 = arith.index_cast %get3A_384 : i32 to index
        %get3A_386 = arith.index_cast %scan3A_255 : i32 to index
        %get3A_387 = arith.constant 128 : index
        %get3A_388 = tpu.vector_load %arg7[%get3A_385, %get3A_386, %get3A_387] {strides = array<i32>} : memref<3x32x512xf32, #tpu.memory_space<vmem>>, vector<1x1x16xf32>,
        %get3A_389 = vector.shape_cast %get3A_388 : vector<1x1x16xf32> to vector<16xf32>
        %sub3A_390 = arith.subf %get3A_383, %get3A_389 : vector<16xf32>
        %mul3A_391 = arith.mulf %sub3A_390, %sub3A_390 : vector<16xf32>
        %add3A_392 = arith.addf %add3A_332, %mul3A_391 : vector<16xf32>
        %get3A_393 = arith.constant 1 : i32
        %get3A_394 = arith.index_cast %get3A_393 : i32 to index
        %get3A_395 = arith.index_cast %scan3A_255 : i32 to index
        %get3A_396 = arith.constant 144 : index
        %get3A_397 = tpu.vector_load %arg8[%get3A_394, %get3A_395, %get3A_396] {strides = array<i32>} : memref<3x32x512xf32, #tpu.memory_space<vmem>>, vector<1x1x16xf32>,
        %get3A_398 = vector.shape_cast %get3A_397 : vector<1x1x16xf32> to vector<16xf32>
        %get3A_399 = arith.constant 1 : i32
        %get3A_400 = arith.index_cast %get3A_399 : i32 to index
        %get3A_401 = arith.index_cast %scan3A_255 : i32 to index
        %get3A_402 = arith.constant 144 : index
        %get3A_403 = tpu.vector_load %arg7[%get3A_400, %get3A_401, %get3A_402] {strides = array<i32>} : memref<3x32x512xf32, #tpu.memory_space<vmem>>, vector<1x1x16xf32>,
        %get3A_404 = vector.shape_cast %get3A_403 : vector<1x1x16xf32> to vector<16xf32>
        %sub3A_405 = arith.subf %get3A_398, %get3A_404 : vector<16xf32>
        %mul3A_406 = arith.mulf %sub3A_405, %sub3A_405 : vector<16xf32>
        %add3A_407 = arith.addf %add3A_347, %mul3A_406 : vector<16xf32>
        %get3A_408 = arith.constant 1 : i32
        %get3A_409 = arith.index_cast %get3A_408 : i32 to index
        %get3A_410 = arith.index_cast %scan3A_255 : i32 to index
        %get3A_411 = arith.constant 160 : index
        %get3A_412 = tpu.vector_load %arg8[%get3A_409, %get3A_410, %get3A_411] {strides = array<i32>} : memref<3x32x512xf32, #tpu.memory_space<vmem>>, vector<1x1x16xf32>,
        %get3A_413 = vector.shape_cast %get3A_412 : vector<1x1x16xf32> to vector<16xf32>
        %get3A_414 = arith.constant 1 : i32
        %get3A_415 = arith.index_cast %get3A_414 : i32 to index
        %get3A_416 = arith.index_cast %scan3A_255 : i32 to index
        %get3A_417 = arith.constant 160 : index
        %get3A_418 = tpu.vector_load %arg7[%get3A_415, %get3A_416, %get3A_417] {strides = array<i32>} : memref<3x32x512xf32, #tpu.memory_space<vmem>>, vector<1x1x16xf32>,
        %get3A_419 = vector.shape_cast %get3A_418 : vector<1x1x16xf32> to vector<16xf32>
        %sub3A_420 = arith.subf %get3A_413, %get3A_419 : vector<16xf32>
        %mul3A_421 = arith.mulf %sub3A_420, %sub3A_420 : vector<16xf32>
        %add3A_422 = arith.addf %add3A_362, %mul3A_421 : vector<16xf32>
        %get3A_423 = arith.constant 1 : i32
        %get3A_424 = arith.index_cast %get3A_423 : i32 to index
        %get3A_425 = arith.index_cast %scan3A_255 : i32 to index
        %get3A_426 = arith.constant 176 : index
        %get3A_427 = tpu.vector_load %arg8[%get3A_424, %get3A_425, %get3A_426] {strides = array<i32>} : memref<3x32x512xf32, #tpu.memory_space<vmem>>, vector<1x1x16xf32>,
        %get3A_428 = vector.shape_cast %get3A_427 : vector<1x1x16xf32> to vector<16xf32>
        %get3A_429 = arith.constant 1 : i32
        %get3A_430 = arith.index_cast %get3A_429 : i32 to index
        %get3A_431 = arith.index_cast %scan3A_255 : i32 to index
        %get3A_432 = arith.constant 176 : index
        %get3A_433 = tpu.vector_load %arg7[%get3A_430, %get3A_431, %get3A_432] {strides = array<i32>} : memref<3x32x512xf32, #tpu.memory_space<vmem>>, vector<1x1x16xf32>,
        %get3A_434 = vector.shape_cast %get3A_433 : vector<1x1x16xf32> to vector<16xf32>
        %sub3A_435 = arith.subf %get3A_428, %get3A_434 : vector<16xf32>
        %mul3A_436 = arith.mulf %sub3A_435, %sub3A_435 : vector<16xf32>
        %add3A_437 = arith.addf %add3A_377, %mul3A_436 : vector<16xf32>
        %get3A_438 = arith.constant 1 : i32
        %get3A_439 = arith.index_cast %get3A_438 : i32 to index
        %get3A_440 = arith.index_cast %scan3A_255 : i32 to index
        %get3A_441 = arith.constant 192 : index
        %get3A_442 = tpu.vector_load %arg8[%get3A_439, %get3A_440, %get3A_441] {strides = array<i32>} : memref<3x32x512xf32, #tpu.memory_space<vmem>>, vector<1x1x16xf32>,
        %get3A_443 = vector.shape_cast %get3A_442 : vector<1x1x16xf32> to vector<16xf32>
        %get3A_444 = arith.constant 1 : i32
        %get3A_445 = arith.index_cast %get3A_444 : i32 to index
        %get3A_446 = arith.index_cast %scan3A_255 : i32 to index
        %get3A_447 = arith.constant 192 : index
        %get3A_448 = tpu.vector_load %arg7[%get3A_445, %get3A_446, %get3A_447] {strides = array<i32>} : memref<3x32x512xf32, #tpu.memory_space<vmem>>, vector<1x1x16xf32>,
        %get3A_449 = vector.shape_cast %get3A_448 : vector<1x1x16xf32> to vector<16xf32>
        %sub3A_450 = arith.subf %get3A_443, %get3A_449 : vector<16xf32>
        %mul3A_451 = arith.mulf %sub3A_450, %sub3A_450 : vector<16xf32>
        %add3A_452 = arith.addf %add3A_392, %mul3A_451 : vector<16xf32>
        %get3A_453 = arith.constant 1 : i32
        %get3A_454 = arith.index_cast %get3A_453 : i32 to index
        %get3A_455 = arith.index_cast %scan3A_255 : i32 to index
        %get3A_456 = arith.constant 208 : index
        %get3A_457 = tpu.vector_load %arg8[%get3A_454, %get3A_455, %get3A_456] {strides = array<i32>} : memref<3x32x512xf32, #tpu.memory_space<vmem>>, vector<1x1x16xf32>,
        %get3A_458 = vector.shape_cast %get3A_457 : vector<1x1x16xf32> to vector<16xf32>
        %get3A_459 = arith.constant 1 : i32
        %get3A_460 = arith.index_cast %get3A_459 : i32 to index
        %get3A_461 = arith.index_cast %scan3A_255 : i32 to index
        %get3A_462 = arith.constant 208 : index
        %get3A_463 = tpu.vector_load %arg7[%get3A_460, %get3A_461, %get3A_462] {strides = array<i32>} : memref<3x32x512xf32, #tpu.memory_space<vmem>>, vector<1x1x16xf32>,
        %get3A_464 = vector.shape_cast %get3A_463 : vector<1x1x16xf32> to vector<16xf32>
        %sub3A_465 = arith.subf %get3A_458, %get3A_464 : vector<16xf32>
        %mul3A_466 = arith.mulf %sub3A_465, %sub3A_465 : vector<16xf32>
        %add3A_467 = arith.addf %add3A_407, %mul3A_466 : vector<16xf32>
        %get3A_468 = arith.constant 1 : i32
        %get3A_469 = arith.index_cast %get3A_468 : i32 to index
        %get3A_470 = arith.index_cast %scan3A_255 : i32 to index
        %get3A_471 = arith.constant 224 : index
        %get3A_472 = tpu.vector_load %arg8[%get3A_469, %get3A_470, %get3A_471] {strides = array<i32>} : memref<3x32x512xf32, #tpu.memory_space<vmem>>, vector<1x1x16xf32>,
        %get3A_473 = vector.shape_cast %get3A_472 : vector<1x1x16xf32> to vector<16xf32>
        %get3A_474 = arith.constant 1 : i32
        %get3A_475 = arith.index_cast %get3A_474 : i32 to index
        %get3A_476 = arith.index_cast %scan3A_255 : i32 to index
        %get3A_477 = arith.constant 224 : index
        %get3A_478 = tpu.vector_load %arg7[%get3A_475, %get3A_476, %get3A_477] {strides = array<i32>} : memref<3x32x512xf32, #tpu.memory_space<vmem>>, vector<1x1x16xf32>,
        %get3A_479 = vector.shape_cast %get3A_478 : vector<1x1x16xf32> to vector<16xf32>
        %sub3A_480 = arith.subf %get3A_473, %get3A_479 : vector<16xf32>
        %mul3A_481 = arith.mulf %sub3A_480, %sub3A_480 : vector<16xf32>
        %add3A_482 = arith.addf %add3A_422, %mul3A_481 : vector<16xf32>
        %get3A_483 = arith.constant 1 : i32
        %get3A_484 = arith.index_cast %get3A_483 : i32 to index
        %get3A_485 = arith.index_cast %scan3A_255 : i32 to index
        %get3A_486 = arith.constant 240 : index
        %get3A_487 = tpu.vector_load %arg8[%get3A_484, %get3A_485, %get3A_486] {strides = array<i32>} : memref<3x32x512xf32, #tpu.memory_space<vmem>>, vector<1x1x16xf32>,
        %get3A_488 = vector.shape_cast %get3A_487 : vector<1x1x16xf32> to vector<16xf32>
        %get3A_489 = arith.constant 1 : i32
        %get3A_490 = arith.index_cast %get3A_489 : i32 to index
        %get3A_491 = arith.index_cast %scan3A_255 : i32 to index
        %get3A_492 = arith.constant 240 : index
        %get3A_493 = tpu.vector_load %arg7[%get3A_490, %get3A_491, %get3A_492] {strides = array<i32>} : memref<3x32x512xf32, #tpu.memory_space<vmem>>, vector<1x1x16xf32>,
        %get3A_494 = vector.shape_cast %get3A_493 : vector<1x1x16xf32> to vector<16xf32>
        %sub3A_495 = arith.subf %get3A_488, %get3A_494 : vector<16xf32>
        %mul3A_496 = arith.mulf %sub3A_495, %sub3A_495 : vector<16xf32>
        %add3A_497 = arith.addf %add3A_437, %mul3A_496 : vector<16xf32>
        %get3A_498 = arith.constant 1 : i32
        %get3A_499 = arith.index_cast %get3A_498 : i32 to index
        %get3A_500 = arith.index_cast %scan3A_255 : i32 to index
        %get3A_501 = arith.constant 256 : index
        %get3A_502 = tpu.vector_load %arg8[%get3A_499, %get3A_500, %get3A_501] {strides = array<i32>} : memref<3x32x512xf32, #tpu.memory_space<vmem>>, vector<1x1x16xf32>,
        %get3A_503 = vector.shape_cast %get3A_502 : vector<1x1x16xf32> to vector<16xf32>
        %get3A_504 = arith.constant 1 : i32
        %get3A_505 = arith.index_cast %get3A_504 : i32 to index
        %get3A_506 = arith.index_cast %scan3A_255 : i32 to index
        %get3A_507 = arith.constant 256 : index
        %get3A_508 = tpu.vector_load %arg7[%get3A_505, %get3A_506, %get3A_507] {strides = array<i32>} : memref<3x32x512xf32, #tpu.memory_space<vmem>>, vector<1x1x16xf32>,
        %get3A_509 = vector.shape_cast %get3A_508 : vector<1x1x16xf32> to vector<16xf32>
        %sub3A_510 = arith.subf %get3A_503, %get3A_509 : vector<16xf32>
        %mul3A_511 = arith.mulf %sub3A_510, %sub3A_510 : vector<16xf32>
        %add3A_512 = arith.addf %add3A_452, %mul3A_511 : vector<16xf32>
        %get3A_513 = arith.constant 1 : i32
        %get3A_514 = arith.index_cast %get3A_513 : i32 to index
        %get3A_515 = arith.index_cast %scan3A_255 : i32 to index
        %get3A_516 = arith.constant 272 : index
        %get3A_517 = tpu.vector_load %arg8[%get3A_514, %get3A_515, %get3A_516] {strides = array<i32>} : memref<3x32x512xf32, #tpu.memory_space<vmem>>, vector<1x1x16xf32>,
        %get3A_518 = vector.shape_cast %get3A_517 : vector<1x1x16xf32> to vector<16xf32>
        %get3A_519 = arith.constant 1 : i32
        %get3A_520 = arith.index_cast %get3A_519 : i32 to index
        %get3A_521 = arith.index_cast %scan3A_255 : i32 to index
        %get3A_522 = arith.constant 272 : index
        %get3A_523 = tpu.vector_load %arg7[%get3A_520, %get3A_521, %get3A_522] {strides = array<i32>} : memref<3x32x512xf32, #tpu.memory_space<vmem>>, vector<1x1x16xf32>,
        %get3A_524 = vector.shape_cast %get3A_523 : vector<1x1x16xf32> to vector<16xf32>
        %sub3A_525 = arith.subf %get3A_518, %get3A_524 : vector<16xf32>
        %mul3A_526 = arith.mulf %sub3A_525, %sub3A_525 : vector<16xf32>
        %add3A_527 = arith.addf %add3A_467, %mul3A_526 : vector<16xf32>
        %get3A_528 = arith.constant 1 : i32
        %get3A_529 = arith.index_cast %get3A_528 : i32 to index
        %get3A_530 = arith.index_cast %scan3A_255 : i32 to index
        %get3A_531 = arith.constant 288 : index
        %get3A_532 = tpu.vector_load %arg8[%get3A_529, %get3A_530, %get3A_531] {strides = array<i32>} : memref<3x32x512xf32, #tpu.memory_space<vmem>>, vector<1x1x16xf32>,
        %get3A_533 = vector.shape_cast %get3A_532 : vector<1x1x16xf32> to vector<16xf32>
        %get3A_534 = arith.constant 1 : i32
        %get3A_535 = arith.index_cast %get3A_534 : i32 to index
        %get3A_536 = arith.index_cast %scan3A_255 : i32 to index
        %get3A_537 = arith.constant 288 : index
        %get3A_538 = tpu.vector_load %arg7[%get3A_535, %get3A_536, %get3A_537] {strides = array<i32>} : memref<3x32x512xf32, #tpu.memory_space<vmem>>, vector<1x1x16xf32>,
        %get3A_539 = vector.shape_cast %get3A_538 : vector<1x1x16xf32> to vector<16xf32>
        %sub3A_540 = arith.subf %get3A_533, %get3A_539 : vector<16xf32>
        %mul3A_541 = arith.mulf %sub3A_540, %sub3A_540 : vector<16xf32>
        %add3A_542 = arith.addf %add3A_482, %mul3A_541 : vector<16xf32>
        %get3A_543 = arith.constant 1 : i32
        %get3A_544 = arith.index_cast %get3A_543 : i32 to index
        %get3A_545 = arith.index_cast %scan3A_255 : i32 to index
        %get3A_546 = arith.constant 304 : index
        %get3A_547 = tpu.vector_load %arg8[%get3A_544, %get3A_545, %get3A_546] {strides = array<i32>} : memref<3x32x512xf32, #tpu.memory_space<vmem>>, vector<1x1x16xf32>,
        %get3A_548 = vector.shape_cast %get3A_547 : vector<1x1x16xf32> to vector<16xf32>
        %get3A_549 = arith.constant 1 : i32
        %get3A_550 = arith.index_cast %get3A_549 : i32 to index
        %get3A_551 = arith.index_cast %scan3A_255 : i32 to index
        %get3A_552 = arith.constant 304 : index
        %get3A_553 = tpu.vector_load %arg7[%get3A_550, %get3A_551, %get3A_552] {strides = array<i32>} : memref<3x32x512xf32, #tpu.memory_space<vmem>>, vector<1x1x16xf32>,
        %get3A_554 = vector.shape_cast %get3A_553 : vector<1x1x16xf32> to vector<16xf32>
        %sub3A_555 = arith.subf %get3A_548, %get3A_554 : vector<16xf32>
        %mul3A_556 = arith.mulf %sub3A_555, %sub3A_555 : vector<16xf32>
        %add3A_557 = arith.addf %add3A_497, %mul3A_556 : vector<16xf32>
        %get3A_558 = arith.constant 1 : i32
        %get3A_559 = arith.index_cast %get3A_558 : i32 to index
        %get3A_560 = arith.index_cast %scan3A_255 : i32 to index
        %get3A_561 = arith.constant 320 : index
        %get3A_562 = tpu.vector_load %arg8[%get3A_559, %get3A_560, %get3A_561] {strides = array<i32>} : memref<3x32x512xf32, #tpu.memory_space<vmem>>, vector<1x1x16xf32>,
        %get3A_563 = vector.shape_cast %get3A_562 : vector<1x1x16xf32> to vector<16xf32>
        %get3A_564 = arith.constant 1 : i32
        %get3A_565 = arith.index_cast %get3A_564 : i32 to index
        %get3A_566 = arith.index_cast %scan3A_255 : i32 to index
        %get3A_567 = arith.constant 320 : index
        %get3A_568 = tpu.vector_load %arg7[%get3A_565, %get3A_566, %get3A_567] {strides = array<i32>} : memref<3x32x512xf32, #tpu.memory_space<vmem>>, vector<1x1x16xf32>,
        %get3A_569 = vector.shape_cast %get3A_568 : vector<1x1x16xf32> to vector<16xf32>
        %sub3A_570 = arith.subf %get3A_563, %get3A_569 : vector<16xf32>
        %mul3A_571 = arith.mulf %sub3A_570, %sub3A_570 : vector<16xf32>
        %add3A_572 = arith.addf %add3A_512, %mul3A_571 : vector<16xf32>
        %get3A_573 = arith.constant 1 : i32
        %get3A_574 = arith.index_cast %get3A_573 : i32 to index
        %get3A_575 = arith.index_cast %scan3A_255 : i32 to index
        %get3A_576 = arith.constant 336 : index
        %get3A_577 = tpu.vector_load %arg8[%get3A_574, %get3A_575, %get3A_576] {strides = array<i32>} : memref<3x32x512xf32, #tpu.memory_space<vmem>>, vector<1x1x16xf32>,
        %get3A_578 = vector.shape_cast %get3A_577 : vector<1x1x16xf32> to vector<16xf32>
        %get3A_579 = arith.constant 1 : i32
        %get3A_580 = arith.index_cast %get3A_579 : i32 to index
        %get3A_581 = arith.index_cast %scan3A_255 : i32 to index
        %get3A_582 = arith.constant 336 : index
        %get3A_583 = tpu.vector_load %arg7[%get3A_580, %get3A_581, %get3A_582] {strides = array<i32>} : memref<3x32x512xf32, #tpu.memory_space<vmem>>, vector<1x1x16xf32>,
        %get3A_584 = vector.shape_cast %get3A_583 : vector<1x1x16xf32> to vector<16xf32>
        %sub3A_585 = arith.subf %get3A_578, %get3A_584 : vector<16xf32>
        %mul3A_586 = arith.mulf %sub3A_585, %sub3A_585 : vector<16xf32>
        %add3A_587 = arith.addf %add3A_527, %mul3A_586 : vector<16xf32>
        %get3A_588 = arith.constant 1 : i32
        %get3A_589 = arith.index_cast %get3A_588 : i32 to index
        %get3A_590 = arith.index_cast %scan3A_255 : i32 to index
        %get3A_591 = arith.constant 352 : index
        %get3A_592 = tpu.vector_load %arg8[%get3A_589, %get3A_590, %get3A_591] {strides = array<i32>} : memref<3x32x512xf32, #tpu.memory_space<vmem>>, vector<1x1x16xf32>,
        %get3A_593 = vector.shape_cast %get3A_592 : vector<1x1x16xf32> to vector<16xf32>
        %get3A_594 = arith.constant 1 : i32
        %get3A_595 = arith.index_cast %get3A_594 : i32 to index
        %get3A_596 = arith.index_cast %scan3A_255 : i32 to index
        %get3A_597 = arith.constant 352 : index
        %get3A_598 = tpu.vector_load %arg7[%get3A_595, %get3A_596, %get3A_597] {strides = array<i32>} : memref<3x32x512xf32, #tpu.memory_space<vmem>>, vector<1x1x16xf32>,
        %get3A_599 = vector.shape_cast %get3A_598 : vector<1x1x16xf32> to vector<16xf32>
        %sub3A_600 = arith.subf %get3A_593, %get3A_599 : vector<16xf32>
        %mul3A_601 = arith.mulf %sub3A_600, %sub3A_600 : vector<16xf32>
        %add3A_602 = arith.addf %add3A_542, %mul3A_601 : vector<16xf32>
        %get3A_603 = arith.constant 1 : i32
        %get3A_604 = arith.index_cast %get3A_603 : i32 to index
        %get3A_605 = arith.index_cast %scan3A_255 : i32 to index
        %get3A_606 = arith.constant 368 : index
        %get3A_607 = tpu.vector_load %arg8[%get3A_604, %get3A_605, %get3A_606] {strides = array<i32>} : memref<3x32x512xf32, #tpu.memory_space<vmem>>, vector<1x1x16xf32>,
        %get3A_608 = vector.shape_cast %get3A_607 : vector<1x1x16xf32> to vector<16xf32>
        %get3A_609 = arith.constant 1 : i32
        %get3A_610 = arith.index_cast %get3A_609 : i32 to index
        %get3A_611 = arith.index_cast %scan3A_255 : i32 to index
        %get3A_612 = arith.constant 368 : index
        %get3A_613 = tpu.vector_load %arg7[%get3A_610, %get3A_611, %get3A_612] {strides = array<i32>} : memref<3x32x512xf32, #tpu.memory_space<vmem>>, vector<1x1x16xf32>,
        %get3A_614 = vector.shape_cast %get3A_613 : vector<1x1x16xf32> to vector<16xf32>
        %sub3A_615 = arith.subf %get3A_608, %get3A_614 : vector<16xf32>
        %mul3A_616 = arith.mulf %sub3A_615, %sub3A_615 : vector<16xf32>
        %add3A_617 = arith.addf %add3A_557, %mul3A_616 : vector<16xf32>
        %get3A_618 = arith.constant 1 : i32
        %get3A_619 = arith.index_cast %get3A_618 : i32 to index
        %get3A_620 = arith.index_cast %scan3A_255 : i32 to index
        %get3A_621 = arith.constant 384 : index
        %get3A_622 = tpu.vector_load %arg8[%get3A_619, %get3A_620, %get3A_621] {strides = array<i32>} : memref<3x32x512xf32, #tpu.memory_space<vmem>>, vector<1x1x16xf32>,
        %get3A_623 = vector.shape_cast %get3A_622 : vector<1x1x16xf32> to vector<16xf32>
        %get3A_624 = arith.constant 1 : i32
        %get3A_625 = arith.index_cast %get3A_624 : i32 to index
        %get3A_626 = arith.index_cast %scan3A_255 : i32 to index
        %get3A_627 = arith.constant 384 : index
        %get3A_628 = tpu.vector_load %arg7[%get3A_625, %get3A_626, %get3A_627] {strides = array<i32>} : memref<3x32x512xf32, #tpu.memory_space<vmem>>, vector<1x1x16xf32>,
        %get3A_629 = vector.shape_cast %get3A_628 : vector<1x1x16xf32> to vector<16xf32>
        %sub3A_630 = arith.subf %get3A_623, %get3A_629 : vector<16xf32>
        %mul3A_631 = arith.mulf %sub3A_630, %sub3A_630 : vector<16xf32>
        %add3A_632 = arith.addf %add3A_572, %mul3A_631 : vector<16xf32>
        %get3A_633 = arith.constant 1 : i32
        %get3A_634 = arith.index_cast %get3A_633 : i32 to index
        %get3A_635 = arith.index_cast %scan3A_255 : i32 to index
        %get3A_636 = arith.constant 400 : index
        %get3A_637 = tpu.vector_load %arg8[%get3A_634, %get3A_635, %get3A_636] {strides = array<i32>} : memref<3x32x512xf32, #tpu.memory_space<vmem>>, vector<1x1x16xf32>,
        %get3A_638 = vector.shape_cast %get3A_637 : vector<1x1x16xf32> to vector<16xf32>
        %get3A_639 = arith.constant 1 : i32
        %get3A_640 = arith.index_cast %get3A_639 : i32 to index
        %get3A_641 = arith.index_cast %scan3A_255 : i32 to index
        %get3A_642 = arith.constant 400 : index
        %get3A_643 = tpu.vector_load %arg7[%get3A_640, %get3A_641, %get3A_642] {strides = array<i32>} : memref<3x32x512xf32, #tpu.memory_space<vmem>>, vector<1x1x16xf32>,
        %get3A_644 = vector.shape_cast %get3A_643 : vector<1x1x16xf32> to vector<16xf32>
        %sub3A_645 = arith.subf %get3A_638, %get3A_644 : vector<16xf32>
        %mul3A_646 = arith.mulf %sub3A_645, %sub3A_645 : vector<16xf32>
        %add3A_647 = arith.addf %add3A_587, %mul3A_646 : vector<16xf32>
        %get3A_648 = arith.constant 1 : i32
        %get3A_649 = arith.index_cast %get3A_648 : i32 to index
        %get3A_650 = arith.index_cast %scan3A_255 : i32 to index
        %get3A_651 = arith.constant 416 : index
        %get3A_652 = tpu.vector_load %arg8[%get3A_649, %get3A_650, %get3A_651] {strides = array<i32>} : memref<3x32x512xf32, #tpu.memory_space<vmem>>, vector<1x1x16xf32>,
        %get3A_653 = vector.shape_cast %get3A_652 : vector<1x1x16xf32> to vector<16xf32>
        %get3A_654 = arith.constant 1 : i32
        %get3A_655 = arith.index_cast %get3A_654 : i32 to index
        %get3A_656 = arith.index_cast %scan3A_255 : i32 to index
        %get3A_657 = arith.constant 416 : index
        %get3A_658 = tpu.vector_load %arg7[%get3A_655, %get3A_656, %get3A_657] {strides = array<i32>} : memref<3x32x512xf32, #tpu.memory_space<vmem>>, vector<1x1x16xf32>,
        %get3A_659 = vector.shape_cast %get3A_658 : vector<1x1x16xf32> to vector<16xf32>
        %sub3A_660 = arith.subf %get3A_653, %get3A_659 : vector<16xf32>
        %mul3A_661 = arith.mulf %sub3A_660, %sub3A_660 : vector<16xf32>
        %add3A_662 = arith.addf %add3A_602, %mul3A_661 : vector<16xf32>
        %get3A_663 = arith.constant 1 : i32
        %get3A_664 = arith.index_cast %get3A_663 : i32 to index
        %get3A_665 = arith.index_cast %scan3A_255 : i32 to index
        %get3A_666 = arith.constant 432 : index
        %get3A_667 = tpu.vector_load %arg8[%get3A_664, %get3A_665, %get3A_666] {strides = array<i32>} : memref<3x32x512xf32, #tpu.memory_space<vmem>>, vector<1x1x16xf32>,
        %get3A_668 = vector.shape_cast %get3A_667 : vector<1x1x16xf32> to vector<16xf32>
        %get3A_669 = arith.constant 1 : i32
        %get3A_670 = arith.index_cast %get3A_669 : i32 to index
        %get3A_671 = arith.index_cast %scan3A_255 : i32 to index
        %get3A_672 = arith.constant 432 : index
        %get3A_673 = tpu.vector_load %arg7[%get3A_670, %get3A_671, %get3A_672] {strides = array<i32>} : memref<3x32x512xf32, #tpu.memory_space<vmem>>, vector<1x1x16xf32>,
        %get3A_674 = vector.shape_cast %get3A_673 : vector<1x1x16xf32> to vector<16xf32>
        %sub3A_675 = arith.subf %get3A_668, %get3A_674 : vector<16xf32>
        %mul3A_676 = arith.mulf %sub3A_675, %sub3A_675 : vector<16xf32>
        %add3A_677 = arith.addf %add3A_617, %mul3A_676 : vector<16xf32>
        %get3A_678 = arith.constant 1 : i32
        %get3A_679 = arith.index_cast %get3A_678 : i32 to index
        %get3A_680 = arith.index_cast %scan3A_255 : i32 to index
        %get3A_681 = arith.constant 448 : index
        %get3A_682 = tpu.vector_load %arg8[%get3A_679, %get3A_680, %get3A_681] {strides = array<i32>} : memref<3x32x512xf32, #tpu.memory_space<vmem>>, vector<1x1x16xf32>,
        %get3A_683 = vector.shape_cast %get3A_682 : vector<1x1x16xf32> to vector<16xf32>
        %get3A_684 = arith.constant 1 : i32
        %get3A_685 = arith.index_cast %get3A_684 : i32 to index
        %get3A_686 = arith.index_cast %scan3A_255 : i32 to index
        %get3A_687 = arith.constant 448 : index
        %get3A_688 = tpu.vector_load %arg7[%get3A_685, %get3A_686, %get3A_687] {strides = array<i32>} : memref<3x32x512xf32, #tpu.memory_space<vmem>>, vector<1x1x16xf32>,
        %get3A_689 = vector.shape_cast %get3A_688 : vector<1x1x16xf32> to vector<16xf32>
        %sub3A_690 = arith.subf %get3A_683, %get3A_689 : vector<16xf32>
        %mul3A_691 = arith.mulf %sub3A_690, %sub3A_690 : vector<16xf32>
        %add3A_692 = arith.addf %add3A_632, %mul3A_691 : vector<16xf32>
        %get3A_693 = arith.constant 1 : i32
        %get3A_694 = arith.index_cast %get3A_693 : i32 to index
        %get3A_695 = arith.index_cast %scan3A_255 : i32 to index
        %get3A_696 = arith.constant 464 : index
        %get3A_697 = tpu.vector_load %arg8[%get3A_694, %get3A_695, %get3A_696] {strides = array<i32>} : memref<3x32x512xf32, #tpu.memory_space<vmem>>, vector<1x1x16xf32>,
        %get3A_698 = vector.shape_cast %get3A_697 : vector<1x1x16xf32> to vector<16xf32>
        %get3A_699 = arith.constant 1 : i32
        %get3A_700 = arith.index_cast %get3A_699 : i32 to index
        %get3A_701 = arith.index_cast %scan3A_255 : i32 to index
        %get3A_702 = arith.constant 464 : index
        %get3A_703 = tpu.vector_load %arg7[%get3A_700, %get3A_701, %get3A_702] {strides = array<i32>} : memref<3x32x512xf32, #tpu.memory_space<vmem>>, vector<1x1x16xf32>,
        %get3A_704 = vector.shape_cast %get3A_703 : vector<1x1x16xf32> to vector<16xf32>
        %sub3A_705 = arith.subf %get3A_698, %get3A_704 : vector<16xf32>
        %mul3A_706 = arith.mulf %sub3A_705, %sub3A_705 : vector<16xf32>
        %add3A_707 = arith.addf %add3A_647, %mul3A_706 : vector<16xf32>
        %get3A_708 = arith.constant 1 : i32
        %get3A_709 = arith.index_cast %get3A_708 : i32 to index
        %get3A_710 = arith.index_cast %scan3A_255 : i32 to index
        %get3A_711 = arith.constant 480 : index
        %get3A_712 = tpu.vector_load %arg8[%get3A_709, %get3A_710, %get3A_711] {strides = array<i32>} : memref<3x32x512xf32, #tpu.memory_space<vmem>>, vector<1x1x16xf32>,
        %get3A_713 = vector.shape_cast %get3A_712 : vector<1x1x16xf32> to vector<16xf32>
        %get3A_714 = arith.constant 1 : i32
        %get3A_715 = arith.index_cast %get3A_714 : i32 to index
        %get3A_716 = arith.index_cast %scan3A_255 : i32 to index
        %get3A_717 = arith.constant 480 : index
        %get3A_718 = tpu.vector_load %arg7[%get3A_715, %get3A_716, %get3A_717] {strides = array<i32>} : memref<3x32x512xf32, #tpu.memory_space<vmem>>, vector<1x1x16xf32>,
        %get3A_719 = vector.shape_cast %get3A_718 : vector<1x1x16xf32> to vector<16xf32>
        %sub3A_720 = arith.subf %get3A_713, %get3A_719 : vector<16xf32>
        %mul3A_721 = arith.mulf %sub3A_720, %sub3A_720 : vector<16xf32>
        %add3A_722 = arith.addf %add3A_662, %mul3A_721 : vector<16xf32>
        %get3A_723 = arith.constant 1 : i32
        %get3A_724 = arith.index_cast %get3A_723 : i32 to index
        %get3A_725 = arith.index_cast %scan3A_255 : i32 to index
        %get3A_726 = arith.constant 496 : index
        %get3A_727 = tpu.vector_load %arg8[%get3A_724, %get3A_725, %get3A_726] {strides = array<i32>} : memref<3x32x512xf32, #tpu.memory_space<vmem>>, vector<1x1x16xf32>,
        %get3A_728 = vector.shape_cast %get3A_727 : vector<1x1x16xf32> to vector<16xf32>
        %get3A_729 = arith.constant 1 : i32
        %get3A_730 = arith.index_cast %get3A_729 : i32 to index
        %get3A_731 = arith.index_cast %scan3A_255 : i32 to index
        %get3A_732 = arith.constant 496 : index
        %get3A_733 = tpu.vector_load %arg7[%get3A_730, %get3A_731, %get3A_732] {strides = array<i32>} : memref<3x32x512xf32, #tpu.memory_space<vmem>>, vector<1x1x16xf32>,
        %get3A_734 = vector.shape_cast %get3A_733 : vector<1x1x16xf32> to vector<16xf32>
        %sub3A_735 = arith.subf %get3A_728, %get3A_734 : vector<16xf32>
        %mul3A_736 = arith.mulf %sub3A_735, %sub3A_735 : vector<16xf32>
        %add3A_737 = arith.addf %add3A_677, %mul3A_736 : vector<16xf32>
        scf.yield %add3A_692, %add3A_707, %add3A_722, %add3A_737 : vector<16xf32>, vector<16xf32>, vector<16xf32>, vector<16xf32>
      }
      %scan3A_201 = arith.constant 32 : i32
      %add3A_202 = arith.constant 1 : i32
      %add3A_203 = arith.addi %mul3A_125, %add3A_202 : i32
      %add3A_204 = arith.constant 3 : i32
      %add3A_205 = arith.addi %add3A_203, %add3A_204 : i32
      %lt3A_206 = arith.constant 16 : i32
      %lt3A_207 = arith.cmpi slt, %add3A_205, %lt3A_206 : i32
      %convert_element_type3A_208 = arith.extui %lt3A_207 : i1 to i32
      %cond3A_209 = arith.constant 0 : i32
      %cond3A_210 = arith.cmpi ne, %convert_element_type3A_208, %cond3A_209 : i32
      scf.if %cond3A_210 {
        %mul3A_255 = arith.constant 32 : i32
        %mul3A_256 = arith.muli %add3A_205, %mul3A_255 : i32
        %add3A_257 = arith.addi %mul3A_2, %mul3A_256 : i32
        %mul3A_258 = arith.constant 32 : i32
        %mul3A_259 = arith.muli %add3A_205, %mul3A_258 : i32
        %dma_start3A_260 = arith.constant 1 : i32
        %dma_start3A_261 = arith.constant 0 : i32
        %dma_start3A_262 = arith.constant 0 : i32
        %dma_start3A_263 = tpu.memref_slice %arg7[%dma_start3A_260, %dma_start3A_261, %dma_start3A_262] : memref<3x32x512xf32, #tpu.memory_space<vmem>> -> memref<1x32x512xf32, #tpu.memory_space<vmem>>
        %dma_start3A_264 = tpu.memref_squeeze %dma_start3A_263 : memref<1x32x512xf32, #tpu.memory_space<vmem>> -> memref<32x512xf32, #tpu.memory_space<vmem>>
        %dma_start3A_265 = tpu.memref_slice %arg6[%mul3A_259] : memref<512xi32, #tpu.memory_space<vmem>> -> memref<32xi32, #tpu.memory_space<vmem>>
        %dma_start3A_266 = arith.constant 0 : i32
        %dma_start3A_267 = arith.constant 0 : i32
        %dma_start3A_268 = tpu.memref_slice %arg4[%dma_start3A_266, %dma_start3A_267] : memref<100000x512xf32, #tpu.memory_space<hbm>> -> memref<100000x512xf32, #tpu.memory_space<hbm>>
        tpu.enqueue_indirect_dma source(%dma_start3A_268 : memref<100000x512xf32, #tpu.memory_space<hbm>>) target(%dma_start3A_264 : memref<32x512xf32, #tpu.memory_space<vmem>>) offsets(%dma_start3A_265 : memref<32xi32, #tpu.memory_space<vmem>>) semaphore(%arg11 : memref<!tpu.dma_semaphore, #tpu.memory_space<semaphore_mem>>)
        %dma_start3A_269 = arith.constant 1 : i32
        %dma_start3A_270 = arith.constant 0 : i32
        %dma_start3A_271 = arith.constant 0 : i32
        %dma_start3A_272 = tpu.memref_slice %arg8[%dma_start3A_269, %dma_start3A_270, %dma_start3A_271] : memref<3x32x512xf32, #tpu.memory_space<vmem>> -> memref<1x32x512xf32, #tpu.memory_space<vmem>>
        %dma_start3A_273 = tpu.memref_squeeze %dma_start3A_272 : memref<1x32x512xf32, #tpu.memory_space<vmem>> -> memref<32x512xf32, #tpu.memory_space<vmem>>
        %dma_start3A_274 = arith.constant 0 : i32
        %dma_start3A_275 = tpu.memref_slice %arg2[%add3A_257, %dma_start3A_274] : memref<16384x512xf32, #tpu.memory_space<hbm>> -> memref<32x512xf32, #tpu.memory_space<hbm>>
        %dma_start3A_276 = arith.constant 0 : i32
        %dma_start3A_277 = arith.constant 0 : i32
        %dma_start3A_278 = tpu.memref_slice %arg8[%dma_start3A_269, %dma_start3A_276, %dma_start3A_277] : memref<3x32x512xf32, #tpu.memory_space<vmem>> -> memref<1x32x512xf32, #tpu.memory_space<vmem>>
        %dma_start3A_279 = tpu.memref_squeeze %dma_start3A_278 : memref<1x32x512xf32, #tpu.memory_space<vmem>> -> memref<32x512xf32, #tpu.memory_space<vmem>>
        %dma_start3A_280 = arith.constant 0 : i32
        %dma_start3A_281 = tpu.memref_slice %arg2[%add3A_257, %dma_start3A_280] : memref<16384x512xf32, #tpu.memory_space<hbm>> -> memref<32x512xf32, #tpu.memory_space<hbm>>
        tpu.enqueue_dma source(%dma_start3A_281 : memref<32x512xf32, #tpu.memory_space<hbm>>) target(%dma_start3A_279 : memref<32x512xf32, #tpu.memory_space<vmem>>) target_semaphore(%arg14 : memref<!tpu.dma_semaphore, #tpu.memory_space<semaphore_mem>>)
      } else {
      }
      %add3A_211 = arith.constant 2 : i32
      %add3A_212 = arith.addi %mul3A_125, %add3A_211 : i32
      %mul3A_213 = arith.constant 32 : i32
      %mul3A_214 = arith.muli %add3A_212, %mul3A_213 : i32
      %add3A_215 = arith.addi %mul3A_2, %mul3A_214 : i32
      %mul3A_216 = arith.constant 32 : i32
      %mul3A_217 = arith.muli %add3A_212, %mul3A_216 : i32
      %dma_wait3A_218 = arith.constant 2 : i32
      %dma_wait3A_219 = arith.constant 0 : i32
      %dma_wait3A_220 = arith.constant 0 : i32
      %dma_wait3A_221 = tpu.memref_slice %arg7[%dma_wait3A_218, %dma_wait3A_219, %dma_wait3A_220] : memref<3x32x512xf32, #tpu.memory_space<vmem>> -> memref<1x32x512xf32, #tpu.memory_space<vmem>>
      %dma_wait3A_222 = tpu.memref_squeeze %dma_wait3A_221 : memref<1x32x512xf32, #tpu.memory_space<vmem>> -> memref<32x512xf32, #tpu.memory_space<vmem>>
      %dma_wait3A_223 = tpu.memref_slice %arg6[%mul3A_217] : memref<512xi32, #tpu.memory_space<vmem>> -> memref<32xi32, #tpu.memory_space<vmem>>
      %dma_wait3A_224 = arith.constant 0 : i32
      %dma_wait3A_225 = arith.constant 0 : i32
      %dma_wait3A_226 = tpu.memref_slice %arg4[%dma_wait3A_224, %dma_wait3A_225] : memref<100000x512xf32, #tpu.memory_space<hbm>> -> memref<100000x512xf32, #tpu.memory_space<hbm>>
      tpu.wait_indirect_dma semaphore(%arg12 : memref<!tpu.dma_semaphore, #tpu.memory_space<semaphore_mem>>) src(%dma_wait3A_226 : memref<100000x512xf32, #tpu.memory_space<hbm>>) dst(%dma_wait3A_222 : memref<32x512xf32, #tpu.memory_space<vmem>>)
      %dma_wait3A_227 = arith.constant 2 : i32
      %dma_wait3A_228 = arith.constant 0 : i32
      %dma_wait3A_229 = arith.constant 0 : i32
      %dma_wait3A_230 = tpu.memref_slice %arg8[%dma_wait3A_227, %dma_wait3A_228, %dma_wait3A_229] : memref<3x32x512xf32, #tpu.memory_space<vmem>> -> memref<1x32x512xf32, #tpu.memory_space<vmem>>
      %dma_wait3A_231 = tpu.memref_squeeze %dma_wait3A_230 : memref<1x32x512xf32, #tpu.memory_space<vmem>> -> memref<32x512xf32, #tpu.memory_space<vmem>>
      %dma_wait3A_232 = arith.constant 0 : i32
      %dma_wait3A_233 = tpu.memref_slice %arg2[%add3A_215, %dma_wait3A_232] : memref<16384x512xf32, #tpu.memory_space<hbm>> -> memref<32x512xf32, #tpu.memory_space<hbm>>
      %dma_wait3A_234 = arith.constant 0 : i32
      %dma_wait3A_235 = arith.constant 0 : i32
      %dma_wait3A_236 = tpu.memref_slice %arg8[%dma_wait3A_227, %dma_wait3A_234, %dma_wait3A_235] : memref<3x32x512xf32, #tpu.memory_space<vmem>> -> memref<1x32x512xf32, #tpu.memory_space<vmem>>
      %dma_wait3A_237 = tpu.memref_squeeze %dma_wait3A_236 : memref<1x32x512xf32, #tpu.memory_space<vmem>> -> memref<32x512xf32, #tpu.memory_space<vmem>>
      %dma_wait3A_238 = arith.constant 0 : i32
      %dma_wait3A_239 = tpu.memref_slice %arg2[%add3A_215, %dma_wait3A_238] : memref<16384x512xf32, #tpu.memory_space<hbm>> -> memref<32x512xf32, #tpu.memory_space<hbm>>
      tpu.wait_dma2 semaphore(%arg15 : memref<!tpu.dma_semaphore, #tpu.memory_space<semaphore_mem>>) src(%dma_wait3A_239 : memref<32x512xf32, #tpu.memory_space<hbm>>) dst(%dma_wait3A_237 : memref<32x512xf32, #tpu.memory_space<vmem>>)
      %scan3A_240 = arith.constant 0 : i32
      %scan3A_241 = arith.constant 32 : i32
      %scan3A_242 = arith.addi %scan3A_240, %scan3A_241 : i32
      %scan3A_243 = arith.constant 1 : i32
      %scan3A_244:4 = scf.for %scan3A_255 = %scan3A_240 to %scan3A_242 step %scan3A_243 iter_args(%scan3A_256 = %scan3A_200#0, %scan3A_257 = %scan3A_200#1, %scan3A_258 = %scan3A_200#2, %scan3A_259 = %scan3A_200#3) -> (vector<16xf32>, vector<16xf32>, vector<16xf32>, vector<16xf32>)  : i32 {
        %get3A = arith.constant 2 : i32
        %get3A_260 = arith.index_cast %get3A : i32 to index
        %get3A_261 = arith.index_cast %scan3A_255 : i32 to index
        %get3A_262 = arith.constant 0 : index
        %get3A_263 = tpu.vector_load %arg8[%get3A_260, %get3A_261, %get3A_262] {strides = array<i32>} : memref<3x32x512xf32, #tpu.memory_space<vmem>>, vector<1x1x16xf32>,
        %get3A_264 = vector.shape_cast %get3A_263 : vector<1x1x16xf32> to vector<16xf32>
        %get3A_265 = arith.constant 2 : i32
        %get3A_266 = arith.index_cast %get3A_265 : i32 to index
        %get3A_267 = arith.index_cast %scan3A_255 : i32 to index
        %get3A_268 = arith.constant 0 : index
        %get3A_269 = tpu.vector_load %arg7[%get3A_266, %get3A_267, %get3A_268] {strides = array<i32>} : memref<3x32x512xf32, #tpu.memory_space<vmem>>, vector<1x1x16xf32>,
        %get3A_270 = vector.shape_cast %get3A_269 : vector<1x1x16xf32> to vector<16xf32>
        %sub3A = arith.subf %get3A_264, %get3A_270 : vector<16xf32>
        %mul3A_271 = arith.mulf %sub3A, %sub3A : vector<16xf32>
        %add3A_272 = arith.addf %scan3A_256, %mul3A_271 : vector<16xf32>
        %get3A_273 = arith.constant 2 : i32
        %get3A_274 = arith.index_cast %get3A_273 : i32 to index
        %get3A_275 = arith.index_cast %scan3A_255 : i32 to index
        %get3A_276 = arith.constant 16 : index
        %get3A_277 = tpu.vector_load %arg8[%get3A_274, %get3A_275, %get3A_276] {strides = array<i32>} : memref<3x32x512xf32, #tpu.memory_space<vmem>>, vector<1x1x16xf32>,
        %get3A_278 = vector.shape_cast %get3A_277 : vector<1x1x16xf32> to vector<16xf32>
        %get3A_279 = arith.constant 2 : i32
        %get3A_280 = arith.index_cast %get3A_279 : i32 to index
        %get3A_281 = arith.index_cast %scan3A_255 : i32 to index
        %get3A_282 = arith.constant 16 : index
        %get3A_283 = tpu.vector_load %arg7[%get3A_280, %get3A_281, %get3A_282] {strides = array<i32>} : memref<3x32x512xf32, #tpu.memory_space<vmem>>, vector<1x1x16xf32>,
        %get3A_284 = vector.shape_cast %get3A_283 : vector<1x1x16xf32> to vector<16xf32>
        %sub3A_285 = arith.subf %get3A_278, %get3A_284 : vector<16xf32>
        %mul3A_286 = arith.mulf %sub3A_285, %sub3A_285 : vector<16xf32>
        %add3A_287 = arith.addf %scan3A_257, %mul3A_286 : vector<16xf32>
        %get3A_288 = arith.constant 2 : i32
        %get3A_289 = arith.index_cast %get3A_288 : i32 to index
        %get3A_290 = arith.index_cast %scan3A_255 : i32 to index
        %get3A_291 = arith.constant 32 : index
        %get3A_292 = tpu.vector_load %arg8[%get3A_289, %get3A_290, %get3A_291] {strides = array<i32>} : memref<3x32x512xf32, #tpu.memory_space<vmem>>, vector<1x1x16xf32>,
        %get3A_293 = vector.shape_cast %get3A_292 : vector<1x1x16xf32> to vector<16xf32>
        %get3A_294 = arith.constant 2 : i32
        %get3A_295 = arith.index_cast %get3A_294 : i32 to index
        %get3A_296 = arith.index_cast %scan3A_255 : i32 to index
        %get3A_297 = arith.constant 32 : index
        %get3A_298 = tpu.vector_load %arg7[%get3A_295, %get3A_296, %get3A_297] {strides = array<i32>} : memref<3x32x512xf32, #tpu.memory_space<vmem>>, vector<1x1x16xf32>,
        %get3A_299 = vector.shape_cast %get3A_298 : vector<1x1x16xf32> to vector<16xf32>
        %sub3A_300 = arith.subf %get3A_293, %get3A_299 : vector<16xf32>
        %mul3A_301 = arith.mulf %sub3A_300, %sub3A_300 : vector<16xf32>
        %add3A_302 = arith.addf %scan3A_258, %mul3A_301 : vector<16xf32>
        %get3A_303 = arith.constant 2 : i32
        %get3A_304 = arith.index_cast %get3A_303 : i32 to index
        %get3A_305 = arith.index_cast %scan3A_255 : i32 to index
        %get3A_306 = arith.constant 48 : index
        %get3A_307 = tpu.vector_load %arg8[%get3A_304, %get3A_305, %get3A_306] {strides = array<i32>} : memref<3x32x512xf32, #tpu.memory_space<vmem>>, vector<1x1x16xf32>,
        %get3A_308 = vector.shape_cast %get3A_307 : vector<1x1x16xf32> to vector<16xf32>
        %get3A_309 = arith.constant 2 : i32
        %get3A_310 = arith.index_cast %get3A_309 : i32 to index
        %get3A_311 = arith.index_cast %scan3A_255 : i32 to index
        %get3A_312 = arith.constant 48 : index
        %get3A_313 = tpu.vector_load %arg7[%get3A_310, %get3A_311, %get3A_312] {strides = array<i32>} : memref<3x32x512xf32, #tpu.memory_space<vmem>>, vector<1x1x16xf32>,
        %get3A_314 = vector.shape_cast %get3A_313 : vector<1x1x16xf32> to vector<16xf32>
        %sub3A_315 = arith.subf %get3A_308, %get3A_314 : vector<16xf32>
        %mul3A_316 = arith.mulf %sub3A_315, %sub3A_315 : vector<16xf32>
        %add3A_317 = arith.addf %scan3A_259, %mul3A_316 : vector<16xf32>
        %get3A_318 = arith.constant 2 : i32
        %get3A_319 = arith.index_cast %get3A_318 : i32 to index
        %get3A_320 = arith.index_cast %scan3A_255 : i32 to index
        %get3A_321 = arith.constant 64 : index
        %get3A_322 = tpu.vector_load %arg8[%get3A_319, %get3A_320, %get3A_321] {strides = array<i32>} : memref<3x32x512xf32, #tpu.memory_space<vmem>>, vector<1x1x16xf32>,
        %get3A_323 = vector.shape_cast %get3A_322 : vector<1x1x16xf32> to vector<16xf32>
        %get3A_324 = arith.constant 2 : i32
        %get3A_325 = arith.index_cast %get3A_324 : i32 to index
        %get3A_326 = arith.index_cast %scan3A_255 : i32 to index
        %get3A_327 = arith.constant 64 : index
        %get3A_328 = tpu.vector_load %arg7[%get3A_325, %get3A_326, %get3A_327] {strides = array<i32>} : memref<3x32x512xf32, #tpu.memory_space<vmem>>, vector<1x1x16xf32>,
        %get3A_329 = vector.shape_cast %get3A_328 : vector<1x1x16xf32> to vector<16xf32>
        %sub3A_330 = arith.subf %get3A_323, %get3A_329 : vector<16xf32>
        %mul3A_331 = arith.mulf %sub3A_330, %sub3A_330 : vector<16xf32>
        %add3A_332 = arith.addf %add3A_272, %mul3A_331 : vector<16xf32>
        %get3A_333 = arith.constant 2 : i32
        %get3A_334 = arith.index_cast %get3A_333 : i32 to index
        %get3A_335 = arith.index_cast %scan3A_255 : i32 to index
        %get3A_336 = arith.constant 80 : index
        %get3A_337 = tpu.vector_load %arg8[%get3A_334, %get3A_335, %get3A_336] {strides = array<i32>} : memref<3x32x512xf32, #tpu.memory_space<vmem>>, vector<1x1x16xf32>,
        %get3A_338 = vector.shape_cast %get3A_337 : vector<1x1x16xf32> to vector<16xf32>
        %get3A_339 = arith.constant 2 : i32
        %get3A_340 = arith.index_cast %get3A_339 : i32 to index
        %get3A_341 = arith.index_cast %scan3A_255 : i32 to index
        %get3A_342 = arith.constant 80 : index
        %get3A_343 = tpu.vector_load %arg7[%get3A_340, %get3A_341, %get3A_342] {strides = array<i32>} : memref<3x32x512xf32, #tpu.memory_space<vmem>>, vector<1x1x16xf32>,
        %get3A_344 = vector.shape_cast %get3A_343 : vector<1x1x16xf32> to vector<16xf32>
        %sub3A_345 = arith.subf %get3A_338, %get3A_344 : vector<16xf32>
        %mul3A_346 = arith.mulf %sub3A_345, %sub3A_345 : vector<16xf32>
        %add3A_347 = arith.addf %add3A_287, %mul3A_346 : vector<16xf32>
        %get3A_348 = arith.constant 2 : i32
        %get3A_349 = arith.index_cast %get3A_348 : i32 to index
        %get3A_350 = arith.index_cast %scan3A_255 : i32 to index
        %get3A_351 = arith.constant 96 : index
        %get3A_352 = tpu.vector_load %arg8[%get3A_349, %get3A_350, %get3A_351] {strides = array<i32>} : memref<3x32x512xf32, #tpu.memory_space<vmem>>, vector<1x1x16xf32>,
        %get3A_353 = vector.shape_cast %get3A_352 : vector<1x1x16xf32> to vector<16xf32>
        %get3A_354 = arith.constant 2 : i32
        %get3A_355 = arith.index_cast %get3A_354 : i32 to index
        %get3A_356 = arith.index_cast %scan3A_255 : i32 to index
        %get3A_357 = arith.constant 96 : index
        %get3A_358 = tpu.vector_load %arg7[%get3A_355, %get3A_356, %get3A_357] {strides = array<i32>} : memref<3x32x512xf32, #tpu.memory_space<vmem>>, vector<1x1x16xf32>,
        %get3A_359 = vector.shape_cast %get3A_358 : vector<1x1x16xf32> to vector<16xf32>
        %sub3A_360 = arith.subf %get3A_353, %get3A_359 : vector<16xf32>
        %mul3A_361 = arith.mulf %sub3A_360, %sub3A_360 : vector<16xf32>
        %add3A_362 = arith.addf %add3A_302, %mul3A_361 : vector<16xf32>
        %get3A_363 = arith.constant 2 : i32
        %get3A_364 = arith.index_cast %get3A_363 : i32 to index
        %get3A_365 = arith.index_cast %scan3A_255 : i32 to index
        %get3A_366 = arith.constant 112 : index
        %get3A_367 = tpu.vector_load %arg8[%get3A_364, %get3A_365, %get3A_366] {strides = array<i32>} : memref<3x32x512xf32, #tpu.memory_space<vmem>>, vector<1x1x16xf32>,
        %get3A_368 = vector.shape_cast %get3A_367 : vector<1x1x16xf32> to vector<16xf32>
        %get3A_369 = arith.constant 2 : i32
        %get3A_370 = arith.index_cast %get3A_369 : i32 to index
        %get3A_371 = arith.index_cast %scan3A_255 : i32 to index
        %get3A_372 = arith.constant 112 : index
        %get3A_373 = tpu.vector_load %arg7[%get3A_370, %get3A_371, %get3A_372] {strides = array<i32>} : memref<3x32x512xf32, #tpu.memory_space<vmem>>, vector<1x1x16xf32>,
        %get3A_374 = vector.shape_cast %get3A_373 : vector<1x1x16xf32> to vector<16xf32>
        %sub3A_375 = arith.subf %get3A_368, %get3A_374 : vector<16xf32>
        %mul3A_376 = arith.mulf %sub3A_375, %sub3A_375 : vector<16xf32>
        %add3A_377 = arith.addf %add3A_317, %mul3A_376 : vector<16xf32>
        %get3A_378 = arith.constant 2 : i32
        %get3A_379 = arith.index_cast %get3A_378 : i32 to index
        %get3A_380 = arith.index_cast %scan3A_255 : i32 to index
        %get3A_381 = arith.constant 128 : index
        %get3A_382 = tpu.vector_load %arg8[%get3A_379, %get3A_380, %get3A_381] {strides = array<i32>} : memref<3x32x512xf32, #tpu.memory_space<vmem>>, vector<1x1x16xf32>,
        %get3A_383 = vector.shape_cast %get3A_382 : vector<1x1x16xf32> to vector<16xf32>
        %get3A_384 = arith.constant 2 : i32
        %get3A_385 = arith.index_cast %get3A_384 : i32 to index
        %get3A_386 = arith.index_cast %scan3A_255 : i32 to index
        %get3A_387 = arith.constant 128 : index
        %get3A_388 = tpu.vector_load %arg7[%get3A_385, %get3A_386, %get3A_387] {strides = array<i32>} : memref<3x32x512xf32, #tpu.memory_space<vmem>>, vector<1x1x16xf32>,
        %get3A_389 = vector.shape_cast %get3A_388 : vector<1x1x16xf32> to vector<16xf32>
        %sub3A_390 = arith.subf %get3A_383, %get3A_389 : vector<16xf32>
        %mul3A_391 = arith.mulf %sub3A_390, %sub3A_390 : vector<16xf32>
        %add3A_392 = arith.addf %add3A_332, %mul3A_391 : vector<16xf32>
        %get3A_393 = arith.constant 2 : i32
        %get3A_394 = arith.index_cast %get3A_393 : i32 to index
        %get3A_395 = arith.index_cast %scan3A_255 : i32 to index
        %get3A_396 = arith.constant 144 : index
        %get3A_397 = tpu.vector_load %arg8[%get3A_394, %get3A_395, %get3A_396] {strides = array<i32>} : memref<3x32x512xf32, #tpu.memory_space<vmem>>, vector<1x1x16xf32>,
        %get3A_398 = vector.shape_cast %get3A_397 : vector<1x1x16xf32> to vector<16xf32>
        %get3A_399 = arith.constant 2 : i32
        %get3A_400 = arith.index_cast %get3A_399 : i32 to index
        %get3A_401 = arith.index_cast %scan3A_255 : i32 to index
        %get3A_402 = arith.constant 144 : index
        %get3A_403 = tpu.vector_load %arg7[%get3A_400, %get3A_401, %get3A_402] {strides = array<i32>} : memref<3x32x512xf32, #tpu.memory_space<vmem>>, vector<1x1x16xf32>,
        %get3A_404 = vector.shape_cast %get3A_403 : vector<1x1x16xf32> to vector<16xf32>
        %sub3A_405 = arith.subf %get3A_398, %get3A_404 : vector<16xf32>
        %mul3A_406 = arith.mulf %sub3A_405, %sub3A_405 : vector<16xf32>
        %add3A_407 = arith.addf %add3A_347, %mul3A_406 : vector<16xf32>
        %get3A_408 = arith.constant 2 : i32
        %get3A_409 = arith.index_cast %get3A_408 : i32 to index
        %get3A_410 = arith.index_cast %scan3A_255 : i32 to index
        %get3A_411 = arith.constant 160 : index
        %get3A_412 = tpu.vector_load %arg8[%get3A_409, %get3A_410, %get3A_411] {strides = array<i32>} : memref<3x32x512xf32, #tpu.memory_space<vmem>>, vector<1x1x16xf32>,
        %get3A_413 = vector.shape_cast %get3A_412 : vector<1x1x16xf32> to vector<16xf32>
        %get3A_414 = arith.constant 2 : i32
        %get3A_415 = arith.index_cast %get3A_414 : i32 to index
        %get3A_416 = arith.index_cast %scan3A_255 : i32 to index
        %get3A_417 = arith.constant 160 : index
        %get3A_418 = tpu.vector_load %arg7[%get3A_415, %get3A_416, %get3A_417] {strides = array<i32>} : memref<3x32x512xf32, #tpu.memory_space<vmem>>, vector<1x1x16xf32>,
        %get3A_419 = vector.shape_cast %get3A_418 : vector<1x1x16xf32> to vector<16xf32>
        %sub3A_420 = arith.subf %get3A_413, %get3A_419 : vector<16xf32>
        %mul3A_421 = arith.mulf %sub3A_420, %sub3A_420 : vector<16xf32>
        %add3A_422 = arith.addf %add3A_362, %mul3A_421 : vector<16xf32>
        %get3A_423 = arith.constant 2 : i32
        %get3A_424 = arith.index_cast %get3A_423 : i32 to index
        %get3A_425 = arith.index_cast %scan3A_255 : i32 to index
        %get3A_426 = arith.constant 176 : index
        %get3A_427 = tpu.vector_load %arg8[%get3A_424, %get3A_425, %get3A_426] {strides = array<i32>} : memref<3x32x512xf32, #tpu.memory_space<vmem>>, vector<1x1x16xf32>,
        %get3A_428 = vector.shape_cast %get3A_427 : vector<1x1x16xf32> to vector<16xf32>
        %get3A_429 = arith.constant 2 : i32
        %get3A_430 = arith.index_cast %get3A_429 : i32 to index
        %get3A_431 = arith.index_cast %scan3A_255 : i32 to index
        %get3A_432 = arith.constant 176 : index
        %get3A_433 = tpu.vector_load %arg7[%get3A_430, %get3A_431, %get3A_432] {strides = array<i32>} : memref<3x32x512xf32, #tpu.memory_space<vmem>>, vector<1x1x16xf32>,
        %get3A_434 = vector.shape_cast %get3A_433 : vector<1x1x16xf32> to vector<16xf32>
        %sub3A_435 = arith.subf %get3A_428, %get3A_434 : vector<16xf32>
        %mul3A_436 = arith.mulf %sub3A_435, %sub3A_435 : vector<16xf32>
        %add3A_437 = arith.addf %add3A_377, %mul3A_436 : vector<16xf32>
        %get3A_438 = arith.constant 2 : i32
        %get3A_439 = arith.index_cast %get3A_438 : i32 to index
        %get3A_440 = arith.index_cast %scan3A_255 : i32 to index
        %get3A_441 = arith.constant 192 : index
        %get3A_442 = tpu.vector_load %arg8[%get3A_439, %get3A_440, %get3A_441] {strides = array<i32>} : memref<3x32x512xf32, #tpu.memory_space<vmem>>, vector<1x1x16xf32>,
        %get3A_443 = vector.shape_cast %get3A_442 : vector<1x1x16xf32> to vector<16xf32>
        %get3A_444 = arith.constant 2 : i32
        %get3A_445 = arith.index_cast %get3A_444 : i32 to index
        %get3A_446 = arith.index_cast %scan3A_255 : i32 to index
        %get3A_447 = arith.constant 192 : index
        %get3A_448 = tpu.vector_load %arg7[%get3A_445, %get3A_446, %get3A_447] {strides = array<i32>} : memref<3x32x512xf32, #tpu.memory_space<vmem>>, vector<1x1x16xf32>,
        %get3A_449 = vector.shape_cast %get3A_448 : vector<1x1x16xf32> to vector<16xf32>
        %sub3A_450 = arith.subf %get3A_443, %get3A_449 : vector<16xf32>
        %mul3A_451 = arith.mulf %sub3A_450, %sub3A_450 : vector<16xf32>
        %add3A_452 = arith.addf %add3A_392, %mul3A_451 : vector<16xf32>
        %get3A_453 = arith.constant 2 : i32
        %get3A_454 = arith.index_cast %get3A_453 : i32 to index
        %get3A_455 = arith.index_cast %scan3A_255 : i32 to index
        %get3A_456 = arith.constant 208 : index
        %get3A_457 = tpu.vector_load %arg8[%get3A_454, %get3A_455, %get3A_456] {strides = array<i32>} : memref<3x32x512xf32, #tpu.memory_space<vmem>>, vector<1x1x16xf32>,
        %get3A_458 = vector.shape_cast %get3A_457 : vector<1x1x16xf32> to vector<16xf32>
        %get3A_459 = arith.constant 2 : i32
        %get3A_460 = arith.index_cast %get3A_459 : i32 to index
        %get3A_461 = arith.index_cast %scan3A_255 : i32 to index
        %get3A_462 = arith.constant 208 : index
        %get3A_463 = tpu.vector_load %arg7[%get3A_460, %get3A_461, %get3A_462] {strides = array<i32>} : memref<3x32x512xf32, #tpu.memory_space<vmem>>, vector<1x1x16xf32>,
        %get3A_464 = vector.shape_cast %get3A_463 : vector<1x1x16xf32> to vector<16xf32>
        %sub3A_465 = arith.subf %get3A_458, %get3A_464 : vector<16xf32>
        %mul3A_466 = arith.mulf %sub3A_465, %sub3A_465 : vector<16xf32>
        %add3A_467 = arith.addf %add3A_407, %mul3A_466 : vector<16xf32>
        %get3A_468 = arith.constant 2 : i32
        %get3A_469 = arith.index_cast %get3A_468 : i32 to index
        %get3A_470 = arith.index_cast %scan3A_255 : i32 to index
        %get3A_471 = arith.constant 224 : index
        %get3A_472 = tpu.vector_load %arg8[%get3A_469, %get3A_470, %get3A_471] {strides = array<i32>} : memref<3x32x512xf32, #tpu.memory_space<vmem>>, vector<1x1x16xf32>,
        %get3A_473 = vector.shape_cast %get3A_472 : vector<1x1x16xf32> to vector<16xf32>
        %get3A_474 = arith.constant 2 : i32
        %get3A_475 = arith.index_cast %get3A_474 : i32 to index
        %get3A_476 = arith.index_cast %scan3A_255 : i32 to index
        %get3A_477 = arith.constant 224 : index
        %get3A_478 = tpu.vector_load %arg7[%get3A_475, %get3A_476, %get3A_477] {strides = array<i32>} : memref<3x32x512xf32, #tpu.memory_space<vmem>>, vector<1x1x16xf32>,
        %get3A_479 = vector.shape_cast %get3A_478 : vector<1x1x16xf32> to vector<16xf32>
        %sub3A_480 = arith.subf %get3A_473, %get3A_479 : vector<16xf32>
        %mul3A_481 = arith.mulf %sub3A_480, %sub3A_480 : vector<16xf32>
        %add3A_482 = arith.addf %add3A_422, %mul3A_481 : vector<16xf32>
        %get3A_483 = arith.constant 2 : i32
        %get3A_484 = arith.index_cast %get3A_483 : i32 to index
        %get3A_485 = arith.index_cast %scan3A_255 : i32 to index
        %get3A_486 = arith.constant 240 : index
        %get3A_487 = tpu.vector_load %arg8[%get3A_484, %get3A_485, %get3A_486] {strides = array<i32>} : memref<3x32x512xf32, #tpu.memory_space<vmem>>, vector<1x1x16xf32>,
        %get3A_488 = vector.shape_cast %get3A_487 : vector<1x1x16xf32> to vector<16xf32>
        %get3A_489 = arith.constant 2 : i32
        %get3A_490 = arith.index_cast %get3A_489 : i32 to index
        %get3A_491 = arith.index_cast %scan3A_255 : i32 to index
        %get3A_492 = arith.constant 240 : index
        %get3A_493 = tpu.vector_load %arg7[%get3A_490, %get3A_491, %get3A_492] {strides = array<i32>} : memref<3x32x512xf32, #tpu.memory_space<vmem>>, vector<1x1x16xf32>,
        %get3A_494 = vector.shape_cast %get3A_493 : vector<1x1x16xf32> to vector<16xf32>
        %sub3A_495 = arith.subf %get3A_488, %get3A_494 : vector<16xf32>
        %mul3A_496 = arith.mulf %sub3A_495, %sub3A_495 : vector<16xf32>
        %add3A_497 = arith.addf %add3A_437, %mul3A_496 : vector<16xf32>
        %get3A_498 = arith.constant 2 : i32
        %get3A_499 = arith.index_cast %get3A_498 : i32 to index
        %get3A_500 = arith.index_cast %scan3A_255 : i32 to index
        %get3A_501 = arith.constant 256 : index
        %get3A_502 = tpu.vector_load %arg8[%get3A_499, %get3A_500, %get3A_501] {strides = array<i32>} : memref<3x32x512xf32, #tpu.memory_space<vmem>>, vector<1x1x16xf32>,
        %get3A_503 = vector.shape_cast %get3A_502 : vector<1x1x16xf32> to vector<16xf32>
        %get3A_504 = arith.constant 2 : i32
        %get3A_505 = arith.index_cast %get3A_504 : i32 to index
        %get3A_506 = arith.index_cast %scan3A_255 : i32 to index
        %get3A_507 = arith.constant 256 : index
        %get3A_508 = tpu.vector_load %arg7[%get3A_505, %get3A_506, %get3A_507] {strides = array<i32>} : memref<3x32x512xf32, #tpu.memory_space<vmem>>, vector<1x1x16xf32>,
        %get3A_509 = vector.shape_cast %get3A_508 : vector<1x1x16xf32> to vector<16xf32>
        %sub3A_510 = arith.subf %get3A_503, %get3A_509 : vector<16xf32>
        %mul3A_511 = arith.mulf %sub3A_510, %sub3A_510 : vector<16xf32>
        %add3A_512 = arith.addf %add3A_452, %mul3A_511 : vector<16xf32>
        %get3A_513 = arith.constant 2 : i32
        %get3A_514 = arith.index_cast %get3A_513 : i32 to index
        %get3A_515 = arith.index_cast %scan3A_255 : i32 to index
        %get3A_516 = arith.constant 272 : index
        %get3A_517 = tpu.vector_load %arg8[%get3A_514, %get3A_515, %get3A_516] {strides = array<i32>} : memref<3x32x512xf32, #tpu.memory_space<vmem>>, vector<1x1x16xf32>,
        %get3A_518 = vector.shape_cast %get3A_517 : vector<1x1x16xf32> to vector<16xf32>
        %get3A_519 = arith.constant 2 : i32
        %get3A_520 = arith.index_cast %get3A_519 : i32 to index
        %get3A_521 = arith.index_cast %scan3A_255 : i32 to index
        %get3A_522 = arith.constant 272 : index
        %get3A_523 = tpu.vector_load %arg7[%get3A_520, %get3A_521, %get3A_522] {strides = array<i32>} : memref<3x32x512xf32, #tpu.memory_space<vmem>>, vector<1x1x16xf32>,
        %get3A_524 = vector.shape_cast %get3A_523 : vector<1x1x16xf32> to vector<16xf32>
        %sub3A_525 = arith.subf %get3A_518, %get3A_524 : vector<16xf32>
        %mul3A_526 = arith.mulf %sub3A_525, %sub3A_525 : vector<16xf32>
        %add3A_527 = arith.addf %add3A_467, %mul3A_526 : vector<16xf32>
        %get3A_528 = arith.constant 2 : i32
        %get3A_529 = arith.index_cast %get3A_528 : i32 to index
        %get3A_530 = arith.index_cast %scan3A_255 : i32 to index
        %get3A_531 = arith.constant 288 : index
        %get3A_532 = tpu.vector_load %arg8[%get3A_529, %get3A_530, %get3A_531] {strides = array<i32>} : memref<3x32x512xf32, #tpu.memory_space<vmem>>, vector<1x1x16xf32>,
        %get3A_533 = vector.shape_cast %get3A_532 : vector<1x1x16xf32> to vector<16xf32>
        %get3A_534 = arith.constant 2 : i32
        %get3A_535 = arith.index_cast %get3A_534 : i32 to index
        %get3A_536 = arith.index_cast %scan3A_255 : i32 to index
        %get3A_537 = arith.constant 288 : index
        %get3A_538 = tpu.vector_load %arg7[%get3A_535, %get3A_536, %get3A_537] {strides = array<i32>} : memref<3x32x512xf32, #tpu.memory_space<vmem>>, vector<1x1x16xf32>,
        %get3A_539 = vector.shape_cast %get3A_538 : vector<1x1x16xf32> to vector<16xf32>
        %sub3A_540 = arith.subf %get3A_533, %get3A_539 : vector<16xf32>
        %mul3A_541 = arith.mulf %sub3A_540, %sub3A_540 : vector<16xf32>
        %add3A_542 = arith.addf %add3A_482, %mul3A_541 : vector<16xf32>
        %get3A_543 = arith.constant 2 : i32
        %get3A_544 = arith.index_cast %get3A_543 : i32 to index
        %get3A_545 = arith.index_cast %scan3A_255 : i32 to index
        %get3A_546 = arith.constant 304 : index
        %get3A_547 = tpu.vector_load %arg8[%get3A_544, %get3A_545, %get3A_546] {strides = array<i32>} : memref<3x32x512xf32, #tpu.memory_space<vmem>>, vector<1x1x16xf32>,
        %get3A_548 = vector.shape_cast %get3A_547 : vector<1x1x16xf32> to vector<16xf32>
        %get3A_549 = arith.constant 2 : i32
        %get3A_550 = arith.index_cast %get3A_549 : i32 to index
        %get3A_551 = arith.index_cast %scan3A_255 : i32 to index
        %get3A_552 = arith.constant 304 : index
        %get3A_553 = tpu.vector_load %arg7[%get3A_550, %get3A_551, %get3A_552] {strides = array<i32>} : memref<3x32x512xf32, #tpu.memory_space<vmem>>, vector<1x1x16xf32>,
        %get3A_554 = vector.shape_cast %get3A_553 : vector<1x1x16xf32> to vector<16xf32>
        %sub3A_555 = arith.subf %get3A_548, %get3A_554 : vector<16xf32>
        %mul3A_556 = arith.mulf %sub3A_555, %sub3A_555 : vector<16xf32>
        %add3A_557 = arith.addf %add3A_497, %mul3A_556 : vector<16xf32>
        %get3A_558 = arith.constant 2 : i32
        %get3A_559 = arith.index_cast %get3A_558 : i32 to index
        %get3A_560 = arith.index_cast %scan3A_255 : i32 to index
        %get3A_561 = arith.constant 320 : index
        %get3A_562 = tpu.vector_load %arg8[%get3A_559, %get3A_560, %get3A_561] {strides = array<i32>} : memref<3x32x512xf32, #tpu.memory_space<vmem>>, vector<1x1x16xf32>,
        %get3A_563 = vector.shape_cast %get3A_562 : vector<1x1x16xf32> to vector<16xf32>
        %get3A_564 = arith.constant 2 : i32
        %get3A_565 = arith.index_cast %get3A_564 : i32 to index
        %get3A_566 = arith.index_cast %scan3A_255 : i32 to index
        %get3A_567 = arith.constant 320 : index
        %get3A_568 = tpu.vector_load %arg7[%get3A_565, %get3A_566, %get3A_567] {strides = array<i32>} : memref<3x32x512xf32, #tpu.memory_space<vmem>>, vector<1x1x16xf32>,
        %get3A_569 = vector.shape_cast %get3A_568 : vector<1x1x16xf32> to vector<16xf32>
        %sub3A_570 = arith.subf %get3A_563, %get3A_569 : vector<16xf32>
        %mul3A_571 = arith.mulf %sub3A_570, %sub3A_570 : vector<16xf32>
        %add3A_572 = arith.addf %add3A_512, %mul3A_571 : vector<16xf32>
        %get3A_573 = arith.constant 2 : i32
        %get3A_574 = arith.index_cast %get3A_573 : i32 to index
        %get3A_575 = arith.index_cast %scan3A_255 : i32 to index
        %get3A_576 = arith.constant 336 : index
        %get3A_577 = tpu.vector_load %arg8[%get3A_574, %get3A_575, %get3A_576] {strides = array<i32>} : memref<3x32x512xf32, #tpu.memory_space<vmem>>, vector<1x1x16xf32>,
        %get3A_578 = vector.shape_cast %get3A_577 : vector<1x1x16xf32> to vector<16xf32>
        %get3A_579 = arith.constant 2 : i32
        %get3A_580 = arith.index_cast %get3A_579 : i32 to index
        %get3A_581 = arith.index_cast %scan3A_255 : i32 to index
        %get3A_582 = arith.constant 336 : index
        %get3A_583 = tpu.vector_load %arg7[%get3A_580, %get3A_581, %get3A_582] {strides = array<i32>} : memref<3x32x512xf32, #tpu.memory_space<vmem>>, vector<1x1x16xf32>,
        %get3A_584 = vector.shape_cast %get3A_583 : vector<1x1x16xf32> to vector<16xf32>
        %sub3A_585 = arith.subf %get3A_578, %get3A_584 : vector<16xf32>
        %mul3A_586 = arith.mulf %sub3A_585, %sub3A_585 : vector<16xf32>
        %add3A_587 = arith.addf %add3A_527, %mul3A_586 : vector<16xf32>
        %get3A_588 = arith.constant 2 : i32
        %get3A_589 = arith.index_cast %get3A_588 : i32 to index
        %get3A_590 = arith.index_cast %scan3A_255 : i32 to index
        %get3A_591 = arith.constant 352 : index
        %get3A_592 = tpu.vector_load %arg8[%get3A_589, %get3A_590, %get3A_591] {strides = array<i32>} : memref<3x32x512xf32, #tpu.memory_space<vmem>>, vector<1x1x16xf32>,
        %get3A_593 = vector.shape_cast %get3A_592 : vector<1x1x16xf32> to vector<16xf32>
        %get3A_594 = arith.constant 2 : i32
        %get3A_595 = arith.index_cast %get3A_594 : i32 to index
        %get3A_596 = arith.index_cast %scan3A_255 : i32 to index
        %get3A_597 = arith.constant 352 : index
        %get3A_598 = tpu.vector_load %arg7[%get3A_595, %get3A_596, %get3A_597] {strides = array<i32>} : memref<3x32x512xf32, #tpu.memory_space<vmem>>, vector<1x1x16xf32>,
        %get3A_599 = vector.shape_cast %get3A_598 : vector<1x1x16xf32> to vector<16xf32>
        %sub3A_600 = arith.subf %get3A_593, %get3A_599 : vector<16xf32>
        %mul3A_601 = arith.mulf %sub3A_600, %sub3A_600 : vector<16xf32>
        %add3A_602 = arith.addf %add3A_542, %mul3A_601 : vector<16xf32>
        %get3A_603 = arith.constant 2 : i32
        %get3A_604 = arith.index_cast %get3A_603 : i32 to index
        %get3A_605 = arith.index_cast %scan3A_255 : i32 to index
        %get3A_606 = arith.constant 368 : index
        %get3A_607 = tpu.vector_load %arg8[%get3A_604, %get3A_605, %get3A_606] {strides = array<i32>} : memref<3x32x512xf32, #tpu.memory_space<vmem>>, vector<1x1x16xf32>,
        %get3A_608 = vector.shape_cast %get3A_607 : vector<1x1x16xf32> to vector<16xf32>
        %get3A_609 = arith.constant 2 : i32
        %get3A_610 = arith.index_cast %get3A_609 : i32 to index
        %get3A_611 = arith.index_cast %scan3A_255 : i32 to index
        %get3A_612 = arith.constant 368 : index
        %get3A_613 = tpu.vector_load %arg7[%get3A_610, %get3A_611, %get3A_612] {strides = array<i32>} : memref<3x32x512xf32, #tpu.memory_space<vmem>>, vector<1x1x16xf32>,
        %get3A_614 = vector.shape_cast %get3A_613 : vector<1x1x16xf32> to vector<16xf32>
        %sub3A_615 = arith.subf %get3A_608, %get3A_614 : vector<16xf32>
        %mul3A_616 = arith.mulf %sub3A_615, %sub3A_615 : vector<16xf32>
        %add3A_617 = arith.addf %add3A_557, %mul3A_616 : vector<16xf32>
        %get3A_618 = arith.constant 2 : i32
        %get3A_619 = arith.index_cast %get3A_618 : i32 to index
        %get3A_620 = arith.index_cast %scan3A_255 : i32 to index
        %get3A_621 = arith.constant 384 : index
        %get3A_622 = tpu.vector_load %arg8[%get3A_619, %get3A_620, %get3A_621] {strides = array<i32>} : memref<3x32x512xf32, #tpu.memory_space<vmem>>, vector<1x1x16xf32>,
        %get3A_623 = vector.shape_cast %get3A_622 : vector<1x1x16xf32> to vector<16xf32>
        %get3A_624 = arith.constant 2 : i32
        %get3A_625 = arith.index_cast %get3A_624 : i32 to index
        %get3A_626 = arith.index_cast %scan3A_255 : i32 to index
        %get3A_627 = arith.constant 384 : index
        %get3A_628 = tpu.vector_load %arg7[%get3A_625, %get3A_626, %get3A_627] {strides = array<i32>} : memref<3x32x512xf32, #tpu.memory_space<vmem>>, vector<1x1x16xf32>,
        %get3A_629 = vector.shape_cast %get3A_628 : vector<1x1x16xf32> to vector<16xf32>
        %sub3A_630 = arith.subf %get3A_623, %get3A_629 : vector<16xf32>
        %mul3A_631 = arith.mulf %sub3A_630, %sub3A_630 : vector<16xf32>
        %add3A_632 = arith.addf %add3A_572, %mul3A_631 : vector<16xf32>
        %get3A_633 = arith.constant 2 : i32
        %get3A_634 = arith.index_cast %get3A_633 : i32 to index
        %get3A_635 = arith.index_cast %scan3A_255 : i32 to index
        %get3A_636 = arith.constant 400 : index
        %get3A_637 = tpu.vector_load %arg8[%get3A_634, %get3A_635, %get3A_636] {strides = array<i32>} : memref<3x32x512xf32, #tpu.memory_space<vmem>>, vector<1x1x16xf32>,
        %get3A_638 = vector.shape_cast %get3A_637 : vector<1x1x16xf32> to vector<16xf32>
        %get3A_639 = arith.constant 2 : i32
        %get3A_640 = arith.index_cast %get3A_639 : i32 to index
        %get3A_641 = arith.index_cast %scan3A_255 : i32 to index
        %get3A_642 = arith.constant 400 : index
        %get3A_643 = tpu.vector_load %arg7[%get3A_640, %get3A_641, %get3A_642] {strides = array<i32>} : memref<3x32x512xf32, #tpu.memory_space<vmem>>, vector<1x1x16xf32>,
        %get3A_644 = vector.shape_cast %get3A_643 : vector<1x1x16xf32> to vector<16xf32>
        %sub3A_645 = arith.subf %get3A_638, %get3A_644 : vector<16xf32>
        %mul3A_646 = arith.mulf %sub3A_645, %sub3A_645 : vector<16xf32>
        %add3A_647 = arith.addf %add3A_587, %mul3A_646 : vector<16xf32>
        %get3A_648 = arith.constant 2 : i32
        %get3A_649 = arith.index_cast %get3A_648 : i32 to index
        %get3A_650 = arith.index_cast %scan3A_255 : i32 to index
        %get3A_651 = arith.constant 416 : index
        %get3A_652 = tpu.vector_load %arg8[%get3A_649, %get3A_650, %get3A_651] {strides = array<i32>} : memref<3x32x512xf32, #tpu.memory_space<vmem>>, vector<1x1x16xf32>,
        %get3A_653 = vector.shape_cast %get3A_652 : vector<1x1x16xf32> to vector<16xf32>
        %get3A_654 = arith.constant 2 : i32
        %get3A_655 = arith.index_cast %get3A_654 : i32 to index
        %get3A_656 = arith.index_cast %scan3A_255 : i32 to index
        %get3A_657 = arith.constant 416 : index
        %get3A_658 = tpu.vector_load %arg7[%get3A_655, %get3A_656, %get3A_657] {strides = array<i32>} : memref<3x32x512xf32, #tpu.memory_space<vmem>>, vector<1x1x16xf32>,
        %get3A_659 = vector.shape_cast %get3A_658 : vector<1x1x16xf32> to vector<16xf32>
        %sub3A_660 = arith.subf %get3A_653, %get3A_659 : vector<16xf32>
        %mul3A_661 = arith.mulf %sub3A_660, %sub3A_660 : vector<16xf32>
        %add3A_662 = arith.addf %add3A_602, %mul3A_661 : vector<16xf32>
        %get3A_663 = arith.constant 2 : i32
        %get3A_664 = arith.index_cast %get3A_663 : i32 to index
        %get3A_665 = arith.index_cast %scan3A_255 : i32 to index
        %get3A_666 = arith.constant 432 : index
        %get3A_667 = tpu.vector_load %arg8[%get3A_664, %get3A_665, %get3A_666] {strides = array<i32>} : memref<3x32x512xf32, #tpu.memory_space<vmem>>, vector<1x1x16xf32>,
        %get3A_668 = vector.shape_cast %get3A_667 : vector<1x1x16xf32> to vector<16xf32>
        %get3A_669 = arith.constant 2 : i32
        %get3A_670 = arith.index_cast %get3A_669 : i32 to index
        %get3A_671 = arith.index_cast %scan3A_255 : i32 to index
        %get3A_672 = arith.constant 432 : index
        %get3A_673 = tpu.vector_load %arg7[%get3A_670, %get3A_671, %get3A_672] {strides = array<i32>} : memref<3x32x512xf32, #tpu.memory_space<vmem>>, vector<1x1x16xf32>,
        %get3A_674 = vector.shape_cast %get3A_673 : vector<1x1x16xf32> to vector<16xf32>
        %sub3A_675 = arith.subf %get3A_668, %get3A_674 : vector<16xf32>
        %mul3A_676 = arith.mulf %sub3A_675, %sub3A_675 : vector<16xf32>
        %add3A_677 = arith.addf %add3A_617, %mul3A_676 : vector<16xf32>
        %get3A_678 = arith.constant 2 : i32
        %get3A_679 = arith.index_cast %get3A_678 : i32 to index
        %get3A_680 = arith.index_cast %scan3A_255 : i32 to index
        %get3A_681 = arith.constant 448 : index
        %get3A_682 = tpu.vector_load %arg8[%get3A_679, %get3A_680, %get3A_681] {strides = array<i32>} : memref<3x32x512xf32, #tpu.memory_space<vmem>>, vector<1x1x16xf32>,
        %get3A_683 = vector.shape_cast %get3A_682 : vector<1x1x16xf32> to vector<16xf32>
        %get3A_684 = arith.constant 2 : i32
        %get3A_685 = arith.index_cast %get3A_684 : i32 to index
        %get3A_686 = arith.index_cast %scan3A_255 : i32 to index
        %get3A_687 = arith.constant 448 : index
        %get3A_688 = tpu.vector_load %arg7[%get3A_685, %get3A_686, %get3A_687] {strides = array<i32>} : memref<3x32x512xf32, #tpu.memory_space<vmem>>, vector<1x1x16xf32>,
        %get3A_689 = vector.shape_cast %get3A_688 : vector<1x1x16xf32> to vector<16xf32>
        %sub3A_690 = arith.subf %get3A_683, %get3A_689 : vector<16xf32>
        %mul3A_691 = arith.mulf %sub3A_690, %sub3A_690 : vector<16xf32>
        %add3A_692 = arith.addf %add3A_632, %mul3A_691 : vector<16xf32>
        %get3A_693 = arith.constant 2 : i32
        %get3A_694 = arith.index_cast %get3A_693 : i32 to index
        %get3A_695 = arith.index_cast %scan3A_255 : i32 to index
        %get3A_696 = arith.constant 464 : index
        %get3A_697 = tpu.vector_load %arg8[%get3A_694, %get3A_695, %get3A_696] {strides = array<i32>} : memref<3x32x512xf32, #tpu.memory_space<vmem>>, vector<1x1x16xf32>,
        %get3A_698 = vector.shape_cast %get3A_697 : vector<1x1x16xf32> to vector<16xf32>
        %get3A_699 = arith.constant 2 : i32
        %get3A_700 = arith.index_cast %get3A_699 : i32 to index
        %get3A_701 = arith.index_cast %scan3A_255 : i32 to index
        %get3A_702 = arith.constant 464 : index
        %get3A_703 = tpu.vector_load %arg7[%get3A_700, %get3A_701, %get3A_702] {strides = array<i32>} : memref<3x32x512xf32, #tpu.memory_space<vmem>>, vector<1x1x16xf32>,
        %get3A_704 = vector.shape_cast %get3A_703 : vector<1x1x16xf32> to vector<16xf32>
        %sub3A_705 = arith.subf %get3A_698, %get3A_704 : vector<16xf32>
        %mul3A_706 = arith.mulf %sub3A_705, %sub3A_705 : vector<16xf32>
        %add3A_707 = arith.addf %add3A_647, %mul3A_706 : vector<16xf32>
        %get3A_708 = arith.constant 2 : i32
        %get3A_709 = arith.index_cast %get3A_708 : i32 to index
        %get3A_710 = arith.index_cast %scan3A_255 : i32 to index
        %get3A_711 = arith.constant 480 : index
        %get3A_712 = tpu.vector_load %arg8[%get3A_709, %get3A_710, %get3A_711] {strides = array<i32>} : memref<3x32x512xf32, #tpu.memory_space<vmem>>, vector<1x1x16xf32>,
        %get3A_713 = vector.shape_cast %get3A_712 : vector<1x1x16xf32> to vector<16xf32>
        %get3A_714 = arith.constant 2 : i32
        %get3A_715 = arith.index_cast %get3A_714 : i32 to index
        %get3A_716 = arith.index_cast %scan3A_255 : i32 to index
        %get3A_717 = arith.constant 480 : index
        %get3A_718 = tpu.vector_load %arg7[%get3A_715, %get3A_716, %get3A_717] {strides = array<i32>} : memref<3x32x512xf32, #tpu.memory_space<vmem>>, vector<1x1x16xf32>,
        %get3A_719 = vector.shape_cast %get3A_718 : vector<1x1x16xf32> to vector<16xf32>
        %sub3A_720 = arith.subf %get3A_713, %get3A_719 : vector<16xf32>
        %mul3A_721 = arith.mulf %sub3A_720, %sub3A_720 : vector<16xf32>
        %add3A_722 = arith.addf %add3A_662, %mul3A_721 : vector<16xf32>
        %get3A_723 = arith.constant 2 : i32
        %get3A_724 = arith.index_cast %get3A_723 : i32 to index
        %get3A_725 = arith.index_cast %scan3A_255 : i32 to index
        %get3A_726 = arith.constant 496 : index
        %get3A_727 = tpu.vector_load %arg8[%get3A_724, %get3A_725, %get3A_726] {strides = array<i32>} : memref<3x32x512xf32, #tpu.memory_space<vmem>>, vector<1x1x16xf32>,
        %get3A_728 = vector.shape_cast %get3A_727 : vector<1x1x16xf32> to vector<16xf32>
        %get3A_729 = arith.constant 2 : i32
        %get3A_730 = arith.index_cast %get3A_729 : i32 to index
        %get3A_731 = arith.index_cast %scan3A_255 : i32 to index
        %get3A_732 = arith.constant 496 : index
        %get3A_733 = tpu.vector_load %arg7[%get3A_730, %get3A_731, %get3A_732] {strides = array<i32>} : memref<3x32x512xf32, #tpu.memory_space<vmem>>, vector<1x1x16xf32>,
        %get3A_734 = vector.shape_cast %get3A_733 : vector<1x1x16xf32> to vector<16xf32>
        %sub3A_735 = arith.subf %get3A_728, %get3A_734 : vector<16xf32>
        %mul3A_736 = arith.mulf %sub3A_735, %sub3A_735 : vector<16xf32>
        %add3A_737 = arith.addf %add3A_677, %mul3A_736 : vector<16xf32>
        scf.yield %add3A_692, %add3A_707, %add3A_722, %add3A_737 : vector<16xf32>, vector<16xf32>, vector<16xf32>, vector<16xf32>
      }
      %scan3A_245 = arith.constant 32 : i32
      %add3A_246 = arith.constant 2 : i32
      %add3A_247 = arith.addi %mul3A_125, %add3A_246 : i32
      %add3A_248 = arith.constant 3 : i32
      %add3A_249 = arith.addi %add3A_247, %add3A_248 : i32
      %lt3A_250 = arith.constant 16 : i32
      %lt3A_251 = arith.cmpi slt, %add3A_249, %lt3A_250 : i32
      %convert_element_type3A_252 = arith.extui %lt3A_251 : i1 to i32
      %cond3A_253 = arith.constant 0 : i32
      %cond3A_254 = arith.cmpi ne, %convert_element_type3A_252, %cond3A_253 : i32
      scf.if %cond3A_254 {
        %mul3A_255 = arith.constant 32 : i32
        %mul3A_256 = arith.muli %add3A_249, %mul3A_255 : i32
        %add3A_257 = arith.addi %mul3A_2, %mul3A_256 : i32
        %mul3A_258 = arith.constant 32 : i32
        %mul3A_259 = arith.muli %add3A_249, %mul3A_258 : i32
        %dma_start3A_260 = arith.constant 2 : i32
        %dma_start3A_261 = arith.constant 0 : i32
        %dma_start3A_262 = arith.constant 0 : i32
        %dma_start3A_263 = tpu.memref_slice %arg7[%dma_start3A_260, %dma_start3A_261, %dma_start3A_262] : memref<3x32x512xf32, #tpu.memory_space<vmem>> -> memref<1x32x512xf32, #tpu.memory_space<vmem>>
        %dma_start3A_264 = tpu.memref_squeeze %dma_start3A_263 : memref<1x32x512xf32, #tpu.memory_space<vmem>> -> memref<32x512xf32, #tpu.memory_space<vmem>>
        %dma_start3A_265 = tpu.memref_slice %arg6[%mul3A_259] : memref<512xi32, #tpu.memory_space<vmem>> -> memref<32xi32, #tpu.memory_space<vmem>>
        %dma_start3A_266 = arith.constant 0 : i32
        %dma_start3A_267 = arith.constant 0 : i32
        %dma_start3A_268 = tpu.memref_slice %arg4[%dma_start3A_266, %dma_start3A_267] : memref<100000x512xf32, #tpu.memory_space<hbm>> -> memref<100000x512xf32, #tpu.memory_space<hbm>>
        tpu.enqueue_indirect_dma source(%dma_start3A_268 : memref<100000x512xf32, #tpu.memory_space<hbm>>) target(%dma_start3A_264 : memref<32x512xf32, #tpu.memory_space<vmem>>) offsets(%dma_start3A_265 : memref<32xi32, #tpu.memory_space<vmem>>) semaphore(%arg12 : memref<!tpu.dma_semaphore, #tpu.memory_space<semaphore_mem>>)
        %dma_start3A_269 = arith.constant 2 : i32
        %dma_start3A_270 = arith.constant 0 : i32
        %dma_start3A_271 = arith.constant 0 : i32
        %dma_start3A_272 = tpu.memref_slice %arg8[%dma_start3A_269, %dma_start3A_270, %dma_start3A_271] : memref<3x32x512xf32, #tpu.memory_space<vmem>> -> memref<1x32x512xf32, #tpu.memory_space<vmem>>
        %dma_start3A_273 = tpu.memref_squeeze %dma_start3A_272 : memref<1x32x512xf32, #tpu.memory_space<vmem>> -> memref<32x512xf32, #tpu.memory_space<vmem>>
        %dma_start3A_274 = arith.constant 0 : i32
        %dma_start3A_275 = tpu.memref_slice %arg2[%add3A_257, %dma_start3A_274] : memref<16384x512xf32, #tpu.memory_space<hbm>> -> memref<32x512xf32, #tpu.memory_space<hbm>>
        %dma_start3A_276 = arith.constant 0 : i32
        %dma_start3A_277 = arith.constant 0 : i32
        %dma_start3A_278 = tpu.memref_slice %arg8[%dma_start3A_269, %dma_start3A_276, %dma_start3A_277] : memref<3x32x512xf32, #tpu.memory_space<vmem>> -> memref<1x32x512xf32, #tpu.memory_space<vmem>>
        %dma_start3A_279 = tpu.memref_squeeze %dma_start3A_278 : memref<1x32x512xf32, #tpu.memory_space<vmem>> -> memref<32x512xf32, #tpu.memory_space<vmem>>
        %dma_start3A_280 = arith.constant 0 : i32
        %dma_start3A_281 = tpu.memref_slice %arg2[%add3A_257, %dma_start3A_280] : memref<16384x512xf32, #tpu.memory_space<hbm>> -> memref<32x512xf32, #tpu.memory_space<hbm>>
        tpu.enqueue_dma source(%dma_start3A_281 : memref<32x512xf32, #tpu.memory_space<hbm>>) target(%dma_start3A_279 : memref<32x512xf32, #tpu.memory_space<vmem>>) target_semaphore(%arg15 : memref<!tpu.dma_semaphore, #tpu.memory_space<semaphore_mem>>)
      } else {
      }
      scf.yield %scan3A_244#0, %scan3A_244#1, %scan3A_244#2, %scan3A_244#3 : vector<16xf32>, vector<16xf32>, vector<16xf32>, vector<16xf32>
    }
    %scan3A_82 = arith.constant 5 : i32
    %add3A_83 = arith.constant 480 : i32
    %add3A_84 = arith.addi %mul3A_2, %add3A_83 : i32
    %dma_wait3A = arith.constant 0 : i32
    %dma_wait3A_85 = arith.constant 0 : i32
    %dma_wait3A_86 = arith.constant 0 : i32
    %dma_wait3A_87 = tpu.memref_slice %arg7[%dma_wait3A, %dma_wait3A_85, %dma_wait3A_86] : memref<3x32x512xf32, #tpu.memory_space<vmem>> -> memref<1x32x512xf32, #tpu.memory_space<vmem>>
    %dma_wait3A_88 = tpu.memref_squeeze %dma_wait3A_87 : memref<1x32x512xf32, #tpu.memory_space<vmem>> -> memref<32x512xf32, #tpu.memory_space<vmem>>
    %dma_wait3A_89 = arith.constant 480 : i32
    %dma_wait3A_90 = tpu.memref_slice %arg6[%dma_wait3A_89] : memref<512xi32, #tpu.memory_space<vmem>> -> memref<32xi32, #tpu.memory_space<vmem>>
    %dma_wait3A_91 = arith.constant 0 : i32
    %dma_wait3A_92 = arith.constant 0 : i32
    %dma_wait3A_93 = tpu.memref_slice %arg4[%dma_wait3A_91, %dma_wait3A_92] : memref<100000x512xf32, #tpu.memory_space<hbm>> -> memref<100000x512xf32, #tpu.memory_space<hbm>>
    tpu.wait_indirect_dma semaphore(%arg10 : memref<!tpu.dma_semaphore, #tpu.memory_space<semaphore_mem>>) src(%dma_wait3A_93 : memref<100000x512xf32, #tpu.memory_space<hbm>>) dst(%dma_wait3A_88 : memref<32x512xf32, #tpu.memory_space<vmem>>)
    %dma_wait3A_94 = arith.constant 0 : i32
    %dma_wait3A_95 = arith.constant 0 : i32
    %dma_wait3A_96 = arith.constant 0 : i32
    %dma_wait3A_97 = tpu.memref_slice %arg8[%dma_wait3A_94, %dma_wait3A_95, %dma_wait3A_96] : memref<3x32x512xf32, #tpu.memory_space<vmem>> -> memref<1x32x512xf32, #tpu.memory_space<vmem>>
    %dma_wait3A_98 = tpu.memref_squeeze %dma_wait3A_97 : memref<1x32x512xf32, #tpu.memory_space<vmem>> -> memref<32x512xf32, #tpu.memory_space<vmem>>
    %dma_wait3A_99 = arith.constant 0 : i32
    %dma_wait3A_100 = tpu.memref_slice %arg2[%add3A_84, %dma_wait3A_99] : memref<16384x512xf32, #tpu.memory_space<hbm>> -> memref<32x512xf32, #tpu.memory_space<hbm>>
    %dma_wait3A_101 = arith.constant 0 : i32
    %dma_wait3A_102 = arith.constant 0 : i32
    %dma_wait3A_103 = tpu.memref_slice %arg8[%dma_wait3A_94, %dma_wait3A_101, %dma_wait3A_102] : memref<3x32x512xf32, #tpu.memory_space<vmem>> -> memref<1x32x512xf32, #tpu.memory_space<vmem>>
    %dma_wait3A_104 = tpu.memref_squeeze %dma_wait3A_103 : memref<1x32x512xf32, #tpu.memory_space<vmem>> -> memref<32x512xf32, #tpu.memory_space<vmem>>
    %dma_wait3A_105 = arith.constant 0 : i32
    %dma_wait3A_106 = tpu.memref_slice %arg2[%add3A_84, %dma_wait3A_105] : memref<16384x512xf32, #tpu.memory_space<hbm>> -> memref<32x512xf32, #tpu.memory_space<hbm>>
    tpu.wait_dma2 semaphore(%arg13 : memref<!tpu.dma_semaphore, #tpu.memory_space<semaphore_mem>>) src(%dma_wait3A_106 : memref<32x512xf32, #tpu.memory_space<hbm>>) dst(%dma_wait3A_104 : memref<32x512xf32, #tpu.memory_space<vmem>>)
    %scan3A_107 = arith.constant 0 : i32
    %scan3A_108 = arith.constant 32 : i32
    %scan3A_109 = arith.addi %scan3A_107, %scan3A_108 : i32
    %scan3A_110 = arith.constant 1 : i32
    %scan3A_111:4 = scf.for %scan3A_119 = %scan3A_107 to %scan3A_109 step %scan3A_110 iter_args(%scan3A_120 = %scan3A_81#0, %scan3A_121 = %scan3A_81#1, %scan3A_122 = %scan3A_81#2, %scan3A_123 = %scan3A_81#3) -> (vector<16xf32>, vector<16xf32>, vector<16xf32>, vector<16xf32>)  : i32 {
      %get3A = arith.constant 0 : i32
      %get3A_124 = arith.index_cast %get3A : i32 to index
      %get3A_125 = arith.index_cast %scan3A_119 : i32 to index
      %get3A_126 = arith.constant 0 : index
      %get3A_127 = tpu.vector_load %arg8[%get3A_124, %get3A_125, %get3A_126] {strides = array<i32>} : memref<3x32x512xf32, #tpu.memory_space<vmem>>, vector<1x1x16xf32>,
      %get3A_128 = vector.shape_cast %get3A_127 : vector<1x1x16xf32> to vector<16xf32>
      %get3A_129 = arith.constant 0 : i32
      %get3A_130 = arith.index_cast %get3A_129 : i32 to index
      %get3A_131 = arith.index_cast %scan3A_119 : i32 to index
      %get3A_132 = arith.constant 0 : index
      %get3A_133 = tpu.vector_load %arg7[%get3A_130, %get3A_131, %get3A_132] {strides = array<i32>} : memref<3x32x512xf32, #tpu.memory_space<vmem>>, vector<1x1x16xf32>,
      %get3A_134 = vector.shape_cast %get3A_133 : vector<1x1x16xf32> to vector<16xf32>
      %sub3A = arith.subf %get3A_128, %get3A_134 : vector<16xf32>
      %mul3A_135 = arith.mulf %sub3A, %sub3A : vector<16xf32>
      %add3A_136 = arith.addf %scan3A_120, %mul3A_135 : vector<16xf32>
      %get3A_137 = arith.constant 0 : i32
      %get3A_138 = arith.index_cast %get3A_137 : i32 to index
      %get3A_139 = arith.index_cast %scan3A_119 : i32 to index
      %get3A_140 = arith.constant 16 : index
      %get3A_141 = tpu.vector_load %arg8[%get3A_138, %get3A_139, %get3A_140] {strides = array<i32>} : memref<3x32x512xf32, #tpu.memory_space<vmem>>, vector<1x1x16xf32>,
      %get3A_142 = vector.shape_cast %get3A_141 : vector<1x1x16xf32> to vector<16xf32>
      %get3A_143 = arith.constant 0 : i32
      %get3A_144 = arith.index_cast %get3A_143 : i32 to index
      %get3A_145 = arith.index_cast %scan3A_119 : i32 to index
      %get3A_146 = arith.constant 16 : index
      %get3A_147 = tpu.vector_load %arg7[%get3A_144, %get3A_145, %get3A_146] {strides = array<i32>} : memref<3x32x512xf32, #tpu.memory_space<vmem>>, vector<1x1x16xf32>,
      %get3A_148 = vector.shape_cast %get3A_147 : vector<1x1x16xf32> to vector<16xf32>
      %sub3A_149 = arith.subf %get3A_142, %get3A_148 : vector<16xf32>
      %mul3A_150 = arith.mulf %sub3A_149, %sub3A_149 : vector<16xf32>
      %add3A_151 = arith.addf %scan3A_121, %mul3A_150 : vector<16xf32>
      %get3A_152 = arith.constant 0 : i32
      %get3A_153 = arith.index_cast %get3A_152 : i32 to index
      %get3A_154 = arith.index_cast %scan3A_119 : i32 to index
      %get3A_155 = arith.constant 32 : index
      %get3A_156 = tpu.vector_load %arg8[%get3A_153, %get3A_154, %get3A_155] {strides = array<i32>} : memref<3x32x512xf32, #tpu.memory_space<vmem>>, vector<1x1x16xf32>,
      %get3A_157 = vector.shape_cast %get3A_156 : vector<1x1x16xf32> to vector<16xf32>
      %get3A_158 = arith.constant 0 : i32
      %get3A_159 = arith.index_cast %get3A_158 : i32 to index
      %get3A_160 = arith.index_cast %scan3A_119 : i32 to index
      %get3A_161 = arith.constant 32 : index
      %get3A_162 = tpu.vector_load %arg7[%get3A_159, %get3A_160, %get3A_161] {strides = array<i32>} : memref<3x32x512xf32, #tpu.memory_space<vmem>>, vector<1x1x16xf32>,
      %get3A_163 = vector.shape_cast %get3A_162 : vector<1x1x16xf32> to vector<16xf32>
      %sub3A_164 = arith.subf %get3A_157, %get3A_163 : vector<16xf32>
      %mul3A_165 = arith.mulf %sub3A_164, %sub3A_164 : vector<16xf32>
      %add3A_166 = arith.addf %scan3A_122, %mul3A_165 : vector<16xf32>
      %get3A_167 = arith.constant 0 : i32
      %get3A_168 = arith.index_cast %get3A_167 : i32 to index
      %get3A_169 = arith.index_cast %scan3A_119 : i32 to index
      %get3A_170 = arith.constant 48 : index
      %get3A_171 = tpu.vector_load %arg8[%get3A_168, %get3A_169, %get3A_170] {strides = array<i32>} : memref<3x32x512xf32, #tpu.memory_space<vmem>>, vector<1x1x16xf32>,
      %get3A_172 = vector.shape_cast %get3A_171 : vector<1x1x16xf32> to vector<16xf32>
      %get3A_173 = arith.constant 0 : i32
      %get3A_174 = arith.index_cast %get3A_173 : i32 to index
      %get3A_175 = arith.index_cast %scan3A_119 : i32 to index
      %get3A_176 = arith.constant 48 : index
      %get3A_177 = tpu.vector_load %arg7[%get3A_174, %get3A_175, %get3A_176] {strides = array<i32>} : memref<3x32x512xf32, #tpu.memory_space<vmem>>, vector<1x1x16xf32>,
      %get3A_178 = vector.shape_cast %get3A_177 : vector<1x1x16xf32> to vector<16xf32>
      %sub3A_179 = arith.subf %get3A_172, %get3A_178 : vector<16xf32>
      %mul3A_180 = arith.mulf %sub3A_179, %sub3A_179 : vector<16xf32>
      %add3A_181 = arith.addf %scan3A_123, %mul3A_180 : vector<16xf32>
      %get3A_182 = arith.constant 0 : i32
      %get3A_183 = arith.index_cast %get3A_182 : i32 to index
      %get3A_184 = arith.index_cast %scan3A_119 : i32 to index
      %get3A_185 = arith.constant 64 : index
      %get3A_186 = tpu.vector_load %arg8[%get3A_183, %get3A_184, %get3A_185] {strides = array<i32>} : memref<3x32x512xf32, #tpu.memory_space<vmem>>, vector<1x1x16xf32>,
      %get3A_187 = vector.shape_cast %get3A_186 : vector<1x1x16xf32> to vector<16xf32>
      %get3A_188 = arith.constant 0 : i32
      %get3A_189 = arith.index_cast %get3A_188 : i32 to index
      %get3A_190 = arith.index_cast %scan3A_119 : i32 to index
      %get3A_191 = arith.constant 64 : index
      %get3A_192 = tpu.vector_load %arg7[%get3A_189, %get3A_190, %get3A_191] {strides = array<i32>} : memref<3x32x512xf32, #tpu.memory_space<vmem>>, vector<1x1x16xf32>,
      %get3A_193 = vector.shape_cast %get3A_192 : vector<1x1x16xf32> to vector<16xf32>
      %sub3A_194 = arith.subf %get3A_187, %get3A_193 : vector<16xf32>
      %mul3A_195 = arith.mulf %sub3A_194, %sub3A_194 : vector<16xf32>
      %add3A_196 = arith.addf %add3A_136, %mul3A_195 : vector<16xf32>
      %get3A_197 = arith.constant 0 : i32
      %get3A_198 = arith.index_cast %get3A_197 : i32 to index
      %get3A_199 = arith.index_cast %scan3A_119 : i32 to index
      %get3A_200 = arith.constant 80 : index
      %get3A_201 = tpu.vector_load %arg8[%get3A_198, %get3A_199, %get3A_200] {strides = array<i32>} : memref<3x32x512xf32, #tpu.memory_space<vmem>>, vector<1x1x16xf32>,
      %get3A_202 = vector.shape_cast %get3A_201 : vector<1x1x16xf32> to vector<16xf32>
      %get3A_203 = arith.constant 0 : i32
      %get3A_204 = arith.index_cast %get3A_203 : i32 to index
      %get3A_205 = arith.index_cast %scan3A_119 : i32 to index
      %get3A_206 = arith.constant 80 : index
      %get3A_207 = tpu.vector_load %arg7[%get3A_204, %get3A_205, %get3A_206] {strides = array<i32>} : memref<3x32x512xf32, #tpu.memory_space<vmem>>, vector<1x1x16xf32>,
      %get3A_208 = vector.shape_cast %get3A_207 : vector<1x1x16xf32> to vector<16xf32>
      %sub3A_209 = arith.subf %get3A_202, %get3A_208 : vector<16xf32>
      %mul3A_210 = arith.mulf %sub3A_209, %sub3A_209 : vector<16xf32>
      %add3A_211 = arith.addf %add3A_151, %mul3A_210 : vector<16xf32>
      %get3A_212 = arith.constant 0 : i32
      %get3A_213 = arith.index_cast %get3A_212 : i32 to index
      %get3A_214 = arith.index_cast %scan3A_119 : i32 to index
      %get3A_215 = arith.constant 96 : index
      %get3A_216 = tpu.vector_load %arg8[%get3A_213, %get3A_214, %get3A_215] {strides = array<i32>} : memref<3x32x512xf32, #tpu.memory_space<vmem>>, vector<1x1x16xf32>,
      %get3A_217 = vector.shape_cast %get3A_216 : vector<1x1x16xf32> to vector<16xf32>
      %get3A_218 = arith.constant 0 : i32
      %get3A_219 = arith.index_cast %get3A_218 : i32 to index
      %get3A_220 = arith.index_cast %scan3A_119 : i32 to index
      %get3A_221 = arith.constant 96 : index
      %get3A_222 = tpu.vector_load %arg7[%get3A_219, %get3A_220, %get3A_221] {strides = array<i32>} : memref<3x32x512xf32, #tpu.memory_space<vmem>>, vector<1x1x16xf32>,
      %get3A_223 = vector.shape_cast %get3A_222 : vector<1x1x16xf32> to vector<16xf32>
      %sub3A_224 = arith.subf %get3A_217, %get3A_223 : vector<16xf32>
      %mul3A_225 = arith.mulf %sub3A_224, %sub3A_224 : vector<16xf32>
      %add3A_226 = arith.addf %add3A_166, %mul3A_225 : vector<16xf32>
      %get3A_227 = arith.constant 0 : i32
      %get3A_228 = arith.index_cast %get3A_227 : i32 to index
      %get3A_229 = arith.index_cast %scan3A_119 : i32 to index
      %get3A_230 = arith.constant 112 : index
      %get3A_231 = tpu.vector_load %arg8[%get3A_228, %get3A_229, %get3A_230] {strides = array<i32>} : memref<3x32x512xf32, #tpu.memory_space<vmem>>, vector<1x1x16xf32>,
      %get3A_232 = vector.shape_cast %get3A_231 : vector<1x1x16xf32> to vector<16xf32>
      %get3A_233 = arith.constant 0 : i32
      %get3A_234 = arith.index_cast %get3A_233 : i32 to index
      %get3A_235 = arith.index_cast %scan3A_119 : i32 to index
      %get3A_236 = arith.constant 112 : index
      %get3A_237 = tpu.vector_load %arg7[%get3A_234, %get3A_235, %get3A_236] {strides = array<i32>} : memref<3x32x512xf32, #tpu.memory_space<vmem>>, vector<1x1x16xf32>,
      %get3A_238 = vector.shape_cast %get3A_237 : vector<1x1x16xf32> to vector<16xf32>
      %sub3A_239 = arith.subf %get3A_232, %get3A_238 : vector<16xf32>
      %mul3A_240 = arith.mulf %sub3A_239, %sub3A_239 : vector<16xf32>
      %add3A_241 = arith.addf %add3A_181, %mul3A_240 : vector<16xf32>
      %get3A_242 = arith.constant 0 : i32
      %get3A_243 = arith.index_cast %get3A_242 : i32 to index
      %get3A_244 = arith.index_cast %scan3A_119 : i32 to index
      %get3A_245 = arith.constant 128 : index
      %get3A_246 = tpu.vector_load %arg8[%get3A_243, %get3A_244, %get3A_245] {strides = array<i32>} : memref<3x32x512xf32, #tpu.memory_space<vmem>>, vector<1x1x16xf32>,
      %get3A_247 = vector.shape_cast %get3A_246 : vector<1x1x16xf32> to vector<16xf32>
      %get3A_248 = arith.constant 0 : i32
      %get3A_249 = arith.index_cast %get3A_248 : i32 to index
      %get3A_250 = arith.index_cast %scan3A_119 : i32 to index
      %get3A_251 = arith.constant 128 : index
      %get3A_252 = tpu.vector_load %arg7[%get3A_249, %get3A_250, %get3A_251] {strides = array<i32>} : memref<3x32x512xf32, #tpu.memory_space<vmem>>, vector<1x1x16xf32>,
      %get3A_253 = vector.shape_cast %get3A_252 : vector<1x1x16xf32> to vector<16xf32>
      %sub3A_254 = arith.subf %get3A_247, %get3A_253 : vector<16xf32>
      %mul3A_255 = arith.mulf %sub3A_254, %sub3A_254 : vector<16xf32>
      %add3A_256 = arith.addf %add3A_196, %mul3A_255 : vector<16xf32>
      %get3A_257 = arith.constant 0 : i32
      %get3A_258 = arith.index_cast %get3A_257 : i32 to index
      %get3A_259 = arith.index_cast %scan3A_119 : i32 to index
      %get3A_260 = arith.constant 144 : index
      %get3A_261 = tpu.vector_load %arg8[%get3A_258, %get3A_259, %get3A_260] {strides = array<i32>} : memref<3x32x512xf32, #tpu.memory_space<vmem>>, vector<1x1x16xf32>,
      %get3A_262 = vector.shape_cast %get3A_261 : vector<1x1x16xf32> to vector<16xf32>
      %get3A_263 = arith.constant 0 : i32
      %get3A_264 = arith.index_cast %get3A_263 : i32 to index
      %get3A_265 = arith.index_cast %scan3A_119 : i32 to index
      %get3A_266 = arith.constant 144 : index
      %get3A_267 = tpu.vector_load %arg7[%get3A_264, %get3A_265, %get3A_266] {strides = array<i32>} : memref<3x32x512xf32, #tpu.memory_space<vmem>>, vector<1x1x16xf32>,
      %get3A_268 = vector.shape_cast %get3A_267 : vector<1x1x16xf32> to vector<16xf32>
      %sub3A_269 = arith.subf %get3A_262, %get3A_268 : vector<16xf32>
      %mul3A_270 = arith.mulf %sub3A_269, %sub3A_269 : vector<16xf32>
      %add3A_271 = arith.addf %add3A_211, %mul3A_270 : vector<16xf32>
      %get3A_272 = arith.constant 0 : i32
      %get3A_273 = arith.index_cast %get3A_272 : i32 to index
      %get3A_274 = arith.index_cast %scan3A_119 : i32 to index
      %get3A_275 = arith.constant 160 : index
      %get3A_276 = tpu.vector_load %arg8[%get3A_273, %get3A_274, %get3A_275] {strides = array<i32>} : memref<3x32x512xf32, #tpu.memory_space<vmem>>, vector<1x1x16xf32>,
      %get3A_277 = vector.shape_cast %get3A_276 : vector<1x1x16xf32> to vector<16xf32>
      %get3A_278 = arith.constant 0 : i32
      %get3A_279 = arith.index_cast %get3A_278 : i32 to index
      %get3A_280 = arith.index_cast %scan3A_119 : i32 to index
      %get3A_281 = arith.constant 160 : index
      %get3A_282 = tpu.vector_load %arg7[%get3A_279, %get3A_280, %get3A_281] {strides = array<i32>} : memref<3x32x512xf32, #tpu.memory_space<vmem>>, vector<1x1x16xf32>,
      %get3A_283 = vector.shape_cast %get3A_282 : vector<1x1x16xf32> to vector<16xf32>
      %sub3A_284 = arith.subf %get3A_277, %get3A_283 : vector<16xf32>
      %mul3A_285 = arith.mulf %sub3A_284, %sub3A_284 : vector<16xf32>
      %add3A_286 = arith.addf %add3A_226, %mul3A_285 : vector<16xf32>
      %get3A_287 = arith.constant 0 : i32
      %get3A_288 = arith.index_cast %get3A_287 : i32 to index
      %get3A_289 = arith.index_cast %scan3A_119 : i32 to index
      %get3A_290 = arith.constant 176 : index
      %get3A_291 = tpu.vector_load %arg8[%get3A_288, %get3A_289, %get3A_290] {strides = array<i32>} : memref<3x32x512xf32, #tpu.memory_space<vmem>>, vector<1x1x16xf32>,
      %get3A_292 = vector.shape_cast %get3A_291 : vector<1x1x16xf32> to vector<16xf32>
      %get3A_293 = arith.constant 0 : i32
      %get3A_294 = arith.index_cast %get3A_293 : i32 to index
      %get3A_295 = arith.index_cast %scan3A_119 : i32 to index
      %get3A_296 = arith.constant 176 : index
      %get3A_297 = tpu.vector_load %arg7[%get3A_294, %get3A_295, %get3A_296] {strides = array<i32>} : memref<3x32x512xf32, #tpu.memory_space<vmem>>, vector<1x1x16xf32>,
      %get3A_298 = vector.shape_cast %get3A_297 : vector<1x1x16xf32> to vector<16xf32>
      %sub3A_299 = arith.subf %get3A_292, %get3A_298 : vector<16xf32>
      %mul3A_300 = arith.mulf %sub3A_299, %sub3A_299 : vector<16xf32>
      %add3A_301 = arith.addf %add3A_241, %mul3A_300 : vector<16xf32>
      %get3A_302 = arith.constant 0 : i32
      %get3A_303 = arith.index_cast %get3A_302 : i32 to index
      %get3A_304 = arith.index_cast %scan3A_119 : i32 to index
      %get3A_305 = arith.constant 192 : index
      %get3A_306 = tpu.vector_load %arg8[%get3A_303, %get3A_304, %get3A_305] {strides = array<i32>} : memref<3x32x512xf32, #tpu.memory_space<vmem>>, vector<1x1x16xf32>,
      %get3A_307 = vector.shape_cast %get3A_306 : vector<1x1x16xf32> to vector<16xf32>
      %get3A_308 = arith.constant 0 : i32
      %get3A_309 = arith.index_cast %get3A_308 : i32 to index
      %get3A_310 = arith.index_cast %scan3A_119 : i32 to index
      %get3A_311 = arith.constant 192 : index
      %get3A_312 = tpu.vector_load %arg7[%get3A_309, %get3A_310, %get3A_311] {strides = array<i32>} : memref<3x32x512xf32, #tpu.memory_space<vmem>>, vector<1x1x16xf32>,
      %get3A_313 = vector.shape_cast %get3A_312 : vector<1x1x16xf32> to vector<16xf32>
      %sub3A_314 = arith.subf %get3A_307, %get3A_313 : vector<16xf32>
      %mul3A_315 = arith.mulf %sub3A_314, %sub3A_314 : vector<16xf32>
      %add3A_316 = arith.addf %add3A_256, %mul3A_315 : vector<16xf32>
      %get3A_317 = arith.constant 0 : i32
      %get3A_318 = arith.index_cast %get3A_317 : i32 to index
      %get3A_319 = arith.index_cast %scan3A_119 : i32 to index
      %get3A_320 = arith.constant 208 : index
      %get3A_321 = tpu.vector_load %arg8[%get3A_318, %get3A_319, %get3A_320] {strides = array<i32>} : memref<3x32x512xf32, #tpu.memory_space<vmem>>, vector<1x1x16xf32>,
      %get3A_322 = vector.shape_cast %get3A_321 : vector<1x1x16xf32> to vector<16xf32>
      %get3A_323 = arith.constant 0 : i32
      %get3A_324 = arith.index_cast %get3A_323 : i32 to index
      %get3A_325 = arith.index_cast %scan3A_119 : i32 to index
      %get3A_326 = arith.constant 208 : index
      %get3A_327 = tpu.vector_load %arg7[%get3A_324, %get3A_325, %get3A_326] {strides = array<i32>} : memref<3x32x512xf32, #tpu.memory_space<vmem>>, vector<1x1x16xf32>,
      %get3A_328 = vector.shape_cast %get3A_327 : vector<1x1x16xf32> to vector<16xf32>
      %sub3A_329 = arith.subf %get3A_322, %get3A_328 : vector<16xf32>
      %mul3A_330 = arith.mulf %sub3A_329, %sub3A_329 : vector<16xf32>
      %add3A_331 = arith.addf %add3A_271, %mul3A_330 : vector<16xf32>
      %get3A_332 = arith.constant 0 : i32
      %get3A_333 = arith.index_cast %get3A_332 : i32 to index
      %get3A_334 = arith.index_cast %scan3A_119 : i32 to index
      %get3A_335 = arith.constant 224 : index
      %get3A_336 = tpu.vector_load %arg8[%get3A_333, %get3A_334, %get3A_335] {strides = array<i32>} : memref<3x32x512xf32, #tpu.memory_space<vmem>>, vector<1x1x16xf32>,
      %get3A_337 = vector.shape_cast %get3A_336 : vector<1x1x16xf32> to vector<16xf32>
      %get3A_338 = arith.constant 0 : i32
      %get3A_339 = arith.index_cast %get3A_338 : i32 to index
      %get3A_340 = arith.index_cast %scan3A_119 : i32 to index
      %get3A_341 = arith.constant 224 : index
      %get3A_342 = tpu.vector_load %arg7[%get3A_339, %get3A_340, %get3A_341] {strides = array<i32>} : memref<3x32x512xf32, #tpu.memory_space<vmem>>, vector<1x1x16xf32>,
      %get3A_343 = vector.shape_cast %get3A_342 : vector<1x1x16xf32> to vector<16xf32>
      %sub3A_344 = arith.subf %get3A_337, %get3A_343 : vector<16xf32>
      %mul3A_345 = arith.mulf %sub3A_344, %sub3A_344 : vector<16xf32>
      %add3A_346 = arith.addf %add3A_286, %mul3A_345 : vector<16xf32>
      %get3A_347 = arith.constant 0 : i32
      %get3A_348 = arith.index_cast %get3A_347 : i32 to index
      %get3A_349 = arith.index_cast %scan3A_119 : i32 to index
      %get3A_350 = arith.constant 240 : index
      %get3A_351 = tpu.vector_load %arg8[%get3A_348, %get3A_349, %get3A_350] {strides = array<i32>} : memref<3x32x512xf32, #tpu.memory_space<vmem>>, vector<1x1x16xf32>,
      %get3A_352 = vector.shape_cast %get3A_351 : vector<1x1x16xf32> to vector<16xf32>
      %get3A_353 = arith.constant 0 : i32
      %get3A_354 = arith.index_cast %get3A_353 : i32 to index
      %get3A_355 = arith.index_cast %scan3A_119 : i32 to index
      %get3A_356 = arith.constant 240 : index
      %get3A_357 = tpu.vector_load %arg7[%get3A_354, %get3A_355, %get3A_356] {strides = array<i32>} : memref<3x32x512xf32, #tpu.memory_space<vmem>>, vector<1x1x16xf32>,
      %get3A_358 = vector.shape_cast %get3A_357 : vector<1x1x16xf32> to vector<16xf32>
      %sub3A_359 = arith.subf %get3A_352, %get3A_358 : vector<16xf32>
      %mul3A_360 = arith.mulf %sub3A_359, %sub3A_359 : vector<16xf32>
      %add3A_361 = arith.addf %add3A_301, %mul3A_360 : vector<16xf32>
      %get3A_362 = arith.constant 0 : i32
      %get3A_363 = arith.index_cast %get3A_362 : i32 to index
      %get3A_364 = arith.index_cast %scan3A_119 : i32 to index
      %get3A_365 = arith.constant 256 : index
      %get3A_366 = tpu.vector_load %arg8[%get3A_363, %get3A_364, %get3A_365] {strides = array<i32>} : memref<3x32x512xf32, #tpu.memory_space<vmem>>, vector<1x1x16xf32>,
      %get3A_367 = vector.shape_cast %get3A_366 : vector<1x1x16xf32> to vector<16xf32>
      %get3A_368 = arith.constant 0 : i32
      %get3A_369 = arith.index_cast %get3A_368 : i32 to index
      %get3A_370 = arith.index_cast %scan3A_119 : i32 to index
      %get3A_371 = arith.constant 256 : index
      %get3A_372 = tpu.vector_load %arg7[%get3A_369, %get3A_370, %get3A_371] {strides = array<i32>} : memref<3x32x512xf32, #tpu.memory_space<vmem>>, vector<1x1x16xf32>,
      %get3A_373 = vector.shape_cast %get3A_372 : vector<1x1x16xf32> to vector<16xf32>
      %sub3A_374 = arith.subf %get3A_367, %get3A_373 : vector<16xf32>
      %mul3A_375 = arith.mulf %sub3A_374, %sub3A_374 : vector<16xf32>
      %add3A_376 = arith.addf %add3A_316, %mul3A_375 : vector<16xf32>
      %get3A_377 = arith.constant 0 : i32
      %get3A_378 = arith.index_cast %get3A_377 : i32 to index
      %get3A_379 = arith.index_cast %scan3A_119 : i32 to index
      %get3A_380 = arith.constant 272 : index
      %get3A_381 = tpu.vector_load %arg8[%get3A_378, %get3A_379, %get3A_380] {strides = array<i32>} : memref<3x32x512xf32, #tpu.memory_space<vmem>>, vector<1x1x16xf32>,
      %get3A_382 = vector.shape_cast %get3A_381 : vector<1x1x16xf32> to vector<16xf32>
      %get3A_383 = arith.constant 0 : i32
      %get3A_384 = arith.index_cast %get3A_383 : i32 to index
      %get3A_385 = arith.index_cast %scan3A_119 : i32 to index
      %get3A_386 = arith.constant 272 : index
      %get3A_387 = tpu.vector_load %arg7[%get3A_384, %get3A_385, %get3A_386] {strides = array<i32>} : memref<3x32x512xf32, #tpu.memory_space<vmem>>, vector<1x1x16xf32>,
      %get3A_388 = vector.shape_cast %get3A_387 : vector<1x1x16xf32> to vector<16xf32>
      %sub3A_389 = arith.subf %get3A_382, %get3A_388 : vector<16xf32>
      %mul3A_390 = arith.mulf %sub3A_389, %sub3A_389 : vector<16xf32>
      %add3A_391 = arith.addf %add3A_331, %mul3A_390 : vector<16xf32>
      %get3A_392 = arith.constant 0 : i32
      %get3A_393 = arith.index_cast %get3A_392 : i32 to index
      %get3A_394 = arith.index_cast %scan3A_119 : i32 to index
      %get3A_395 = arith.constant 288 : index
      %get3A_396 = tpu.vector_load %arg8[%get3A_393, %get3A_394, %get3A_395] {strides = array<i32>} : memref<3x32x512xf32, #tpu.memory_space<vmem>>, vector<1x1x16xf32>,
      %get3A_397 = vector.shape_cast %get3A_396 : vector<1x1x16xf32> to vector<16xf32>
      %get3A_398 = arith.constant 0 : i32
      %get3A_399 = arith.index_cast %get3A_398 : i32 to index
      %get3A_400 = arith.index_cast %scan3A_119 : i32 to index
      %get3A_401 = arith.constant 288 : index
      %get3A_402 = tpu.vector_load %arg7[%get3A_399, %get3A_400, %get3A_401] {strides = array<i32>} : memref<3x32x512xf32, #tpu.memory_space<vmem>>, vector<1x1x16xf32>,
      %get3A_403 = vector.shape_cast %get3A_402 : vector<1x1x16xf32> to vector<16xf32>
      %sub3A_404 = arith.subf %get3A_397, %get3A_403 : vector<16xf32>
      %mul3A_405 = arith.mulf %sub3A_404, %sub3A_404 : vector<16xf32>
      %add3A_406 = arith.addf %add3A_346, %mul3A_405 : vector<16xf32>
      %get3A_407 = arith.constant 0 : i32
      %get3A_408 = arith.index_cast %get3A_407 : i32 to index
      %get3A_409 = arith.index_cast %scan3A_119 : i32 to index
      %get3A_410 = arith.constant 304 : index
      %get3A_411 = tpu.vector_load %arg8[%get3A_408, %get3A_409, %get3A_410] {strides = array<i32>} : memref<3x32x512xf32, #tpu.memory_space<vmem>>, vector<1x1x16xf32>,
      %get3A_412 = vector.shape_cast %get3A_411 : vector<1x1x16xf32> to vector<16xf32>
      %get3A_413 = arith.constant 0 : i32
      %get3A_414 = arith.index_cast %get3A_413 : i32 to index
      %get3A_415 = arith.index_cast %scan3A_119 : i32 to index
      %get3A_416 = arith.constant 304 : index
      %get3A_417 = tpu.vector_load %arg7[%get3A_414, %get3A_415, %get3A_416] {strides = array<i32>} : memref<3x32x512xf32, #tpu.memory_space<vmem>>, vector<1x1x16xf32>,
      %get3A_418 = vector.shape_cast %get3A_417 : vector<1x1x16xf32> to vector<16xf32>
      %sub3A_419 = arith.subf %get3A_412, %get3A_418 : vector<16xf32>
      %mul3A_420 = arith.mulf %sub3A_419, %sub3A_419 : vector<16xf32>
      %add3A_421 = arith.addf %add3A_361, %mul3A_420 : vector<16xf32>
      %get3A_422 = arith.constant 0 : i32
      %get3A_423 = arith.index_cast %get3A_422 : i32 to index
      %get3A_424 = arith.index_cast %scan3A_119 : i32 to index
      %get3A_425 = arith.constant 320 : index
      %get3A_426 = tpu.vector_load %arg8[%get3A_423, %get3A_424, %get3A_425] {strides = array<i32>} : memref<3x32x512xf32, #tpu.memory_space<vmem>>, vector<1x1x16xf32>,
      %get3A_427 = vector.shape_cast %get3A_426 : vector<1x1x16xf32> to vector<16xf32>
      %get3A_428 = arith.constant 0 : i32
      %get3A_429 = arith.index_cast %get3A_428 : i32 to index
      %get3A_430 = arith.index_cast %scan3A_119 : i32 to index
      %get3A_431 = arith.constant 320 : index
      %get3A_432 = tpu.vector_load %arg7[%get3A_429, %get3A_430, %get3A_431] {strides = array<i32>} : memref<3x32x512xf32, #tpu.memory_space<vmem>>, vector<1x1x16xf32>,
      %get3A_433 = vector.shape_cast %get3A_432 : vector<1x1x16xf32> to vector<16xf32>
      %sub3A_434 = arith.subf %get3A_427, %get3A_433 : vector<16xf32>
      %mul3A_435 = arith.mulf %sub3A_434, %sub3A_434 : vector<16xf32>
      %add3A_436 = arith.addf %add3A_376, %mul3A_435 : vector<16xf32>
      %get3A_437 = arith.constant 0 : i32
      %get3A_438 = arith.index_cast %get3A_437 : i32 to index
      %get3A_439 = arith.index_cast %scan3A_119 : i32 to index
      %get3A_440 = arith.constant 336 : index
      %get3A_441 = tpu.vector_load %arg8[%get3A_438, %get3A_439, %get3A_440] {strides = array<i32>} : memref<3x32x512xf32, #tpu.memory_space<vmem>>, vector<1x1x16xf32>,
      %get3A_442 = vector.shape_cast %get3A_441 : vector<1x1x16xf32> to vector<16xf32>
      %get3A_443 = arith.constant 0 : i32
      %get3A_444 = arith.index_cast %get3A_443 : i32 to index
      %get3A_445 = arith.index_cast %scan3A_119 : i32 to index
      %get3A_446 = arith.constant 336 : index
      %get3A_447 = tpu.vector_load %arg7[%get3A_444, %get3A_445, %get3A_446] {strides = array<i32>} : memref<3x32x512xf32, #tpu.memory_space<vmem>>, vector<1x1x16xf32>,
      %get3A_448 = vector.shape_cast %get3A_447 : vector<1x1x16xf32> to vector<16xf32>
      %sub3A_449 = arith.subf %get3A_442, %get3A_448 : vector<16xf32>
      %mul3A_450 = arith.mulf %sub3A_449, %sub3A_449 : vector<16xf32>
      %add3A_451 = arith.addf %add3A_391, %mul3A_450 : vector<16xf32>
      %get3A_452 = arith.constant 0 : i32
      %get3A_453 = arith.index_cast %get3A_452 : i32 to index
      %get3A_454 = arith.index_cast %scan3A_119 : i32 to index
      %get3A_455 = arith.constant 352 : index
      %get3A_456 = tpu.vector_load %arg8[%get3A_453, %get3A_454, %get3A_455] {strides = array<i32>} : memref<3x32x512xf32, #tpu.memory_space<vmem>>, vector<1x1x16xf32>,
      %get3A_457 = vector.shape_cast %get3A_456 : vector<1x1x16xf32> to vector<16xf32>
      %get3A_458 = arith.constant 0 : i32
      %get3A_459 = arith.index_cast %get3A_458 : i32 to index
      %get3A_460 = arith.index_cast %scan3A_119 : i32 to index
      %get3A_461 = arith.constant 352 : index
      %get3A_462 = tpu.vector_load %arg7[%get3A_459, %get3A_460, %get3A_461] {strides = array<i32>} : memref<3x32x512xf32, #tpu.memory_space<vmem>>, vector<1x1x16xf32>,
      %get3A_463 = vector.shape_cast %get3A_462 : vector<1x1x16xf32> to vector<16xf32>
      %sub3A_464 = arith.subf %get3A_457, %get3A_463 : vector<16xf32>
      %mul3A_465 = arith.mulf %sub3A_464, %sub3A_464 : vector<16xf32>
      %add3A_466 = arith.addf %add3A_406, %mul3A_465 : vector<16xf32>
      %get3A_467 = arith.constant 0 : i32
      %get3A_468 = arith.index_cast %get3A_467 : i32 to index
      %get3A_469 = arith.index_cast %scan3A_119 : i32 to index
      %get3A_470 = arith.constant 368 : index
      %get3A_471 = tpu.vector_load %arg8[%get3A_468, %get3A_469, %get3A_470] {strides = array<i32>} : memref<3x32x512xf32, #tpu.memory_space<vmem>>, vector<1x1x16xf32>,
      %get3A_472 = vector.shape_cast %get3A_471 : vector<1x1x16xf32> to vector<16xf32>
      %get3A_473 = arith.constant 0 : i32
      %get3A_474 = arith.index_cast %get3A_473 : i32 to index
      %get3A_475 = arith.index_cast %scan3A_119 : i32 to index
      %get3A_476 = arith.constant 368 : index
      %get3A_477 = tpu.vector_load %arg7[%get3A_474, %get3A_475, %get3A_476] {strides = array<i32>} : memref<3x32x512xf32, #tpu.memory_space<vmem>>, vector<1x1x16xf32>,
      %get3A_478 = vector.shape_cast %get3A_477 : vector<1x1x16xf32> to vector<16xf32>
      %sub3A_479 = arith.subf %get3A_472, %get3A_478 : vector<16xf32>
      %mul3A_480 = arith.mulf %sub3A_479, %sub3A_479 : vector<16xf32>
      %add3A_481 = arith.addf %add3A_421, %mul3A_480 : vector<16xf32>
      %get3A_482 = arith.constant 0 : i32
      %get3A_483 = arith.index_cast %get3A_482 : i32 to index
      %get3A_484 = arith.index_cast %scan3A_119 : i32 to index
      %get3A_485 = arith.constant 384 : index
      %get3A_486 = tpu.vector_load %arg8[%get3A_483, %get3A_484, %get3A_485] {strides = array<i32>} : memref<3x32x512xf32, #tpu.memory_space<vmem>>, vector<1x1x16xf32>,
      %get3A_487 = vector.shape_cast %get3A_486 : vector<1x1x16xf32> to vector<16xf32>
      %get3A_488 = arith.constant 0 : i32
      %get3A_489 = arith.index_cast %get3A_488 : i32 to index
      %get3A_490 = arith.index_cast %scan3A_119 : i32 to index
      %get3A_491 = arith.constant 384 : index
      %get3A_492 = tpu.vector_load %arg7[%get3A_489, %get3A_490, %get3A_491] {strides = array<i32>} : memref<3x32x512xf32, #tpu.memory_space<vmem>>, vector<1x1x16xf32>,
      %get3A_493 = vector.shape_cast %get3A_492 : vector<1x1x16xf32> to vector<16xf32>
      %sub3A_494 = arith.subf %get3A_487, %get3A_493 : vector<16xf32>
      %mul3A_495 = arith.mulf %sub3A_494, %sub3A_494 : vector<16xf32>
      %add3A_496 = arith.addf %add3A_436, %mul3A_495 : vector<16xf32>
      %get3A_497 = arith.constant 0 : i32
      %get3A_498 = arith.index_cast %get3A_497 : i32 to index
      %get3A_499 = arith.index_cast %scan3A_119 : i32 to index
      %get3A_500 = arith.constant 400 : index
      %get3A_501 = tpu.vector_load %arg8[%get3A_498, %get3A_499, %get3A_500] {strides = array<i32>} : memref<3x32x512xf32, #tpu.memory_space<vmem>>, vector<1x1x16xf32>,
      %get3A_502 = vector.shape_cast %get3A_501 : vector<1x1x16xf32> to vector<16xf32>
      %get3A_503 = arith.constant 0 : i32
      %get3A_504 = arith.index_cast %get3A_503 : i32 to index
      %get3A_505 = arith.index_cast %scan3A_119 : i32 to index
      %get3A_506 = arith.constant 400 : index
      %get3A_507 = tpu.vector_load %arg7[%get3A_504, %get3A_505, %get3A_506] {strides = array<i32>} : memref<3x32x512xf32, #tpu.memory_space<vmem>>, vector<1x1x16xf32>,
      %get3A_508 = vector.shape_cast %get3A_507 : vector<1x1x16xf32> to vector<16xf32>
      %sub3A_509 = arith.subf %get3A_502, %get3A_508 : vector<16xf32>
      %mul3A_510 = arith.mulf %sub3A_509, %sub3A_509 : vector<16xf32>
      %add3A_511 = arith.addf %add3A_451, %mul3A_510 : vector<16xf32>
      %get3A_512 = arith.constant 0 : i32
      %get3A_513 = arith.index_cast %get3A_512 : i32 to index
      %get3A_514 = arith.index_cast %scan3A_119 : i32 to index
      %get3A_515 = arith.constant 416 : index
      %get3A_516 = tpu.vector_load %arg8[%get3A_513, %get3A_514, %get3A_515] {strides = array<i32>} : memref<3x32x512xf32, #tpu.memory_space<vmem>>, vector<1x1x16xf32>,
      %get3A_517 = vector.shape_cast %get3A_516 : vector<1x1x16xf32> to vector<16xf32>
      %get3A_518 = arith.constant 0 : i32
      %get3A_519 = arith.index_cast %get3A_518 : i32 to index
      %get3A_520 = arith.index_cast %scan3A_119 : i32 to index
      %get3A_521 = arith.constant 416 : index
      %get3A_522 = tpu.vector_load %arg7[%get3A_519, %get3A_520, %get3A_521] {strides = array<i32>} : memref<3x32x512xf32, #tpu.memory_space<vmem>>, vector<1x1x16xf32>,
      %get3A_523 = vector.shape_cast %get3A_522 : vector<1x1x16xf32> to vector<16xf32>
      %sub3A_524 = arith.subf %get3A_517, %get3A_523 : vector<16xf32>
      %mul3A_525 = arith.mulf %sub3A_524, %sub3A_524 : vector<16xf32>
      %add3A_526 = arith.addf %add3A_466, %mul3A_525 : vector<16xf32>
      %get3A_527 = arith.constant 0 : i32
      %get3A_528 = arith.index_cast %get3A_527 : i32 to index
      %get3A_529 = arith.index_cast %scan3A_119 : i32 to index
      %get3A_530 = arith.constant 432 : index
      %get3A_531 = tpu.vector_load %arg8[%get3A_528, %get3A_529, %get3A_530] {strides = array<i32>} : memref<3x32x512xf32, #tpu.memory_space<vmem>>, vector<1x1x16xf32>,
      %get3A_532 = vector.shape_cast %get3A_531 : vector<1x1x16xf32> to vector<16xf32>
      %get3A_533 = arith.constant 0 : i32
      %get3A_534 = arith.index_cast %get3A_533 : i32 to index
      %get3A_535 = arith.index_cast %scan3A_119 : i32 to index
      %get3A_536 = arith.constant 432 : index
      %get3A_537 = tpu.vector_load %arg7[%get3A_534, %get3A_535, %get3A_536] {strides = array<i32>} : memref<3x32x512xf32, #tpu.memory_space<vmem>>, vector<1x1x16xf32>,
      %get3A_538 = vector.shape_cast %get3A_537 : vector<1x1x16xf32> to vector<16xf32>
      %sub3A_539 = arith.subf %get3A_532, %get3A_538 : vector<16xf32>
      %mul3A_540 = arith.mulf %sub3A_539, %sub3A_539 : vector<16xf32>
      %add3A_541 = arith.addf %add3A_481, %mul3A_540 : vector<16xf32>
      %get3A_542 = arith.constant 0 : i32
      %get3A_543 = arith.index_cast %get3A_542 : i32 to index
      %get3A_544 = arith.index_cast %scan3A_119 : i32 to index
      %get3A_545 = arith.constant 448 : index
      %get3A_546 = tpu.vector_load %arg8[%get3A_543, %get3A_544, %get3A_545] {strides = array<i32>} : memref<3x32x512xf32, #tpu.memory_space<vmem>>, vector<1x1x16xf32>,
      %get3A_547 = vector.shape_cast %get3A_546 : vector<1x1x16xf32> to vector<16xf32>
      %get3A_548 = arith.constant 0 : i32
      %get3A_549 = arith.index_cast %get3A_548 : i32 to index
      %get3A_550 = arith.index_cast %scan3A_119 : i32 to index
      %get3A_551 = arith.constant 448 : index
      %get3A_552 = tpu.vector_load %arg7[%get3A_549, %get3A_550, %get3A_551] {strides = array<i32>} : memref<3x32x512xf32, #tpu.memory_space<vmem>>, vector<1x1x16xf32>,
      %get3A_553 = vector.shape_cast %get3A_552 : vector<1x1x16xf32> to vector<16xf32>
      %sub3A_554 = arith.subf %get3A_547, %get3A_553 : vector<16xf32>
      %mul3A_555 = arith.mulf %sub3A_554, %sub3A_554 : vector<16xf32>
      %add3A_556 = arith.addf %add3A_496, %mul3A_555 : vector<16xf32>
      %get3A_557 = arith.constant 0 : i32
      %get3A_558 = arith.index_cast %get3A_557 : i32 to index
      %get3A_559 = arith.index_cast %scan3A_119 : i32 to index
      %get3A_560 = arith.constant 464 : index
      %get3A_561 = tpu.vector_load %arg8[%get3A_558, %get3A_559, %get3A_560] {strides = array<i32>} : memref<3x32x512xf32, #tpu.memory_space<vmem>>, vector<1x1x16xf32>,
      %get3A_562 = vector.shape_cast %get3A_561 : vector<1x1x16xf32> to vector<16xf32>
      %get3A_563 = arith.constant 0 : i32
      %get3A_564 = arith.index_cast %get3A_563 : i32 to index
      %get3A_565 = arith.index_cast %scan3A_119 : i32 to index
      %get3A_566 = arith.constant 464 : index
      %get3A_567 = tpu.vector_load %arg7[%get3A_564, %get3A_565, %get3A_566] {strides = array<i32>} : memref<3x32x512xf32, #tpu.memory_space<vmem>>, vector<1x1x16xf32>,
      %get3A_568 = vector.shape_cast %get3A_567 : vector<1x1x16xf32> to vector<16xf32>
      %sub3A_569 = arith.subf %get3A_562, %get3A_568 : vector<16xf32>
      %mul3A_570 = arith.mulf %sub3A_569, %sub3A_569 : vector<16xf32>
      %add3A_571 = arith.addf %add3A_511, %mul3A_570 : vector<16xf32>
      %get3A_572 = arith.constant 0 : i32
      %get3A_573 = arith.index_cast %get3A_572 : i32 to index
      %get3A_574 = arith.index_cast %scan3A_119 : i32 to index
      %get3A_575 = arith.constant 480 : index
      %get3A_576 = tpu.vector_load %arg8[%get3A_573, %get3A_574, %get3A_575] {strides = array<i32>} : memref<3x32x512xf32, #tpu.memory_space<vmem>>, vector<1x1x16xf32>,
      %get3A_577 = vector.shape_cast %get3A_576 : vector<1x1x16xf32> to vector<16xf32>
      %get3A_578 = arith.constant 0 : i32
      %get3A_579 = arith.index_cast %get3A_578 : i32 to index
      %get3A_580 = arith.index_cast %scan3A_119 : i32 to index
      %get3A_581 = arith.constant 480 : index
      %get3A_582 = tpu.vector_load %arg7[%get3A_579, %get3A_580, %get3A_581] {strides = array<i32>} : memref<3x32x512xf32, #tpu.memory_space<vmem>>, vector<1x1x16xf32>,
      %get3A_583 = vector.shape_cast %get3A_582 : vector<1x1x16xf32> to vector<16xf32>
      %sub3A_584 = arith.subf %get3A_577, %get3A_583 : vector<16xf32>
      %mul3A_585 = arith.mulf %sub3A_584, %sub3A_584 : vector<16xf32>
      %add3A_586 = arith.addf %add3A_526, %mul3A_585 : vector<16xf32>
      %get3A_587 = arith.constant 0 : i32
      %get3A_588 = arith.index_cast %get3A_587 : i32 to index
      %get3A_589 = arith.index_cast %scan3A_119 : i32 to index
      %get3A_590 = arith.constant 496 : index
      %get3A_591 = tpu.vector_load %arg8[%get3A_588, %get3A_589, %get3A_590] {strides = array<i32>} : memref<3x32x512xf32, #tpu.memory_space<vmem>>, vector<1x1x16xf32>,
      %get3A_592 = vector.shape_cast %get3A_591 : vector<1x1x16xf32> to vector<16xf32>
      %get3A_593 = arith.constant 0 : i32
      %get3A_594 = arith.index_cast %get3A_593 : i32 to index
      %get3A_595 = arith.index_cast %scan3A_119 : i32 to index
      %get3A_596 = arith.constant 496 : index
      %get3A_597 = tpu.vector_load %arg7[%get3A_594, %get3A_595, %get3A_596] {strides = array<i32>} : memref<3x32x512xf32, #tpu.memory_space<vmem>>, vector<1x1x16xf32>,
      %get3A_598 = vector.shape_cast %get3A_597 : vector<1x1x16xf32> to vector<16xf32>
      %sub3A_599 = arith.subf %get3A_592, %get3A_598 : vector<16xf32>
      %mul3A_600 = arith.mulf %sub3A_599, %sub3A_599 : vector<16xf32>
      %add3A_601 = arith.addf %add3A_541, %mul3A_600 : vector<16xf32>
      scf.yield %add3A_556, %add3A_571, %add3A_586, %add3A_601 : vector<16xf32>, vector<16xf32>, vector<16xf32>, vector<16xf32>
    }
    %scan3A_112 = arith.constant 32 : i32
    %add3A_113 = arith.addf %scan3A_111#0, %scan3A_111#1 : vector<16xf32>
    %add3A_114 = arith.addf %add3A_113, %scan3A_111#2 : vector<16xf32>
    %add3A_115 = arith.addf %add3A_114, %scan3A_111#3 : vector<16xf32>
    %swap3A = arith.constant 0 : index
    %swap3A_116 = tpu.vector_load %arg9[%swap3A] {strides = array<i32>} : memref<16xf32, #tpu.memory_space<vmem>>, vector<16xf32>,
    %swap3A_117 = vector.shape_cast %swap3A_116 : vector<16xf32> to vector<16xf32>
    %swap3A_118 = vector.shape_cast %add3A_115 : vector<16xf32> to vector<16xf32>
    tpu.vector_store %arg9[%swap3A], %swap3A_118 {strides = array<i32>} : memref<16xf32, #tpu.memory_space<vmem>>, vector<16xf32>,
    "tpu.region"() ({
      %run_scoped3A = tpu.sem_alloc : memref<!tpu.dma_semaphore, #tpu.memory_space<semaphore_mem>>
      %dma_start3A_119 = arith.constant 0 : i32
      %dma_start3A_120 = tpu.memref_slice %arg5[%add3A, %dma_start3A_119] : memref<32x16xf32, #tpu.memory_space<hbm>> -> memref<1x16xf32, #tpu.memory_space<hbm>>
      %dma_start3A_121 = tpu.memref_squeeze %dma_start3A_120 : memref<1x16xf32, #tpu.memory_space<hbm>> -> memref<16xf32, #tpu.memory_space<hbm>>
      %dma_start3A_122 = arith.constant 0 : i32
      %dma_start3A_123 = tpu.memref_slice %arg5[%add3A, %dma_start3A_122] : memref<32x16xf32, #tpu.memory_space<hbm>> -> memref<1x16xf32, #tpu.memory_space<hbm>>
      %dma_start3A_124 = tpu.memref_squeeze %dma_start3A_123 : memref<1x16xf32, #tpu.memory_space<hbm>> -> memref<16xf32, #tpu.memory_space<hbm>>
      tpu.enqueue_dma source(%arg9 : memref<16xf32, #tpu.memory_space<vmem>>) target(%dma_start3A_124 : memref<16xf32, #tpu.memory_space<hbm>>) target_semaphore(%run_scoped3A : memref<!tpu.dma_semaphore, #tpu.memory_space<semaphore_mem>>)
      %dma_wait3A_125 = arith.constant 0 : i32
      %dma_wait3A_126 = tpu.memref_slice %arg5[%add3A, %dma_wait3A_125] : memref<32x16xf32, #tpu.memory_space<hbm>> -> memref<1x16xf32, #tpu.memory_space<hbm>>
      %dma_wait3A_127 = tpu.memref_squeeze %dma_wait3A_126 : memref<1x16xf32, #tpu.memory_space<hbm>> -> memref<16xf32, #tpu.memory_space<hbm>>
      %dma_wait3A_128 = arith.constant 0 : i32
      %dma_wait3A_129 = tpu.memref_slice %arg5[%add3A, %dma_wait3A_128] : memref<32x16xf32, #tpu.memory_space<hbm>> -> memref<1x16xf32, #tpu.memory_space<hbm>>
      %dma_wait3A_130 = tpu.memref_squeeze %dma_wait3A_129 : memref<1x16xf32, #tpu.memory_space<hbm>> -> memref<16xf32, #tpu.memory_space<hbm>>
      tpu.wait_dma2 semaphore(%run_scoped3A : memref<!tpu.dma_semaphore, #tpu.memory_space<semaphore_mem>>) src(%arg9 : memref<16xf32, #tpu.memory_space<vmem>>) dst(%dma_wait3A_130 : memref<16xf32, #tpu.memory_space<hbm>>)
      tpu.yield
    }) : () -> ()
    return
  }
}

</mosaic_0001>

<sc_bundles>
// kernel: kernel.3.cloned.1.call-start
scs
__scs_entry_jumppad:
0x0: {  	(pc) =	sbr.rel $0x88, $3  }
0x1: {  	(tag) =	ssettag $0x0;
	lr =	simm.s32 $0x1  }
0x2: {  	[smem:$0x3F9E] =	sst lr;
	_ =	strace $0xD0000000  }
0x3: {  	_ = 	snop  }
0x4: {  	_ = 	snop  }
0x5: {  	_ = 	snop  }
0x6: {  	_ = 	snop  }
0x7: {  	_ = 	snop  }
__scs_overlays_trampoline_lowered:
0x8: {  	[smem:$0x3FAD] =	sst s0  }
0x9: {  	[smem:$0x3FAE] =	sst s1  }
0xa: {  	[smem:$0x3FAF] =	sst s2  }
0xb: {  	[smem:$0x3FB0] =	sst s3  }
0xc: {  	[smem:$0x3FB1] =	sst s4  }
0xd: {  	[smem:$0x3FB2] =	sst s5  }
0xe: {  	[smem:$0x3FB3] =	sst s6  }
0xf: {  	[smem:$0x3FB4] =	sst s7  }
0x10: {  	[smem:$0x3FB5] =	sst s8  }
0x11: {  	[smem:$0x3FB6] =	sst s9;
	s0 =	simm.s32 @!p0 $0x0  }
0x12: {  	s1 =	sld [smem:$0x3F9C];
	s0 =	simm.s32 @p0 $0x1  }
0x13: {  	[smem:$0x3FB7] =	sst s0;
	s0 =	simm.s32 @!p1 $0x0  }
0x14: {  	s2 =	sld [smem:$0x3F9B];
	s0 =	simm.s32 @p1 $0x1  }
0x15: {  	[smem:$0x3FB8] =	sst s0;
	s0 =	simm.s32 @!p2 $0x0  }
0x16: {  	s3 =	sld [smem:$0x3FDB];
	s0 =	simm.s32 @p2 $0x1  }
0x17: {  	s4 =	simm.s32 $0x1BF5;
	[smem:$0x3FBA] =	sst s0  }
0x18: {  	s0 =	sld [smem:$0x3F9D];
	_ =	swait.ge [sflag:s4], $0x0  }
0x19: {  	s7 =	sld [smem:$0x3F9E]  }
0x1a: {  	s8 =	sadd.s32 $0xFFFFE003, lr  }
0x1b: {  	s9 =	sadd.s32 $0xFFFFFEF7, lr;
	s5 =	simm.s32 $0xFFFFFFFF;
	p2 =	slt.u32 s8, $0xFFFFF086  }
0x1c: {  	p1 =	slt.u32 s9, $0xF7A;
	s5 =	simm.s32 @!p2 $0x0  }
0x1d: {  	s5 =	simm.s32 @p1 $0x1;
	p0 =	seq.s32 s7, s2  }
0x1e: {  	s7 =	smul.u32 @!p0 $0xF7A, s2;
	p2 =	seq.s32 @!p0 s5, $0x0  }
0x1f: {  	s9 =	smul.u32 $0xF7A, s1;
	s8 =	simm.s32 @!p0 $0x1BF5;
	p2 =	por !p2, p0  }
0x20: {  	[sflag:s8] =	ssyncset.s32 @!p0 $0xFFFFF086;
	s6 =	sadd.s32 @!p0 s3, s7;
	s7 =	simm.s32 @!p0 $0x108  }
0x21: {  	s3 =	sadd.s32 s3, s9;
	s6 =	sadd.s32 @!p0 $0x88, s6;
	s7 =	simm.s32 @p2 $0x1082  }
0x22: {  	[simem:s7], [sflag:s8] =	dma.local @!p0 [hbm:s6], $0xF7A  }
0x23: {  	s9 =	sor.u32 $0xD0000000, s2;
	s6 =	simm.s32 $0x108;
	_ =	swait.ge @!p0 [sflag:s8], $0x0  }
0x24: {  	s3 =	sadd.s32 $0x88, s3;
	s6 =	simm.s32 @!p1 $0x1082;
	[sflag:s4] =	ssyncset.s32 $0xFFFFF086  }
0x25: {  	[simem:s6], [sflag:s4] =	dma.local [hbm:s3], $0xF7A  }
0x26: {  	[smem:$0x3F9E] =	sst s1;
	(tag) =	ssettag s2;
	_ =	strace s9  }
0x27: {  	s1 =	sld [smem:$0x3FAE]  }
0x28: {  	s2 =	sld [smem:$0x3FAF]  }
0x29: {  	s4 =	sld [smem:$0x3FB1]  }
0x2a: {  	p0 =	seq.s32 s5, $0x0;
	s5 =	sld [smem:$0x3FB2]  }
0x2b: {  	s6 =	sld [smem:$0x3FB3]  }
0x2c: {  	s7 =	sld [smem:$0x3FB4]  }
0x2d: {  	s3 =	simm.s32 $0x108;
	s8 =	sld [smem:$0x3FB5]  }
0x2e: {  	s3 =	simm.s32 @!p0 $0x1082;
	s9 =	sld [smem:$0x3FB6]  }
0x2f: {  	lr =	sadd.s32 s0, s3;
	s0 =	sld [smem:$0x3FAD]  }
0x30: {  	s3 =	sld [smem:$0x3FB0]  }
0x31: {  	[smem:$0x3FB9] =	sst s10  }
0x32: {  	s10 =	sld [smem:$0x3FB7];
	_ =	sdelay $0x3  }
0x33: {  	p0 =	seq.s32 s10, $0x1;
	s10 =	sld [smem:$0x3FB9];
	_ =	sdelay $0x3  }
0x34: {  	[smem:$0x3FB9] =	sst s10  }
0x35: {  	s10 =	sld [smem:$0x3FB8];
	_ =	sdelay $0x3  }
0x36: {  	p1 =	seq.s32 s10, $0x1;
	s10 =	sld [smem:$0x3FB9];
	_ =	sdelay $0x3  }
0x37: {  	[smem:$0x3FB9] =	sst s10  }
0x38: {  	s10 =	sld [smem:$0x3FBA]  }
0x39: {  	_ = 	snop;
	(pc) =	sbr.ind lr, $3  }
0x3a: {  	_ = 	snop  }
0x3b: {  	_ = 	snop  }
0x3c: {  	p2 =	seq.s32 s10, $0x1;
	s10 =	sld [smem:$0x3FB9]  }
0x3d: {  	_ =	shalt  }
0x3e: {  	_ =	shalt  }
0x3f: {  	_ =	shalt  }
0x40: {  	_ =	shalt  }
0x41: {  	_ =	shalt  }
0x42: {  	_ =	shalt  }
0x43: {  	_ =	shalt  }
0x44: {  	_ =	shalt  }
0x45: {  	_ =	shalt  }
0x46: {  	_ =	shalt  }
0x47: {  	_ =	shalt  }
0x48: {  	_ =	shalt  }
0x49: {  	_ =	shalt  }
0x4a: {  	_ =	shalt  }
0x4b: {  	_ =	shalt  }
0x4c: {  	_ =	shalt  }
0x4d: {  	_ =	shalt  }
0x4e: {  	_ =	shalt  }
0x4f: {  	_ =	shalt  }
0x50: {  	_ =	shalt  }
0x51: {  	_ =	shalt  }
0x52: {  	_ =	shalt  }
0x53: {  	_ =	shalt  }
0x54: {  	_ =	shalt  }
0x55: {  	_ =	shalt  }
0x56: {  	_ =	shalt  }
0x57: {  	_ =	shalt  }
0x58: {  	_ =	shalt  }
0x59: {  	_ =	shalt  }
0x5a: {  	_ =	shalt  }
0x5b: {  	_ =	shalt  }
0x5c: {  	_ =	shalt  }
0x5d: {  	_ =	shalt  }
0x5e: {  	_ =	shalt  }
0x5f: {  	_ =	shalt  }
0x60: {  	_ =	shalt  }
0x61: {  	_ =	shalt  }
0x62: {  	_ =	shalt  }
0x63: {  	_ =	shalt  }
0x64: {  	_ =	shalt  }
0x65: {  	_ =	shalt  }
0x66: {  	_ =	shalt  }
0x67: {  	_ =	shalt  }
0x68: {  	_ =	shalt  }
0x69: {  	_ =	shalt  }
0x6a: {  	_ =	shalt  }
0x6b: {  	_ =	shalt  }
0x6c: {  	_ =	shalt  }
0x6d: {  	_ =	shalt  }
0x6e: {  	_ =	shalt  }
0x6f: {  	_ =	shalt  }
0x70: {  	_ =	shalt  }
0x71: {  	_ =	shalt  }
0x72: {  	_ =	shalt  }
0x73: {  	_ =	shalt  }
0x74: {  	_ =	shalt  }
0x75: {  	_ =	shalt  }
0x76: {  	_ =	shalt  }
0x77: {  	_ =	shalt  }
0x78: {  	_ =	shalt  }
0x79: {  	_ =	shalt  }
0x7a: {  	_ =	shalt  }
0x7b: {  	_ =	shalt  }
0x7c: {  	_ =	shalt  }
0x7d: {  	_ =	shalt  }
0x7e: {  	_ =	shalt  }
0x7f: {  	_ =	shalt  }
0x80: {  	_ =	shalt  }
0x81: {  	_ =	shalt  }
0x82: {  	_ =	shalt  }
0x83: {  	_ =	shalt  }
0x84: {  	_ =	shalt  }
0x85: {  	_ =	shalt  }
0x86: {  	_ =	shalt  }
0x87: {  	_ =	shalt  }
.Lfunc_end0:
.L_simem_size_0:
called_computation_lowered:
.L_overlay_start_0:
0x88: {  	s2 =	sld [smem:$0x3FD9]  }
0x89: {  	s3 =	sld [smem:$0x3FFE];
	_ =	sdelay $0x1  }
0x8a: {  	s1 =	srdreg.scid  }
0x8b: {  	s0 =	sand.u32 $0x1, s1  }
0x8c: {  	s17 =	sshll.u32 s0, $0xA;
	s2 =	sadd.s32 s3, s2  }
0x8d: {  	s2 =	sadd.s32 s2, s17  }
0x8e: {  	[smem:$0x3FC5] =	sst s2  }
0x8f: {  	_ = 	snop  }
0x90: {  	s2 =	sld [smem:$0x3FC9]  }
0x91: {  	s18 =	sld [smem:$0x3FC8]  }
0x92: {  	s4 =	sld [smem:$0x3FC7];
	(tm) =	ssettm $0x1  }
0x93: {  	s5 =	sld [smem:$0x3FFB];
	_ =	sdelay $0x3  }
0x94: {  	_ =	strace s5  }
0x95: {  	s5 =	sld [smem:$0x3FFC];
	_ =	sdelay $0x3  }
0x96: {  	_ =	strace s5  }
0x97: {  	s5 =	sld [smem:$0x3FFD];
	_ =	sdelay $0x3  }
0x98: {  	_ =	strace s5  }
0x99: {  	_ =	strace $0x8FFFFFFF  }
0x9a: {  	s19 =	sld [smem:$0x3FDB];
	_ =	sdelay $0x1  }
0x9b: {  	s6 =	simm.s32 $_scs_section_size  }
0x9c: {  	s7 =	simm.s32 $_size__tile_overlayer_lowered;
	s8 =	simm.s32 $_tile_overlayer_lowered  }
0x9d: {  	s22 =	simm.s32 $0x1BFF;
	s21 =	sshll.u32 s8, $0x1;
	s5 =	sadd.s32 s6, s19  }
0x9e: {  	s9 =	simm.s32 $0x0;
	s20 =	sshll.u32 s7, $0x1;
	s7 =	sadd.s32 s21, s5  }
0x9f: {  	[timem:s9], [sflag:s22] =	dma.local [hbm:s7], s20  }
0xa0: {  	_ =	swait.ge [sflag:s22], s20  }
0xa1: {  	s6 =	ssub.s32 $0x0, s20;
	[sflag:s22] =	ssyncset.done $0x0  }
0xa2: {  	[sflag:s22] =	ssyncadd.s32 s6;
	_ =	sdelay $0x1  }
0xa3: {  	s23 =	simm.s32 $0x1B8B  }
0xa4: {  	_ =	swait.ge [sflag:s23], $0x1  }
0xa5: {  	[sflag:s23] =	ssyncset.done $0x0  }
0xa6: {  	s25 =	simm.s32 $0x1B8E;
	s24 =	sld [smem:$0x3FFE];
	[sflag:s23] =	ssyncadd.s32 $0xFFFFFFFF  }
0xa7: {  	s26 =	simm.s32 $execute0_lowered;
	[smem:$0x3FD2] =	sst s25  }
0xa8: {  	s7 =	sshll.u32 s26, $0x1;
	_ =	strace $0x80000046;
	[dreg:$0x1] =	wrdreg $0xFFFFFFFF  }
0xa9: {  	s28 =	simm.s32 $_size_execute0_lowered;
	s5 =	sadd.s32 s5, s7;
	[dreg:$0x0] =	wrdreg $0x0  }
0xaa: {  	s7 =	sshll.u32 s28, $0x1;
	[dreg:$0x2] =	wrdreg s5  }
0xab: {  	[dreg:$0x3] =	wrdreg s7  }
0xac: {  	[dreg:$0x4] =	wrdreg $0xC0  }
0xad: {  	_ =	task [dreg:s9], $0x5FFFF  }
0xae: {  	[dreg:$0x1] =	wrdreg $0xFFFFFFFF  }
0xaf: {  	[dreg:$0x0] =	wrdreg $0x60  }
0xb0: {  	[dreg:$0x2] =	wrdreg s2  }
0xb1: {  	[dreg:$0x3] =	wrdreg s18  }
0xb2: {  	[dreg:$0x4] =	wrdreg s4  }
0xb3: {  	[dreg:$0x5] =	wrdreg s24  }
0xb4: {  	[dreg:$0x6] =	wrdreg $0x9  }
0xb5: {  	_ =	task.clear_ibuf [dreg:s9], $0x7FFFF;
	_ =	strace $0x90000046  }
0xb6: {  	s29 =	simm.s32 $0x9;
	_ =	strace $0x80000048  }
0xb7: {  	_ =	swait.ge [sflag:s29], $0x1  }
0xb8: {  	[sflag:s29] =	ssyncadd.s32 $0xFFFFFFFF  }
0xb9: {  	_ =	strace $0x90000048  }
0xba: {  	_ =	sfence  }
0xbb: {  	s30 =	sld [smem:$0x0];
	_ =	sdelay $0x2  }
0xbc: {  	s31 =	sshll.u32 s1, $0xD;
	s1 =	sshrl.u32 s1, $0x2  }
0xbd: {  	s3 =	sand.u32 $0x4000, s31;
	s1 =	sadd.s32 s1, s30  }
0xbe: {  	s0 =	sor.u32 s3, s0;
	s1 =	sshll.u32 s1, $0x11  }
0xbf: {  	s0 =	sor.u32 s1, s0  }
0xc0: {  	s0 =	sadd.s32 $0x8F2B, s0  }
0xc1: {  	[sflag:s0] =	ssyncadd.remote.s32 $0x1  }
0xc2: {  	_ =	sfence.sel $0xFFFF  }
0xc3: {  	[dreg:$0x0] =	wrdreg $0xFFFFFFFF;
	(pc) =	sbr.abs _section_cstart, $3  }
0xc4: {  	[dreg:$0x1] =	wrdreg $0xFFFFFFFF  }
0xc5: {  	_ =	task.clear_ibuf [dreg:s9], $0x2FFFF;
	_ =	strace $0x9FFFFFFF  }
0xc6: {  	(tm) =	ssettm $0x7FFFFFFF  }
0xc7: {  	_ =	shalt  }
tec
execute0_lowered:
.L_overlay_start_1:
0x0: {  	(tag) =	ssettag $0x1  }
0x1: {  	s1 =	rddreg [dreg:$0x0]  }
0x2: {  	s0 =	rddreg [dreg:$0x1]  }
0x3: {  	s2 =	rddreg [dreg:$0x2]  }
0x4: {  	s3 =	rddreg [dreg:$0x3];
	s5 =	srdreg.scid  }
0x5: {  	s4 =	simm.s32 $0x0;
	s7 =	stileid.u32;
	s14 =	simm.s32 $0x200  }
0x6: {  	s15 =	simm.s32 $0xA00;
	s16 =	simm.s32 $0x1200;
	s17 =	simm.s32 $0x1A00  }
0x7: {  	s18 =	simm.s32 $0x2200;
	s19 =	simm.s32 $0x2A00;
	s20 =	simm.s32 $0x3200  }
0x8: {  	s21 =	simm.s32 $0x3A00;
	s28 =	simm.s32 $0xAA00;
	s29 =	simm.s32 $0xB200  }
0x9: {  	s30 =	simm.s32 $0xBA00;
	s31 =	simm.s32 $0x14200;
	s10 =	simm.s32 $0x5  }
0xa: {  	s11 =	simm.s32 $0x3;
	s12 =	simm.s32 $0x6;
	s13 =	simm.s32 $0x0  }
0xb: {  	s5 =	sand.u32 $0x1, s5;
	[smem:$0x7FF] =	sst s4;
	s7 =	sshll.u32 s7, $0x1  }
0xc: {  	s6 =	ssub.s32 $0x2, s5;
	_ =	strace $0x80000047;
	s7 =	sor.u32 s5, s7  }
0xd: {  	s8 =	sshrl.u32 s6, $0x1;
	s22 =	sshll.u32 s7, $0x6;
	s9 =	sshll.u32 s7, $0xF  }
0xe: {  	s5 =	sshll.u32 s7, $0x9;
	s24 =	sshll.u32 s7, $0x4;
	s0 =	sadd.s32 s0, s22  }
0xf: {  	s7 =	simm.s32 $0x7;
	s9 =	sadd.s32 s1, s9;
	[dreg:$0x5] =	wrdreg s0  }
0x10: {  	v2 =	vlaneseq.u32;
	s6 =	ssub.s32 s6, s8;
	s23 =	sadd.s32 $0x800, s9;
	[dreg:$0x6] =	wrdreg s9  }
0x11: {  	v0 =	vand.u32 $0x7, v2;
	v1 =	vshrl.u32 v2, $0x3;
	s8 =	sadd.s32 $0x100, s2;
	s25 =	sadd.s32 $0x1000, s9;
	[dreg:$0x7] =	wrdreg s23  }
0x12: {  	v63 =	vor.u32 $0x8, v2;
	[tilespmem:$0x1FFD0] =	vst v0;
	v62 =	vmul.u32 $0x8, v1;
	s22 =	simm.s32 $0xC200;
	s0 =	sadd.s32 s3, s24;
	[dreg:$0x8] =	wrdreg s25  }
0x13: {  	[tilespmem:$0x1FFF0] =	vst v63;
	s26 =	smax.u32 s6, $0x1;
	s6 =	simm.s32 $0x4;
	[dreg:$0x9] =	wrdreg s0  }
0x14: {  	vm0 =	vmmov $0xffff;
	[tilespmem:$0x1FFE0] =	vst v62;
	s9 =	simm.s32 $0x2;
	[dreg:$0xa] =	wrdreg s26;
	s0 =	simm.s32 $0x1  }
.LBB2_1:
0x15: {  	[dreg:$0xb] =	wrdreg s13  }
0x16: {  	s3 =	rddreg [dreg:$0x5]  }
0x17: {  	[tilespmem:s4], [sflag:$0x7] =	stream.linear.gather [hbm4b:s3+s4], $0x200, $0x38;
	[tilespmem:$0x18280] =	vst v63  }
0x18: {  	_ =	swait.ge [sflag:s7], $0x200  }
0x19: {  	[sflag:s7] =	ssyncset.done $0x0  }
0x1a: {  	[sflag:s7] =	ssyncadd.s32 $0xFFFFFE00  }
0x1b: {  	v3 =	vld [tilespmem:$0x0];
	_ =	sdelay $0x2  }
0x1c: {  	v0 =	vld [tilespmem:$0x1FFD0];
	_ =	sdelay $0x1  }
0x1d: {  	v1 =	vld [tilespmem:$0x1FFE0];
	v4 =	vshll.u32 v3, $0x2  }
0x1e: {  	v3 =	vand.u32 $0x7, v3;
	v4 =	vand.u32 $0xFFFFFFE0, v4  }
0x1f: {  	v2 =	vld [tilespmem:$0x1FFF0];
	v3 =	vor.u32 v3, v4  }
0x20: {  	v4 =	vperm.xlane v3, v0;
	_ =	sdelay $0x1  }
0x21: {  	v4 =	vadd.s32 v1, v4;
	_ =	sdelay $0x1  }
0x22: {  	v3 =	vperm.xlane v3, v2;
	_ =	sdelay $0x1  }
0x23: {  	v3 =	vadd.s32 v1, v3  }
0x24: {  	[tilespmem:s14], [sflag:$0x1] =	stream.indirect_vreg.gather [hbm4b:s2+s4], $0x80, v4, vm0, $0xb8;
	[tilespmem:$0x18280] =	vst v63  }
0x25: {  	_ = 	snop  }
0x26: {  	[tilespmem:s15], [sflag:$0x1] =	stream.indirect_vreg.gather [hbm4b:s8+s4], $0x80, v4, vm0, $0xb8;
	[tilespmem:$0x18280] =	vst v63  }
0x27: {  	_ = 	snop  }
0x28: {  	[tilespmem:s16], [sflag:$0x1] =	stream.indirect_vreg.gather [hbm4b:s2+s4], $0x80, v3, vm0, $0xb8;
	[tilespmem:$0x18280] =	vst v63  }
0x29: {  	_ = 	snop  }
0x2a: {  	[tilespmem:s17], [sflag:$0x1] =	stream.indirect_vreg.gather [hbm4b:s8+s4], $0x80, v3, vm0, $0xb8;
	[tilespmem:$0x18280] =	vst v63  }
0x2b: {  	v3 =	vld [tilespmem:$0x10];
	_ =	sdelay $0x4  }
0x2c: {  	v4 =	vshll.u32 v3, $0x2  }
0x2d: {  	v3 =	vand.u32 $0x7, v3;
	v4 =	vand.u32 $0xFFFFFFE0, v4  }
0x2e: {  	v3 =	vor.u32 v3, v4  }
0x2f: {  	v4 =	vperm.xlane v3, v0;
	_ =	sdelay $0x1  }
0x30: {  	v4 =	vadd.s32 v1, v4;
	_ =	sdelay $0x1  }
0x31: {  	v3 =	vperm.xlane v3, v2;
	_ =	sdelay $0x1  }
0x32: {  	v3 =	vadd.s32 v1, v3  }
0x33: {  	[tilespmem:s18], [sflag:$0x1] =	stream.indirect_vreg.gather [hbm4b:s2+s4], $0x80, v4, vm0, $0xb8;
	[tilespmem:$0x18280] =	vst v63  }
0x34: {  	_ = 	snop  }
0x35: {  	[tilespmem:s19], [sflag:$0x1] =	stream.indirect_vreg.gather [hbm4b:s8+s4], $0x80, v4, vm0, $0xb8;
	[tilespmem:$0x18280] =	vst v63  }
0x36: {  	_ = 	snop  }
0x37: {  	[tilespmem:s20], [sflag:$0x1] =	stream.indirect_vreg.gather [hbm4b:s2+s4], $0x80, v3, vm0, $0xb8;
	[tilespmem:$0x18280] =	vst v63  }
0x38: {  	_ = 	snop  }
0x39: {  	[tilespmem:s21], [sflag:$0x1] =	stream.indirect_vreg.gather [hbm4b:s8+s4], $0x80, v3, vm0, $0xb8;
	[tilespmem:$0x18280] =	vst v63  }
0x3a: {  	s13 =	rddreg [dreg:$0x6]  }
0x3b: {  	[tilespmem:s22], [sflag:$0x4] =	stream.linear.gather [hbm4b:s13+s4], $0x4000, $0x38;
	[tilespmem:$0x18280] =	vst v63  }
0x3c: {  	v3 =	vld [tilespmem:$0x20];
	_ =	sdelay $0x4  }
0x3d: {  	v4 =	vshll.u32 v3, $0x2  }
0x3e: {  	v3 =	vand.u32 $0x7, v3;
	v4 =	vand.u32 $0xFFFFFFE0, v4  }
0x3f: {  	v3 =	vor.u32 v3, v4  }
0x40: {  	v4 =	vperm.xlane v3, v0;
	_ =	sdelay $0x1  }
0x41: {  	v4 =	vadd.s32 v1, v4;
	_ =	sdelay $0x1  }
0x42: {  	v3 =	vperm.xlane v3, v2;
	_ =	sdelay $0x1  }
0x43: {  	s23 =	simm.s32 $0x4200;
	v3 =	vadd.s32 v1, v3  }
0x44: {  	[tilespmem:s23], [sflag:$0x2] =	stream.indirect_vreg.gather [hbm4b:s2+s4], $0x80, v4, vm0, $0xb8;
	[tilespmem:$0x18280] =	vst v63  }
0x45: {  	s24 =	simm.s32 $0x4A00  }
0x46: {  	[tilespmem:s24], [sflag:$0x2] =	stream.indirect_vreg.gather [hbm4b:s8+s4], $0x80, v4, vm0, $0xb8;
	[tilespmem:$0x18280] =	vst v63  }
0x47: {  	s25 =	simm.s32 $0x5200  }
0x48: {  	[tilespmem:s25], [sflag:$0x2] =	stream.indirect_vreg.gather [hbm4b:s2+s4], $0x80, v3, vm0, $0xb8;
	[tilespmem:$0x18280] =	vst v63  }
0x49: {  	s26 =	simm.s32 $0x5A00  }
0x4a: {  	[tilespmem:s26], [sflag:$0x2] =	stream.indirect_vreg.gather [hbm4b:s8+s4], $0x80, v3, vm0, $0xb8;
	[tilespmem:$0x18280] =	vst v63  }
0x4b: {  	v3 =	vld [tilespmem:$0x30];
	_ =	sdelay $0x4  }
0x4c: {  	v4 =	vshll.u32 v3, $0x2  }
0x4d: {  	v3 =	vand.u32 $0x7, v3;
	v4 =	vand.u32 $0xFFFFFFE0, v4  }
0x4e: {  	v3 =	vor.u32 v3, v4  }
0x4f: {  	v4 =	vperm.xlane v3, v0;
	_ =	sdelay $0x1  }
0x50: {  	v4 =	vadd.s32 v1, v4;
	_ =	sdelay $0x1  }
0x51: {  	v3 =	vperm.xlane v3, v2;
	_ =	sdelay $0x1  }
0x52: {  	s7 =	simm.s32 $0x6200;
	v3 =	vadd.s32 v1, v3  }
0x53: {  	[tilespmem:s7], [sflag:$0x2] =	stream.indirect_vreg.gather [hbm4b:s2+s4], $0x80, v4, vm0, $0xb8;
	[tilespmem:$0x18280] =	vst v63  }
0x54: {  	s13 =	simm.s32 $0x6A00  }
0x55: {  	[tilespmem:s13], [sflag:$0x2] =	stream.indirect_vreg.gather [hbm4b:s8+s4], $0x80, v4, vm0, $0xb8;
	[tilespmem:$0x18280] =	vst v63  }
0x56: {  	s23 =	simm.s32 $0x7200  }
0x57: {  	[tilespmem:s23], [sflag:$0x2] =	stream.indirect_vreg.gather [hbm4b:s2+s4], $0x80, v3, vm0, $0xb8;
	[tilespmem:$0x18280] =	vst v63  }
0x58: {  	s24 =	simm.s32 $0x7A00  }
0x59: {  	[tilespmem:s24], [sflag:$0x2] =	stream.indirect_vreg.gather [hbm4b:s8+s4], $0x80, v3, vm0, $0xb8;
	[tilespmem:$0x18280] =	vst v63  }
0x5a: {  	s25 =	rddreg [dreg:$0x7];
	s26 =	simm.s32 $0x10200  }
0x5b: {  	[tilespmem:s26], [sflag:$0x5] =	stream.linear.gather [hbm4b:s25+s4], $0x4000, $0x38;
	[tilespmem:$0x18280] =	vst v63  }
0x5c: {  	v3 =	vld [tilespmem:$0x40];
	_ =	sdelay $0x4  }
0x5d: {  	v4 =	vshll.u32 v3, $0x2  }
0x5e: {  	v3 =	vand.u32 $0x7, v3;
	v4 =	vand.u32 $0xFFFFFFE0, v4  }
0x5f: {  	v3 =	vor.u32 v3, v4  }
0x60: {  	v4 =	vperm.xlane v3, v0;
	_ =	sdelay $0x1  }
0x61: {  	v4 =	vadd.s32 v1, v4;
	_ =	sdelay $0x1  }
0x62: {  	v3 =	vperm.xlane v3, v2;
	_ =	sdelay $0x1  }
0x63: {  	s7 =	simm.s32 $0x8200;
	v3 =	vadd.s32 v1, v3  }
0x64: {  	[tilespmem:s7], [sflag:$0x3] =	stream.indirect_vreg.gather [hbm4b:s2+s4], $0x80, v4, vm0, $0xb8;
	[tilespmem:$0x18280] =	vst v63  }
0x65: {  	s13 =	simm.s32 $0x8A00  }
0x66: {  	[tilespmem:s13], [sflag:$0x3] =	stream.indirect_vreg.gather [hbm4b:s8+s4], $0x80, v4, vm0, $0xb8;
	[tilespmem:$0x18280] =	vst v63  }
0x67: {  	s23 =	simm.s32 $0x9200  }
0x68: {  	[tilespmem:s23], [sflag:$0x3] =	stream.indirect_vreg.gather [hbm4b:s2+s4], $0x80, v3, vm0, $0xb8;
	[tilespmem:$0x18280] =	vst v63  }
0x69: {  	s24 =	simm.s32 $0x9A00  }
0x6a: {  	[tilespmem:s24], [sflag:$0x3] =	stream.indirect_vreg.gather [hbm4b:s8+s4], $0x80, v3, vm0, $0xb8;
	[tilespmem:$0x18280] =	vst v63  }
0x6b: {  	v3 =	vld [tilespmem:$0x50];
	_ =	sdelay $0x4  }
0x6c: {  	v4 =	vshll.u32 v3, $0x2  }
0x6d: {  	v3 =	vand.u32 $0x7, v3;
	v4 =	vand.u32 $0xFFFFFFE0, v4  }
0x6e: {  	v3 =	vor.u32 v3, v4  }
0x6f: {  	v4 =	vperm.xlane v3, v0;
	_ =	sdelay $0x1  }
0x70: {  	v4 =	vadd.s32 v1, v4;
	_ =	sdelay $0x1  }
0x71: {  	v3 =	vperm.xlane v3, v2;
	_ =	sdelay $0x1  }
0x72: {  	s25 =	simm.s32 $0xA200;
	v3 =	vadd.s32 v1, v3  }
0x73: {  	[tilespmem:s25], [sflag:$0x3] =	stream.indirect_vreg.gather [hbm4b:s2+s4], $0x80, v4, vm0, $0xb8;
	[tilespmem:$0x18280] =	vst v63  }
0x74: {  	_ = 	snop  }
0x75: {  	[tilespmem:s28], [sflag:$0x3] =	stream.indirect_vreg.gather [hbm4b:s8+s4], $0x80, v4, vm0, $0xb8;
	[tilespmem:$0x18280] =	vst v63  }
0x76: {  	_ = 	snop  }
0x77: {  	[tilespmem:s29], [sflag:$0x3] =	stream.indirect_vreg.gather [hbm4b:s2+s4], $0x80, v3, vm0, $0xb8;
	[tilespmem:$0x18280] =	vst v63  }
0x78: {  	_ = 	snop  }
0x79: {  	[tilespmem:s30], [sflag:$0x3] =	stream.indirect_vreg.gather [hbm4b:s8+s4], $0x80, v3, vm0, $0xb8;
	[tilespmem:$0x18280] =	vst v63  }
0x7a: {  	v5 =	vimm.f32 $0.0e+00;
	s26 =	rddreg [dreg:$0x8];
	s13 =	simm.s32 $0x0  }
0x7b: {  	v6 =	vimm.f32 $0.0e+00;
	v4 =	vimm.f32 $0.0e+00;
	v3 =	vimm.f32 $0.0e+00;
	[tilespmem:s31], [sflag:$0x6] =	stream.linear.gather [hbm4b:s26+s4], $0x4000, $0x38;
	[tilespmem:$0x18280] =	vst v63  }
.LBB2_2:
0x7c: {  	_ =	swait.ge [sflag:s0], $0x4000  }
0x7d: {  	[sflag:s0] =	ssyncset.done $0x0  }
0x7e: {  	[sflag:s0] =	ssyncadd.s32 $0xFFFFC000  }
0x7f: {  	s7 =	simm.s32 $0x0;
	_ =	swait.ge [sflag:s6], $0x4000  }
0x80: {  	s3 =	sand.u32 $0x3000, s7;
	s23 =	sand.u32 $0x380, s7;
	[sflag:s6] =	ssyncset.done $0x0  }
0x81: {  	s3 =	sor.u32 s23, s3;
	[sflag:s6] =	ssyncadd.s32 $0xFFFFC000  }
0x82: {  	v7 =	vld [tilespmem:s3+$0xCE40]  }
0x83: {  	v8 =	vld [tilespmem:s3+$0xE40]  }
0x84: {  	v9 =	vld [tilespmem:s3+$0xCE50]  }
0x85: {  	v10 =	vld [tilespmem:s3+$0xE50]  }
0x86: {  	v11 =	vld [tilespmem:s3+$0xCE60]  }
0x87: {  	v12 =	vld [tilespmem:s3+$0xE60]  }
0x88: {  	v13 =	vld [tilespmem:s3+$0xCE70]  }
0x89: {  	v14 =	vld [tilespmem:s3+$0xE70]  }
0x8a: {  	v17 =	vld [tilespmem:s3+$0xCE00]  }
0x8b: {  	v18 =	vld [tilespmem:s3+$0xE00]  }
0x8c: {  	v19 =	vld [tilespmem:s3+$0xCE10]  }
0x8d: {  	v20 =	vld [tilespmem:s3+$0xE10]  }
0x8e: {  	v21 =	vld [tilespmem:s3+$0xCE20]  }
0x8f: {  	v22 =	vld [tilespmem:s3+$0xE20]  }
0x90: {  	v23 =	vld [tilespmem:s3+$0xCE30]  }
0x91: {  	v25 =	vld [tilespmem:s3+$0xE30]  }
0x92: {  	v26 =	vld [tilespmem:s3+$0xCA40]  }
0x93: {  	v27 =	vld [tilespmem:s3+$0xA40]  }
0x94: {  	v29 =	vld [tilespmem:s3+$0xCA50]  }
0x95: {  	v32 =	vld [tilespmem:s3+$0xA50]  }
0x96: {  	v36 =	vld [tilespmem:s3+$0xCA60]  }
0x97: {  	v37 =	vld [tilespmem:s3+$0xA60]  }
0x98: {  	v39 =	vld [tilespmem:s3+$0xCA70]  }
0x99: {  	v40 =	vld [tilespmem:s3+$0xA70]  }
0x9a: {  	v41 =	vld [tilespmem:s3+$0xCA00]  }
0x9b: {  	v42 =	vld [tilespmem:s3+$0xA00]  }
0x9c: {  	v43 =	vld [tilespmem:s3+$0xCA10]  }
0x9d: {  	v44 =	vld [tilespmem:s3+$0xA10]  }
0x9e: {  	v45 =	vld [tilespmem:s3+$0xCA20]  }
0x9f: {  	v46 =	vld [tilespmem:s3+$0xA20]  }
0xa0: {  	v47 =	vld [tilespmem:s3+$0xCA30]  }
0xa1: {  	v48 =	vld [tilespmem:s3+$0xA30]  }
0xa2: {  	v49 =	vld [tilespmem:s3+$0xC640]  }
0xa3: {  	v50 =	vld [tilespmem:s3+$0x640]  }
0xa4: {  	v51 =	vld [tilespmem:s3+$0xC650]  }
0xa5: {  	v52 =	vld [tilespmem:s3+$0x650]  }
0xa6: {  	v53 =	vld [tilespmem:s3+$0xC660]  }
0xa7: {  	v54 =	vld [tilespmem:s3+$0x660]  }
0xa8: {  	v55 =	vld [tilespmem:s3+$0xC670]  }
0xa9: {  	v56 =	vld [tilespmem:s3+$0x670]  }
0xaa: {  	v57 =	vld [tilespmem:s3+$0xC600]  }
0xab: {  	v58 =	vld [tilespmem:s3+$0x600]  }
0xac: {  	v59 =	vld [tilespmem:s3+$0xC610]  }
0xad: {  	v60 =	vld [tilespmem:s3+$0x610]  }
0xae: {  	v61 =	vld [tilespmem:s3+$0xC620]  }
0xaf: {  	v62 =	vld [tilespmem:s3+$0x620]  }
0xb0: {  	v30 =	vld [tilespmem:s3+$0xC630]  }
0xb1: {  	v33 =	vld [tilespmem:s3+$0x630]  }
0xb2: {  	v28 =	vld [tilespmem:s3+$0xC240];
	v15 =	vsub.f32 v7, v8  }
0xb3: {  	v34 =	vld [tilespmem:s3+$0x240];
	v16 =	vsub.f32 v9, v10;
	v8 =	vsub.f32 v11, v12  }
0xb4: {  	v31 =	vld [tilespmem:s3+$0xC250];
	v17 =	vsub.f32 v17, v18;
	v7 =	vsub.f32 v13, v14  }
0xb5: {  	v35 =	vld [tilespmem:s3+$0x250];
	v18 =	vsub.f32 v19, v20;
	v10 =	vsub.f32 v21, v22  }
0xb6: {  	v24 =	vld [tilespmem:s3+$0xC260];
	v21 =	vsub.f32 v26, v27;
	v9 =	vsub.f32 v23, v25  }
0xb7: {  	v38 =	vld [tilespmem:s3+$0xC200];
	v22 =	vsub.f32 v29, v32;
	v12 =	vsub.f32 v36, v37  }
0xb8: {  	v26 =	vld [tilespmem:s3+$0x260];
	v23 =	vsub.f32 v41, v42;
	v11 =	vsub.f32 v39, v40  }
0xb9: {  	v40 =	vld [tilespmem:s3+$0x200];
	v25 =	vsub.f32 v43, v44;
	v14 =	vsub.f32 v45, v46  }
0xba: {  	v39 =	vld [tilespmem:s3+$0xC210];
	v29 =	vsub.f32 v49, v50;
	v13 =	vsub.f32 v47, v48  }
0xbb: {  	v42 =	vld [tilespmem:s3+$0x210];
	v32 =	vsub.f32 v51, v52;
	v20 =	vsub.f32 v53, v54  }
0xbc: {  	v41 =	vld [tilespmem:s3+$0xC220];
	v36 =	vsub.f32 v57, v58;
	v19 =	vsub.f32 v55, v56  }
0xbd: {  	s23 =	simm.s32 $0x200;
	v47 =	vld [tilespmem:s3+$0x220];
	v37 =	vsub.f32 v59, v60;
	v27 =	vsub.f32 v61, v62  }
.LBB2_3:
0xbe: {  	p0 =	sne.s32 s23, $0x3E00;
	v43 =	vld [tilespmem:s3+$0xC230];
	v30 =	vsub.f32 v30, v33;
	v33 =	vmul.f32 v15, v15;
	v44 =	vmul.f32 v16, v16  }
0xbf: {  	v28 =	vsub.f32 v28, v34;
	v34 =	vmul.f32 v17, v17;
	v46 =	vmul.f32 v18, v18;
	s7 =	sadd.s32 $0x80, s7;
	v45 =	vld [tilespmem:s3+$0x230]  }
0xc0: {  	s24 =	sand.u32 $0x3000, s23;
	v18 =	vsub.f32 v31, v35;
	v35 =	vmul.f32 v21, v21;
	v48 =	vmul.f32 v22, v22;
	s25 =	sand.u32 $0x380, s7;
	v31 =	vld [tilespmem:s3+$0xC270]  }
0xc1: {  	v21 =	vsub.f32 v38, v40;
	v38 =	vmul.f32 v23, v23;
	v25 =	vmul.f32 v25, v25;
	v22 =	vld [tilespmem:s3+$0x270];
	s3 =	sor.u32 s25, s24  }
0xc2: {  	v29 =	vmul.f32 v29, v29;
	v32 =	vmul.f32 v32, v32;
	v23 =	vsub.f32 v39, v42;
	v15 =	vld [tilespmem:s3+$0xCE40]  }
0xc3: {  	v36 =	vmul.f32 v36, v36;
	v37 =	vmul.f32 v37, v37;
	v39 =	vsub.f32 v41, v47;
	v16 =	vld [tilespmem:s3+$0xE40]  }
0xc4: {  	v28 =	vmul.f32 v28, v28;
	v41 =	vmul.f32 v18, v18;
	v17 =	vld [tilespmem:s3+$0xCE50];
	v40 =	vsub.f32 v43, v45  }
0xc5: {  	v24 =	vsub.f32 v24, v26;
	v42 =	vmul.f32 v21, v21;
	v23 =	vmul.f32 v23, v23;
	v18 =	vld [tilespmem:s3+$0xE50]  }
0xc6: {  	v26 =	vmul.f32 v39, v39;
	v21 =	vld [tilespmem:s3+$0xCE60];
	v39 =	vmul.f32 v40, v40;
	v31 =	vsub.f32 v31, v22  }
0xc7: {  	v6 =	vadd.f32 v42, v6;
	v5 =	vadd.f32 v23, v5;
	v40 =	vmul.f32 v24, v24;
	v22 =	vld [tilespmem:s3+$0xE60]  }
0xc8: {  	v4 =	vadd.f32 v26, v4;
	v23 =	vld [tilespmem:s3+$0xCE70];
	v3 =	vadd.f32 v39, v3;
	v26 =	vmul.f32 v31, v31  }
0xc9: {  	v27 =	vmul.f32 v27, v27;
	v6 =	vadd.f32 v28, v6;
	v5 =	vadd.f32 v41, v5;
	v24 =	vld [tilespmem:s3+$0xE70]  }
0xca: {  	v4 =	vadd.f32 v40, v4;
	v39 =	vld [tilespmem:s3+$0xCE00];
	v3 =	vadd.f32 v26, v3;
	v26 =	vmul.f32 v30, v30  }
0xcb: {  	v20 =	vmul.f32 v20, v20;
	v6 =	vadd.f32 v36, v6;
	v5 =	vadd.f32 v37, v5;
	v40 =	vld [tilespmem:s3+$0xE00]  }
0xcc: {  	v19 =	vmul.f32 v19, v19;
	v4 =	vadd.f32 v27, v4;
	v36 =	vld [tilespmem:s3+$0xCE10];
	v3 =	vadd.f32 v26, v3  }
0xcd: {  	v14 =	vmul.f32 v14, v14;
	v6 =	vadd.f32 v29, v6;
	v5 =	vadd.f32 v32, v5;
	v26 =	vld [tilespmem:s3+$0xE10]  }
0xce: {  	v13 =	vmul.f32 v13, v13;
	v4 =	vadd.f32 v20, v4;
	v27 =	vld [tilespmem:s3+$0xCE20];
	v3 =	vadd.f32 v19, v3  }
0xcf: {  	v12 =	vmul.f32 v12, v12;
	v6 =	vadd.f32 v38, v6;
	v5 =	vadd.f32 v25, v5;
	v19 =	vld [tilespmem:s3+$0xE20]  }
0xd0: {  	v11 =	vmul.f32 v11, v11;
	v4 =	vadd.f32 v14, v4;
	v20 =	vld [tilespmem:s3+$0xCE30];
	v3 =	vadd.f32 v13, v3  }
0xd1: {  	v10 =	vmul.f32 v10, v10;
	v6 =	vadd.f32 v35, v6;
	v5 =	vadd.f32 v48, v5;
	v13 =	vld [tilespmem:s3+$0xE30]  }
0xd2: {  	v9 =	vmul.f32 v9, v9;
	v4 =	vadd.f32 v12, v4;
	v14 =	vld [tilespmem:s3+$0xCA40];
	v3 =	vadd.f32 v11, v3  }
0xd3: {  	v8 =	vmul.f32 v8, v8;
	v6 =	vadd.f32 v34, v6;
	v5 =	vadd.f32 v46, v5;
	v11 =	vld [tilespmem:s3+$0xA40]  }
0xd4: {  	v7 =	vmul.f32 v7, v7;
	v4 =	vadd.f32 v10, v4;
	v12 =	vld [tilespmem:s3+$0xCA50];
	v3 =	vadd.f32 v9, v3  }
0xd5: {  	v6 =	vadd.f32 v33, v6;
	v5 =	vadd.f32 v44, v5;
	v25 =	vld [tilespmem:s3+$0xA50]  }
0xd6: {  	v4 =	vadd.f32 v8, v4;
	v29 =	vld [tilespmem:s3+$0xCA60];
	v3 =	vadd.f32 v7, v3  }
0xd7: {  	v32 =	vld [tilespmem:s3+$0xA60]  }
0xd8: {  	v37 =	vld [tilespmem:s3+$0xCA70]  }
0xd9: {  	v41 =	vld [tilespmem:s3+$0xA70]  }
0xda: {  	v42 =	vld [tilespmem:s3+$0xCA00]  }
0xdb: {  	v43 =	vld [tilespmem:s3+$0xA00]  }
0xdc: {  	v44 =	vld [tilespmem:s3+$0xCA10]  }
0xdd: {  	v45 =	vld [tilespmem:s3+$0xA10]  }
0xde: {  	v46 =	vld [tilespmem:s3+$0xCA20]  }
0xdf: {  	v47 =	vld [tilespmem:s3+$0xA20]  }
0xe0: {  	v48 =	vld [tilespmem:s3+$0xCA30]  }
0xe1: {  	v49 =	vld [tilespmem:s3+$0xA30]  }
0xe2: {  	v50 =	vld [tilespmem:s3+$0xC640]  }
0xe3: {  	v51 =	vld [tilespmem:s3+$0x640]  }
0xe4: {  	v52 =	vld [tilespmem:s3+$0xC650]  }
0xe5: {  	v53 =	vld [tilespmem:s3+$0x650]  }
0xe6: {  	v54 =	vld [tilespmem:s3+$0xC660]  }
0xe7: {  	v55 =	vld [tilespmem:s3+$0x660]  }
0xe8: {  	v56 =	vld [tilespmem:s3+$0xC670]  }
0xe9: {  	v57 =	vld [tilespmem:s3+$0x670]  }
0xea: {  	v58 =	vld [tilespmem:s3+$0xC600]  }
0xeb: {  	v59 =	vld [tilespmem:s3+$0x600]  }
0xec: {  	v60 =	vld [tilespmem:s3+$0xC610]  }
0xed: {  	v61 =	vld [tilespmem:s3+$0x610]  }
0xee: {  	v62 =	vld [tilespmem:s3+$0xC620]  }
0xef: {  	v63 =	vld [tilespmem:s3+$0x620]  }
0xf0: {  	v30 =	vld [tilespmem:s3+$0xC630]  }
0xf1: {  	v33 =	vld [tilespmem:s3+$0x630]  }
0xf2: {  	v15 =	vsub.f32 v15, v16;
	v28 =	vld [tilespmem:s3+$0xC240]  }
0xf3: {  	v16 =	vsub.f32 v17, v18;
	v8 =	vsub.f32 v21, v22;
	v34 =	vld [tilespmem:s3+$0x240]  }
0xf4: {  	v17 =	vsub.f32 v39, v40;
	v7 =	vsub.f32 v23, v24;
	v31 =	vld [tilespmem:s3+$0xC250]  }
0xf5: {  	v18 =	vsub.f32 v36, v26;
	v10 =	vsub.f32 v27, v19;
	v35 =	vld [tilespmem:s3+$0x250]  }
0xf6: {  	v9 =	vsub.f32 v20, v13;
	v21 =	vsub.f32 v14, v11;
	v24 =	vld [tilespmem:s3+$0xC260]  }
0xf7: {  	v22 =	vsub.f32 v12, v25;
	v12 =	vsub.f32 v29, v32;
	v26 =	vld [tilespmem:s3+$0x260]  }
0xf8: {  	v11 =	vsub.f32 v37, v41;
	v23 =	vsub.f32 v42, v43;
	v38 =	vld [tilespmem:s3+$0xC200]  }
.Ltmp0:
0xf9: {  	v25 =	vsub.f32 v44, v45;
	v14 =	vsub.f32 v46, v47;
	v40 =	vld [tilespmem:s3+$0x200];
	(pc) =	sbr.rel @p0 .LBB2_3-.Ltmp0, $4  }
0xfa: {  	v13 =	vsub.f32 v48, v49;
	v29 =	vsub.f32 v50, v51;
	v39 =	vld [tilespmem:s3+$0xC210]  }
0xfb: {  	v32 =	vsub.f32 v52, v53;
	v20 =	vsub.f32 v54, v55;
	v42 =	vld [tilespmem:s3+$0x210]  }
0xfc: {  	v19 =	vsub.f32 v56, v57;
	v36 =	vsub.f32 v58, v59;
	v41 =	vld [tilespmem:s3+$0xC220]  }
0xfd: {  	s23 =	sadd.s32 $0x200, s23;
	v37 =	vsub.f32 v60, v61;
	v27 =	vsub.f32 v62, v63;
	v47 =	vld [tilespmem:s3+$0x220]  }
0xfe: {  	s7 =	smul.u32 $0x60, s13;
	_ =	sdelay $0x1  }
0xff: {  	v43 =	vld [tilespmem:s7+$0x60];
	_ =	sdelay $0x2  }
0x100: {  	v0 =	vld [tilespmem:$0x1FFD0];
	_ =	sdelay $0x1  }
0x101: {  	v1 =	vld [tilespmem:$0x1FFE0];
	v44 =	vshll.u32 v43, $0x2  }
0x102: {  	v43 =	vand.u32 $0x7, v43;
	v44 =	vand.u32 $0xFFFFFFE0, v44  }
0x103: {  	v2 =	vld [tilespmem:$0x1FFF0];
	v43 =	vor.u32 v43, v44  }
0x104: {  	v44 =	vperm.xlane v43, v0;
	_ =	sdelay $0x1  }
0x105: {  	v44 =	vadd.s32 v1, v44  }
0x106: {  	v50 =	vld [tilespmem:s3+$0xC230]  }
0x107: {  	v51 =	vld [tilespmem:s3+$0x230];
	v43 =	vperm.xlane v43, v2  }
0x108: {  	v52 =	vld [tilespmem:s3+$0xC270]  }
0x109: {  	v53 =	vld [tilespmem:s3+$0x270];
	s3 =	simm.s32 $0x0;
	v43 =	vadd.s32 v1, v43  }
0x10a: {  	[tilespmem:s14], [sflag:$0x1] =	stream.indirect_vreg.gather [hbm4b:s2+s3], $0x80, v44, vm0, $0xb8;
	[tilespmem:$0x18280] =	vst v63  }
0x10b: {  	_ = 	snop  }
0x10c: {  	[tilespmem:s15], [sflag:$0x1] =	stream.indirect_vreg.gather [hbm4b:s8+s3], $0x80, v44, vm0, $0xb8;
	[tilespmem:$0x18280] =	vst v63  }
0x10d: {  	_ = 	snop  }
0x10e: {  	[tilespmem:s16], [sflag:$0x1] =	stream.indirect_vreg.gather [hbm4b:s2+s3], $0x80, v43, vm0, $0xb8;
	[tilespmem:$0x18280] =	vst v63  }
0x10f: {  	_ = 	snop  }
0x110: {  	[tilespmem:s17], [sflag:$0x1] =	stream.indirect_vreg.gather [hbm4b:s8+s3], $0x80, v43, vm0, $0xb8;
	[tilespmem:$0x18280] =	vst v63  }
0x111: {  	v43 =	vld [tilespmem:s7+$0x70];
	_ =	sdelay $0x4  }
0x112: {  	v63 =	vshll.u32 v43, $0x2  }
0x113: {  	v43 =	vand.u32 $0x7, v43;
	v44 =	vand.u32 $0xFFFFFFE0, v63  }
0x114: {  	v43 =	vor.u32 v43, v44  }
0x115: {  	v44 =	vperm.xlane v43, v0;
	_ =	sdelay $0x1  }
0x116: {  	v44 =	vadd.s32 v1, v44;
	_ =	sdelay $0x1  }
0x117: {  	v43 =	vperm.xlane v43, v2;
	_ =	sdelay $0x1  }
0x118: {  	v43 =	vadd.s32 v1, v43  }
0x119: {  	[tilespmem:s18], [sflag:$0x1] =	stream.indirect_vreg.gather [hbm4b:s2+s3], $0x80, v44, vm0, $0xb8;
	[tilespmem:$0x18280] =	vst v63  }
0x11a: {  	s23 =	sadd.s32 $0x60, s7  }
0x11b: {  	[tilespmem:s19], [sflag:$0x1] =	stream.indirect_vreg.gather [hbm4b:s8+s3], $0x80, v44, vm0, $0xb8;
	[tilespmem:$0x18280] =	vst v63  }
0x11c: {  	s23 =	sadd.s32 s5, s23  }
0x11d: {  	[tilespmem:s20], [sflag:$0x1] =	stream.indirect_vreg.gather [hbm4b:s2+s3], $0x80, v43, vm0, $0xb8;
	[tilespmem:$0x18280] =	vst v63  }
0x11e: {  	s23 =	sshll.u32 s23, $0x6  }
0x11f: {  	[tilespmem:s21], [sflag:$0x1] =	stream.indirect_vreg.gather [hbm4b:s8+s3], $0x80, v43, vm0, $0xb8;
	[tilespmem:$0x18280] =	vst v63  }
0x120: {  	s23 =	sadd.s32 s1, s23  }
0x121: {  	[tilespmem:s22], [sflag:$0x4] =	stream.linear.gather [hbm4b:s23+s3], $0x4000, $0x38;
	[tilespmem:$0x18280] =	vst v63  }
0x122: {  	_ =	swait.ge [sflag:s9], $0x4000  }
0x123: {  	[sflag:s9] =	ssyncset.done $0x0  }
0x124: {  	[sflag:s9] =	ssyncadd.s32 $0xFFFFC000  }
0x125: {  	s25 =	sand.u32 $0xFFFFF000, s3;
	_ =	swait.ge [sflag:s10], $0x4000  }
0x126: {  	s23 =	sadd.s32 $0x0, s25;
	[sflag:s10] =	ssyncset.done $0x0  }
0x127: {  	s24 =	sor.u32 $0x4C40, s23;
	[sflag:s10] =	ssyncadd.s32 $0xFFFFC000  }
0x128: {  	v0 =	vld [tilespmem:s24+$0xC200];
	_ =	sdelay $0x4  }
0x129: {  	[tilespmem:$0x1FF20] =	vst v0;
	v0 =	vld [tilespmem:s24+$0x200];
	_ =	sdelay $0x3  }
0x12a: {  	s26 =	sor.u32 $0x4C50, s23  }
0x12b: {  	[tilespmem:$0x1FF30] =	vst v0;
	v0 =	vld [tilespmem:s26+$0xC200]  }
0x12c: {  	v43 =	vsub.f32 v38, v40  }
0x12d: {  	v30 =	vsub.f32 v30, v33;
	v47 =	vsub.f32 v41, v47  }
0x12e: {  	v28 =	vsub.f32 v28, v34;
	v33 =	vmul.f32 v43, v43;
	v43 =	vsub.f32 v50, v51  }
0x12f: {  	v31 =	vsub.f32 v31, v35;
	v24 =	vsub.f32 v24, v26;
	v35 =	vmul.f32 v47, v47  }
0x130: {  	v28 =	vmul.f32 v28, v28;
	v26 =	vsub.f32 v52, v53;
	v44 =	vmul.f32 v43, v43;
	[tilespmem:$0x1FF40] =	vst v0;
	v0 =	vld [tilespmem:s26+$0x200]  }
0x131: {  	v24 =	vmul.f32 v24, v24;
	v4 =	vadd.f32 v35, v4;
	v6 =	vadd.f32 v33, v6  }
0x132: {  	v27 =	vmul.f32 v27, v27;
	v26 =	vmul.f32 v26, v26;
	v3 =	vadd.f32 v44, v3  }
0x133: {  	v4 =	vadd.f32 v24, v4;
	v6 =	vadd.f32 v28, v6;
	v28 =	vmul.f32 v36, v36  }
0x134: {  	s25 =	sor.u32 $0x4C60, s23;
	v3 =	vadd.f32 v26, v3;
	v26 =	vmul.f32 v29, v29;
	v29 =	vmul.f32 v30, v30  }
0x135: {  	v20 =	vmul.f32 v20, v20;
	v4 =	vadd.f32 v27, v4;
	[tilespmem:$0x1FF50] =	vst v0;
	v0 =	vld [tilespmem:s25+$0xC200]  }
0x136: {  	v19 =	vmul.f32 v19, v19;
	v6 =	vadd.f32 v28, v6;
	v3 =	vadd.f32 v29, v3  }
0x137: {  	v23 =	vmul.f32 v23, v23;
	v14 =	vmul.f32 v14, v14;
	v4 =	vadd.f32 v20, v4  }
0x138: {  	v13 =	vmul.f32 v13, v13;
	v6 =	vadd.f32 v26, v6;
	v3 =	vadd.f32 v19, v3  }
0x139: {  	v21 =	vmul.f32 v21, v21;
	v12 =	vmul.f32 v12, v12;
	v4 =	vadd.f32 v14, v4  }
0x13a: {  	v11 =	vmul.f32 v11, v11;
	v6 =	vadd.f32 v23, v6;
	v3 =	vadd.f32 v13, v3;
	[tilespmem:$0x1FF60] =	vst v0;
	v0 =	vld [tilespmem:s25+$0x200]  }
0x13b: {  	v10 =	vmul.f32 v10, v10;
	v9 =	vmul.f32 v9, v9;
	v4 =	vadd.f32 v12, v4  }
0x13c: {  	v13 =	vmul.f32 v17, v17;
	v6 =	vadd.f32 v21, v6;
	v3 =	vadd.f32 v11, v3  }
0x13d: {  	v8 =	vmul.f32 v8, v8;
	v4 =	vadd.f32 v10, v4  }
0x13e: {  	v6 =	vadd.f32 v13, v6;
	v13 =	vmul.f32 v7, v7;
	v3 =	vadd.f32 v9, v3;
	s26 =	sor.u32 $0x4C70, s23  }
0x13f: {  	[tilespmem:$0x1FF70] =	vst v0;
	v0 =	vld [tilespmem:s26+$0xC200]  }
0x140: {  	v7 =	vadd.f32 v8, v4;
	v8 =	vadd.f32 v13, v3;
	v3 =	vld [tilespmem:$0x1FF20]  }
0x141: {  	v34 =	vsub.f32 v39, v42;
	v4 =	vld [tilespmem:$0x1FF30];
	_ =	sdelay $0x1  }
0x142: {  	v34 =	vmul.f32 v34, v34  }
0x143: {  	[tilespmem:$0x1FFA0] =	vst v0;
	v0 =	vld [tilespmem:s26+$0x200]  }
0x144: {  	v31 =	vmul.f32 v31, v31;
	v5 =	vadd.f32 v34, v5  }
0x145: {  	v11 =	vmul.f32 v15, v15;
	v15 =	vsub.f32 v3, v4;
	v3 =	vld [tilespmem:$0x1FF40]  }
0x146: {  	v5 =	vadd.f32 v31, v5;
	v24 =	vmul.f32 v37, v37;
	v4 =	vld [tilespmem:$0x1FF50]  }
0x147: {  	s25 =	sor.u32 $0x4C00, s23  }
0x148: {  	v5 =	vadd.f32 v24, v5;
	v24 =	vmul.f32 v32, v32;
	s24 =	sor.u32 $0x4C30, s23;
	[tilespmem:$0x1FFB0] =	vst v0;
	v0 =	vld [tilespmem:s25+$0xC200]  }
0x149: {  	v62 =	vld [tilespmem:s24+$0xC200]  }
0x14a: {  	v5 =	vadd.f32 v24, v5;
	v63 =	vld [tilespmem:s24+$0x200]  }
0x14b: {  	v24 =	vmul.f32 v25, v25;
	v12 =	vmul.f32 v16, v16;
	v16 =	vsub.f32 v3, v4;
	v3 =	vld [tilespmem:$0x1FF60]  }
0x14c: {  	v4 =	vld [tilespmem:$0x1FF70]  }
0x14d: {  	v5 =	vadd.f32 v24, v5;
	v14 =	vmul.f32 v22, v22;
	s26 =	sor.u32 $0x4C20, s23;
	[tilespmem:$0x1FF80] =	vst v0;
	v0 =	vld [tilespmem:s25+$0x200]  }
0x14e: {  	v60 =	vld [tilespmem:s26+$0xC200]  }
0x14f: {  	v5 =	vadd.f32 v14, v5;
	v14 =	vmul.f32 v18, v18;
	v61 =	vld [tilespmem:s26+$0x200];
	s25 =	sor.u32 $0x4C10, s23  }
0x150: {  	v59 =	vld [tilespmem:s25+$0x200]  }
0x151: {  	v5 =	vadd.f32 v14, v5;
	v4 =	vsub.f32 v3, v4;
	v3 =	vld [tilespmem:$0x1FF80]  }
0x152: {  	s26 =	sand.u32 $0x380, s3;
	[tilespmem:$0x1FF90] =	vst v0;
	v0 =	vld [tilespmem:s25+$0xC200];
	s25 =	sand.u32 $0x3000, s3  }
0x153: {  	v9 =	vadd.f32 v12, v5;
	s23 =	sor.u32 s26, s25;
	v5 =	vld [tilespmem:$0x1FF90]  }
0x154: {  	v55 =	vld [tilespmem:s23+$0x10A40]  }
0x155: {  	v49 =	vld [tilespmem:s23+$0x4A40]  }
0x156: {  	v58 =	vld [tilespmem:s23+$0x10A50]  }
0x157: {  	v56 =	vld [tilespmem:s23+$0x4A50]  }
0x158: {  	v54 =	vld [tilespmem:s23+$0x10A60]  }
0x159: {  	v48 =	vld [tilespmem:s23+$0x4A60]  }
0x15a: {  	v57 =	vld [tilespmem:s23+$0x10A70]  }
0x15b: {  	v46 =	vld [tilespmem:s23+$0x4A70]  }
0x15c: {  	v45 =	vld [tilespmem:s23+$0x10A00]  }
0x15d: {  	v40 =	vld [tilespmem:s23+$0x4A00]  }
0x15e: {  	v39 =	vld [tilespmem:s23+$0x10A10]  }
0x15f: {  	v47 =	vld [tilespmem:s23+$0x4A10]  }
0x160: {  	v50 =	vld [tilespmem:s23+$0x10A20]  }
0x161: {  	v51 =	vld [tilespmem:s23+$0x4A20]  }
0x162: {  	v52 =	vld [tilespmem:s23+$0x10A30]  }
0x163: {  	v44 =	vld [tilespmem:s23+$0x4A30]  }
0x164: {  	v42 =	vld [tilespmem:s23+$0x10640]  }
0x165: {  	v30 =	vld [tilespmem:s23+$0x4640]  }
0x166: {  	v41 =	vld [tilespmem:s23+$0x10650]  }
0x167: {  	v32 =	vld [tilespmem:s23+$0x4650]  }
0x168: {  	v53 =	vld [tilespmem:s23+$0x10660]  }
0x169: {  	v20 =	vld [tilespmem:s23+$0x4660]  }
0x16a: {  	v43 =	vld [tilespmem:s23+$0x10670]  }
0x16b: {  	v37 =	vld [tilespmem:s23+$0x4670]  }
0x16c: {  	v36 =	vld [tilespmem:s23+$0x10600]  }
0x16d: {  	v19 =	vld [tilespmem:s23+$0x4600]  }
0x16e: {  	v27 =	vld [tilespmem:s23+$0x10610]  }
0x16f: {  	v2 =	vld [tilespmem:s23+$0x4610]  }
0x170: {  	v1 =	vld [tilespmem:s23+$0x10620]  }
0x171: {  	v28 =	vld [tilespmem:s23+$0x10630]  }
0x172: {  	v33 =	vld [tilespmem:s23+$0x4630]  }
0x173: {  	v29 =	vld [tilespmem:s23+$0x10240]  }
0x174: {  	v34 =	vld [tilespmem:s23+$0x4240]  }
0x175: {  	v31 =	vld [tilespmem:s23+$0x10250]  }
0x176: {  	v35 =	vld [tilespmem:s23+$0x4250]  }
0x177: {  	v17 =	vsub.f32 v3, v5;
	v3 =	vld [tilespmem:$0x1FFA0]  }
0x178: {  	v5 =	vld [tilespmem:$0x1FFB0]  }
0x179: {  	v10 =	vadd.f32 v11, v6;
	v6 =	vsub.f32 v60, v61;
	v23 =	vld [tilespmem:s23+$0x10260]  }
0x17a: {  	v26 =	vld [tilespmem:s23+$0x4260];
	v21 =	vsub.f32 v55, v49;
	v22 =	vsub.f32 v58, v56  }
0x17b: {  	v38 =	vld [tilespmem:s23+$0x10200];
	v12 =	vsub.f32 v54, v48;
	v24 =	vsub.f32 v45, v40  }
0x17c: {  	[tilespmem:$0x1FFC0] =	vst v0;
	v0 =	vld [tilespmem:s23+$0x4620];
	v11 =	vsub.f32 v57, v46;
	v25 =	vsub.f32 v39, v47  }
0x17d: {  	v14 =	vsub.f32 v50, v51;
	v3 =	vsub.f32 v3, v5;
	v5 =	vld [tilespmem:$0x1FFC0]  }
0x17e: {  	v40 =	vld [tilespmem:s23+$0x4200];
	v30 =	vsub.f32 v42, v30;
	v13 =	vsub.f32 v52, v44  }
0x17f: {  	v39 =	vld [tilespmem:s23+$0x10210];
	v32 =	vsub.f32 v41, v32;
	v20 =	vsub.f32 v53, v20  }
0x180: {  	v42 =	vld [tilespmem:s23+$0x4210];
	v36 =	vsub.f32 v36, v19;
	v19 =	vsub.f32 v43, v37  }
0x181: {  	v41 =	vld [tilespmem:s23+$0x10220];
	v37 =	vsub.f32 v27, v2;
	v27 =	vsub.f32 v1, v0  }
0x182: {  	s24 =	simm.s32 $0x200;
	v43 =	vld [tilespmem:s23+$0x4220];
	v18 =	vsub.f32 v5, v59;
	v5 =	vsub.f32 v62, v63  }
.LBB2_5:
0x183: {  	p0 =	sne.s32 s24, $0x3E00;
	v0 =	vld [tilespmem:s23+$0x10230];
	v1 =	vsub.f32 v28, v33;
	v2 =	vmul.f32 v15, v15;
	v28 =	vmul.f32 v16, v16  }
0x184: {  	s25 =	sand.u32 $0xFFFFF000, s24;
	v29 =	vsub.f32 v29, v34;
	v34 =	vmul.f32 v17, v17;
	v44 =	vmul.f32 v18, v18;
	s3 =	sadd.s32 $0x80, s3;
	v33 =	vld [tilespmem:s23+$0x4230]  }
0x185: {  	v18 =	vsub.f32 v31, v35;
	v35 =	vmul.f32 v21, v21;
	v45 =	vmul.f32 v22, v22;
	s25 =	sadd.s32 s25, s3;
	v31 =	vld [tilespmem:s23+$0x10270]  }
0x186: {  	v21 =	vsub.f32 v38, v40;
	v38 =	vmul.f32 v24, v24;
	v40 =	vmul.f32 v25, v25;
	s26 =	sor.u32 $0x4C40, s25;
	v22 =	vld [tilespmem:s23+$0x4270]  }
0x187: {  	v30 =	vmul.f32 v30, v30;
	v32 =	vmul.f32 v32, v32;
	v24 =	vsub.f32 v39, v42;
	v15 =	vld [tilespmem:s26+$0xC200]  }
0x188: {  	v36 =	vmul.f32 v36, v36;
	v37 =	vmul.f32 v37, v37;
	s23 =	sor.u32 $0x4C50, s25;
	v25 =	vsub.f32 v41, v43;
	v16 =	vld [tilespmem:s26+$0x200]  }
0x189: {  	v29 =	vmul.f32 v29, v29;
	v17 =	vld [tilespmem:s23+$0xC200];
	v0 =	vsub.f32 v0, v33;
	v33 =	vmul.f32 v18, v18  }
0x18a: {  	v23 =	vsub.f32 v23, v26;
	v39 =	vmul.f32 v21, v21;
	v24 =	vmul.f32 v24, v24;
	v18 =	vld [tilespmem:s23+$0x200];
	s23 =	sor.u32 $0x4C60, s25  }
0x18b: {  	v25 =	vmul.f32 v25, v25;
	v21 =	vld [tilespmem:s23+$0xC200];
	v0 =	vmul.f32 v0, v0;
	v26 =	vsub.f32 v31, v22  }
0x18c: {  	v10 =	vadd.f32 v39, v10;
	v9 =	vadd.f32 v24, v9;
	v31 =	vmul.f32 v23, v23;
	v22 =	vld [tilespmem:s23+$0x200];
	s23 =	sor.u32 $0x4C70, s25  }
0x18d: {  	v7 =	vadd.f32 v25, v7;
	v23 =	vld [tilespmem:s23+$0xC200];
	v0 =	vadd.f32 v0, v8;
	v8 =	vmul.f32 v26, v26  }
0x18e: {  	s26 =	sor.u32 $0x4C00, s25;
	v10 =	vadd.f32 v29, v10;
	v9 =	vadd.f32 v33, v9;
	v26 =	vmul.f32 v27, v27;
	v24 =	vld [tilespmem:s23+$0x200]  }
0x18f: {  	v1 =	vmul.f32 v1, v1;
	v7 =	vadd.f32 v31, v7;
	v25 =	vld [tilespmem:s26+$0xC200];
	v0 =	vadd.f32 v8, v0  }
0x190: {  	v9 =	vadd.f32 v37, v9;
	s23 =	sor.u32 $0x4C10, s25;
	v8 =	vadd.f32 v36, v10;
	v10 =	vmul.f32 v20, v20;
	v27 =	vld [tilespmem:s26+$0x200]  }
0x191: {  	v7 =	vadd.f32 v26, v7;
	v20 =	vld [tilespmem:s23+$0xC200];
	v0 =	vadd.f32 v1, v0;
	v1 =	vmul.f32 v19, v19  }
0x192: {  	v14 =	vmul.f32 v14, v14;
	v9 =	vadd.f32 v32, v9;
	v8 =	vadd.f32 v30, v8;
	v19 =	vld [tilespmem:s23+$0x200];
	s23 =	sor.u32 $0x4C20, s25  }
0x193: {  	v7 =	vadd.f32 v10, v7;
	v26 =	vld [tilespmem:s23+$0xC200];
	v0 =	vadd.f32 v1, v0;
	v1 =	vmul.f32 v13, v13  }
0x194: {  	v9 =	vadd.f32 v40, v9;
	v10 =	vmul.f32 v12, v12;
	s25 =	sor.u32 $0x4C30, s25;
	v8 =	vadd.f32 v38, v8;
	v13 =	vld [tilespmem:s23+$0x200]  }
0x195: {  	s26 =	sand.u32 $0x380, s3;
	v7 =	vadd.f32 v14, v7;
	s23 =	sand.u32 $0x3000, s24;
	v12 =	vld [tilespmem:s25+$0xC200];
	v0 =	vadd.f32 v1, v0;
	v1 =	vmul.f32 v11, v11  }
0x196: {  	v6 =	vmul.f32 v6, v6;
	v9 =	vadd.f32 v45, v9;
	s23 =	sor.u32 s26, s23;
	v8 =	vadd.f32 v35, v8;
	v11 =	vld [tilespmem:s25+$0x200]  }
0x197: {  	v7 =	vadd.f32 v10, v7;
	v14 =	vld [tilespmem:s23+$0x10A40];
	v0 =	vadd.f32 v1, v0;
	v1 =	vmul.f32 v5, v5  }
0x198: {  	v4 =	vmul.f32 v4, v4;
	v9 =	vadd.f32 v44, v9;
	v8 =	vadd.f32 v34, v8;
	v5 =	vld [tilespmem:s23+$0x4A40]  }
0x199: {  	v6 =	vadd.f32 v6, v7;
	v30 =	vld [tilespmem:s23+$0x10A50];
	v0 =	vadd.f32 v1, v0;
	v1 =	vmul.f32 v3, v3  }
0x19a: {  	v9 =	vadd.f32 v28, v9;
	v10 =	vadd.f32 v2, v8;
	v32 =	vld [tilespmem:s23+$0x4A50]  }
0x19b: {  	v7 =	vadd.f32 v4, v6;
	v2 =	vld [tilespmem:s23+$0x10A60];
	v8 =	vadd.f32 v1, v0  }
0x19c: {  	v0 =	vld [tilespmem:s23+$0x4A60]  }
0x19d: {  	v1 =	vld [tilespmem:s23+$0x10A70]  }
0x19e: {  	v36 =	vld [tilespmem:s23+$0x4A70]  }
0x19f: {  	v37 =	vld [tilespmem:s23+$0x10A00]  }
0x1a0: {  	v39 =	vld [tilespmem:s23+$0x4A00]  }
0x1a1: {  	v41 =	vld [tilespmem:s23+$0x10A10]  }
0x1a2: {  	v42 =	vld [tilespmem:s23+$0x4A10]  }
0x1a3: {  	v43 =	vld [tilespmem:s23+$0x10A20]  }
0x1a4: {  	v44 =	vld [tilespmem:s23+$0x4A20]  }
0x1a5: {  	v45 =	vld [tilespmem:s23+$0x10A30]  }
0x1a6: {  	v46 =	vld [tilespmem:s23+$0x4A30]  }
0x1a7: {  	v47 =	vld [tilespmem:s23+$0x10640]  }
0x1a8: {  	v48 =	vld [tilespmem:s23+$0x4640]  }
0x1a9: {  	v49 =	vld [tilespmem:s23+$0x10650]  }
0x1aa: {  	v50 =	vld [tilespmem:s23+$0x4650]  }
0x1ab: {  	v51 =	vld [tilespmem:s23+$0x10660]  }
0x1ac: {  	v52 =	vld [tilespmem:s23+$0x4660]  }
0x1ad: {  	v53 =	vld [tilespmem:s23+$0x10670]  }
0x1ae: {  	v54 =	vld [tilespmem:s23+$0x4670]  }
0x1af: {  	v55 =	vld [tilespmem:s23+$0x10600]  }
0x1b0: {  	v56 =	vld [tilespmem:s23+$0x4600]  }
0x1b1: {  	v57 =	vld [tilespmem:s23+$0x10610]  }
0x1b2: {  	v58 =	vld [tilespmem:s23+$0x4610]  }
0x1b3: {  	v59 =	vld [tilespmem:s23+$0x10620]  }
0x1b4: {  	v60 =	vld [tilespmem:s23+$0x4620]  }
0x1b5: {  	v28 =	vld [tilespmem:s23+$0x10630]  }
0x1b6: {  	v33 =	vld [tilespmem:s23+$0x4630]  }
0x1b7: {  	v15 =	vsub.f32 v15, v16;
	v29 =	vld [tilespmem:s23+$0x10240]  }
0x1b8: {  	v16 =	vsub.f32 v17, v18;
	v4 =	vsub.f32 v21, v22;
	v34 =	vld [tilespmem:s23+$0x4240]  }
0x1b9: {  	v17 =	vsub.f32 v25, v27;
	v3 =	vsub.f32 v23, v24;
	v31 =	vld [tilespmem:s23+$0x10250]  }
0x1ba: {  	v18 =	vsub.f32 v20, v19;
	v6 =	vsub.f32 v26, v13;
	v35 =	vld [tilespmem:s23+$0x4250]  }
0x1bb: {  	v21 =	vsub.f32 v14, v5;
	v5 =	vsub.f32 v12, v11;
	v23 =	vld [tilespmem:s23+$0x10260]  }
0x1bc: {  	v22 =	vsub.f32 v30, v32;
	v12 =	vsub.f32 v2, v0;
	v26 =	vld [tilespmem:s23+$0x4260]  }
0x1bd: {  	v11 =	vsub.f32 v1, v36;
	v24 =	vsub.f32 v37, v39;
	v38 =	vld [tilespmem:s23+$0x10200]  }
.Ltmp1:
0x1be: {  	v25 =	vsub.f32 v41, v42;
	v14 =	vsub.f32 v43, v44;
	v40 =	vld [tilespmem:s23+$0x4200];
	(pc) =	sbr.rel @p0 .LBB2_5-.Ltmp1, $4  }
0x1bf: {  	v13 =	vsub.f32 v45, v46;
	v30 =	vsub.f32 v47, v48;
	v39 =	vld [tilespmem:s23+$0x10210]  }
0x1c0: {  	v32 =	vsub.f32 v49, v50;
	v20 =	vsub.f32 v51, v52;
	v42 =	vld [tilespmem:s23+$0x4210]  }
0x1c1: {  	v19 =	vsub.f32 v53, v54;
	v36 =	vsub.f32 v55, v56;
	v41 =	vld [tilespmem:s23+$0x10220]  }
0x1c2: {  	s24 =	sadd.s32 $0x200, s24;
	v37 =	vsub.f32 v57, v58;
	v27 =	vsub.f32 v59, v60;
	v43 =	vld [tilespmem:s23+$0x4220]  }
0x1c3: {  	p0 =	seq.s32 s13, $0x4  }
0x1c4: {  	v0 =	vld @!p0 [tilespmem:s7+$0x80];
	_ =	sdelay $0x4  }
0x1c5: {  	v1 =	vshll.u32 @!p0 v0, $0x2  }
0x1c6: {  	v2 =	vlaneseq.u32 @!p0;
	v0 =	vand.u32 @!p0 $0x7, v0;
	v1 =	vand.u32 @!p0 $0xFFFFFFE0, v1  }
0x1c7: {  	v44 =	vshrl.u32 @!p0 v2, $0x3;
	v0 =	vor.u32 @!p0 v0, v1;
	v1 =	vand.u32 @!p0 $0x7, v2  }
0x1c8: {  	v44 =	vmul.u32 @!p0 $0x8, v44;
	v45 =	vperm.xlane @!p0 v0, v1;
	_ =	sdelay $0x1  }
0x1c9: {  	v45 =	vadd.s32 @!p0 v44, v45  }
0x1ca: {  	v50 =	vld [tilespmem:s23+$0x10230];
	v2 =	vor.u32 @!p0 $0x8, v2  }
0x1cb: {  	v51 =	vld [tilespmem:s23+$0x4230];
	v0 =	vperm.xlane @!p0 v0, v2  }
0x1cc: {  	v52 =	vld [tilespmem:s23+$0x10270]  }
0x1cd: {  	v53 =	vld [tilespmem:s23+$0x4270];
	vm1 =	vmmov @!p0 $0xffff;
	s3 =	simm.s32 @!p0 $0x0;
	s23 =	simm.s32 @!p0 $0x4200;
	v0 =	vadd.s32 @!p0 v44, v0  }
0x1ce: {  	[tilespmem:s23], [sflag:$0x2] =	stream.indirect_vreg.gather @!p0 [hbm4b:s2+s3], $0x80, v45, vm1, $0xb8;
	[tilespmem:$0x18280] =	vst v63  }
0x1cf: {  	s23 =	simm.s32 @!p0 $0x4A00  }
0x1d0: {  	[tilespmem:s23], [sflag:$0x2] =	stream.indirect_vreg.gather @!p0 [hbm4b:s8+s3], $0x80, v45, vm1, $0xb8;
	[tilespmem:$0x18280] =	vst v63  }
0x1d1: {  	s23 =	simm.s32 @!p0 $0x5200  }
0x1d2: {  	[tilespmem:s23], [sflag:$0x2] =	stream.indirect_vreg.gather @!p0 [hbm4b:s2+s3], $0x80, v0, vm1, $0xb8;
	[tilespmem:$0x18280] =	vst v63  }
0x1d3: {  	s23 =	simm.s32 @!p0 $0x5A00  }
0x1d4: {  	[tilespmem:s23], [sflag:$0x2] =	stream.indirect_vreg.gather @!p0 [hbm4b:s8+s3], $0x80, v0, vm1, $0xb8;
	[tilespmem:$0x18280] =	vst v63  }
0x1d5: {  	v0 =	vld @!p0 [tilespmem:s7+$0x90];
	_ =	sdelay $0x4  }
0x1d6: {  	v45 =	vshll.u32 @!p0 v0, $0x2  }
0x1d7: {  	v0 =	vand.u32 @!p0 $0x7, v0;
	v45 =	vand.u32 @!p0 $0xFFFFFFE0, v45  }
0x1d8: {  	v0 =	vor.u32 @!p0 v0, v45  }
0x1d9: {  	v1 =	vperm.xlane @!p0 v0, v1;
	_ =	sdelay $0x1  }
0x1da: {  	v1 =	vadd.s32 @!p0 v44, v1;
	_ =	sdelay $0x1  }
0x1db: {  	v0 =	vperm.xlane @!p0 v0, v2;
	_ =	sdelay $0x1  }
0x1dc: {  	s23 =	simm.s32 @!p0 $0x6200;
	v0 =	vadd.s32 @!p0 v44, v0  }
0x1dd: {  	[tilespmem:s23], [sflag:$0x2] =	stream.indirect_vreg.gather @!p0 [hbm4b:s2+s3], $0x80, v1, vm1, $0xb8;
	[tilespmem:$0x18280] =	vst v63  }
0x1de: {  	s23 =	simm.s32 @!p0 $0x6A00  }
0x1df: {  	[tilespmem:s23], [sflag:$0x2] =	stream.indirect_vreg.gather @!p0 [hbm4b:s8+s3], $0x80, v1, vm1, $0xb8;
	[tilespmem:$0x18280] =	vst v63  }
0x1e0: {  	s23 =	simm.s32 @!p0 $0x7200  }
0x1e1: {  	[tilespmem:s23], [sflag:$0x2] =	stream.indirect_vreg.gather @!p0 [hbm4b:s2+s3], $0x80, v0, vm1, $0xb8;
	[tilespmem:$0x18280] =	vst v63  }
0x1e2: {  	s23 =	sadd.s32 @!p0 $0x80, s7  }
0x1e3: {  	s24 =	simm.s32 @!p0 $0x7A00;
	s23 =	sadd.s32 @!p0 s5, s23  }
0x1e4: {  	[tilespmem:s24], [sflag:$0x2] =	stream.indirect_vreg.gather @!p0 [hbm4b:s8+s3], $0x80, v0, vm1, $0xb8;
	[tilespmem:$0x18280] =	vst v63  }
0x1e5: {  	s23 =	sshll.u32 @!p0 s23, $0x6  }
0x1e6: {  	s24 =	simm.s32 @!p0 $0x10200;
	s23 =	sadd.s32 @!p0 s1, s23  }
0x1e7: {  	[tilespmem:s24], [sflag:$0x5] =	stream.linear.gather @!p0 [hbm4b:s23+s3], $0x4000, $0x38;
	[tilespmem:$0x18280] =	vst v63  }
0x1e8: {  	_ =	swait.ge [sflag:s11], $0x4000  }
0x1e9: {  	[sflag:s11] =	ssyncset.done $0x0  }
0x1ea: {  	s3 =	simm.s32 $0x0;
	[sflag:s11] =	ssyncadd.s32 $0xFFFFC000  }
0x1eb: {  	s24 =	sand.u32 $0xFFFFF000, s3;
	_ =	swait.ge [sflag:s12], $0x4000  }
0x1ec: {  	s23 =	sadd.s32 $0x0, s24;
	[sflag:s12] =	ssyncset.done $0x0  }
0x1ed: {  	s25 =	sor.u32 $0x8C40, s23;
	[sflag:s12] =	ssyncadd.s32 $0xFFFFC000  }
0x1ee: {  	v0 =	vld [tilespmem:s25+$0xC200];
	_ =	sdelay $0x4  }
0x1ef: {  	[tilespmem:$0x1FE50] =	vst v0;
	v0 =	vld [tilespmem:s25+$0x200];
	_ =	sdelay $0x1  }
0x1f0: {  	v28 =	vsub.f32 v28, v33  }
0x1f1: {  	v47 =	vsub.f32 v38, v40;
	v29 =	vsub.f32 v29, v34;
	v20 =	vmul.f32 v20, v20  }
0x1f2: {  	v31 =	vsub.f32 v31, v35;
	v24 =	vmul.f32 v24, v24;
	v19 =	vmul.f32 v19, v19;
	s26 =	sor.u32 $0x8C50, s23  }
0x1f3: {  	v23 =	vsub.f32 v23, v26;
	v14 =	vmul.f32 v14, v14;
	v13 =	vmul.f32 v13, v13;
	[tilespmem:$0x1FE60] =	vst v0;
	v0 =	vld [tilespmem:s26+$0xC200]  }
0x1f4: {  	v12 =	vmul.f32 v12, v12;
	v11 =	vmul.f32 v11, v11;
	v34 =	vsub.f32 v39, v42  }
0x1f5: {  	v27 =	vmul.f32 v27, v27;
	v33 =	vmul.f32 v47, v47;
	v38 =	vsub.f32 v41, v43  }
0x1f6: {  	v29 =	vmul.f32 v29, v29;
	v34 =	vmul.f32 v34, v34;
	v51 =	vsub.f32 v50, v51  }
0x1f7: {  	v31 =	vmul.f32 v31, v31;
	v10 =	vadd.f32 v33, v10;
	v35 =	vmul.f32 v38, v38  }
0x1f8: {  	v26 =	vsub.f32 v52, v53;
	v9 =	vadd.f32 v34, v9;
	v53 =	vmul.f32 v51, v51;
	[tilespmem:$0x1FE70] =	vst v0;
	v0 =	vld [tilespmem:s26+$0x200]  }
0x1f9: {  	v23 =	vmul.f32 v23, v23;
	v10 =	vadd.f32 v29, v10;
	v7 =	vadd.f32 v35, v7  }
0x1fa: {  	v29 =	vmul.f32 v36, v36;
	v26 =	vmul.f32 v26, v26;
	v8 =	vadd.f32 v53, v8  }
0x1fb: {  	v9 =	vadd.f32 v31, v9;
	v7 =	vadd.f32 v23, v7;
	v23 =	vmul.f32 v37, v37  }
0x1fc: {  	v28 =	vmul.f32 v28, v28;
	v10 =	vadd.f32 v29, v10;
	v8 =	vadd.f32 v26, v8;
	s25 =	sor.u32 $0x8C60, s23  }
0x1fd: {  	v26 =	vmul.f32 v30, v30;
	v9 =	vadd.f32 v23, v9;
	v23 =	vmul.f32 v32, v32;
	[tilespmem:$0x1FE80] =	vst v0;
	v0 =	vld [tilespmem:s25+$0xC200]  }
0x1fe: {  	v6 =	vmul.f32 v6, v6;
	v7 =	vadd.f32 v27, v7;
	v8 =	vadd.f32 v28, v8  }
0x1ff: {  	v10 =	vadd.f32 v26, v10;
	v9 =	vadd.f32 v23, v9;
	v23 =	vmul.f32 v25, v25  }
0x200: {  	v5 =	vmul.f32 v5, v5;
	v7 =	vadd.f32 v20, v7;
	v8 =	vadd.f32 v19, v8  }
0x201: {  	v10 =	vadd.f32 v24, v10;
	v19 =	vmul.f32 v21, v21;
	v9 =	vadd.f32 v23, v9  }
0x202: {  	v7 =	vadd.f32 v14, v7;
	v14 =	vmul.f32 v22, v22;
	v8 =	vadd.f32 v13, v8;
	[tilespmem:$0x1FE90] =	vst v0;
	v0 =	vld [tilespmem:s25+$0x200]  }
0x203: {  	v3 =	vmul.f32 v3, v3;
	v13 =	vmul.f32 v17, v17;
	v10 =	vadd.f32 v19, v10  }
0x204: {  	v9 =	vadd.f32 v14, v9;
	v14 =	vmul.f32 v18, v18;
	v8 =	vadd.f32 v11, v8  }
0x205: {  	v7 =	vadd.f32 v12, v7;
	v10 =	vadd.f32 v13, v10;
	v11 =	vmul.f32 v15, v15  }
0x206: {  	v12 =	vmul.f32 v16, v16;
	v9 =	vadd.f32 v14, v9;
	v5 =	vadd.f32 v5, v8;
	s26 =	sor.u32 $0x8C70, s23  }
0x207: {  	v4 =	vmul.f32 v4, v4;
	v6 =	vadd.f32 v6, v7;
	v8 =	vadd.f32 v11, v10;
	[tilespmem:$0x1FEA0] =	vst v0;
	v0 =	vld [tilespmem:s26+$0xC200]  }
0x208: {  	v10 =	vadd.f32 v12, v9;
	v9 =	vadd.f32 v3, v5;
	v3 =	vld [tilespmem:$0x1FE50]  }
0x209: {  	v6 =	vadd.f32 v4, v6;
	v4 =	vld [tilespmem:$0x1FE60];
	_ =	sdelay $0x2  }
0x20a: {  	[tilespmem:$0x1FED0] =	vst v0;
	v0 =	vld [tilespmem:s26+$0x200];
	_ =	sdelay $0x1  }
0x20b: {  	v29 =	vsub.f32 v3, v4;
	v3 =	vld [tilespmem:$0x1FE70]  }
0x20c: {  	v4 =	vld [tilespmem:$0x1FE80]  }
0x20d: {  	s25 =	sor.u32 $0x8C00, s23  }
0x20e: {  	[tilespmem:$0x1FEE0] =	vst v0;
	v0 =	vld [tilespmem:s25+$0xC200];
	_ =	sdelay $0x2  }
0x20f: {  	v30 =	vsub.f32 v3, v4;
	v3 =	vld [tilespmem:$0x1FE90]  }
0x210: {  	v4 =	vld [tilespmem:$0x1FEA0]  }
0x211: {  	[tilespmem:$0x1FEB0] =	vst v0;
	v0 =	vld [tilespmem:s25+$0x200];
	_ =	sdelay $0x3  }
0x212: {  	v4 =	vsub.f32 v3, v4;
	s25 =	sor.u32 $0x8C10, s23;
	v3 =	vld [tilespmem:$0x1FEB0]  }
0x213: {  	[tilespmem:$0x1FEC0] =	vst v0;
	v0 =	vld [tilespmem:s25+$0xC200]  }
0x214: {  	v5 =	vld [tilespmem:$0x1FEC0];
	_ =	sdelay $0x3  }
0x215: {  	[tilespmem:$0x1FEF0] =	vst v0;
	v0 =	vld [tilespmem:s25+$0x200]  }
0x216: {  	v18 =	vsub.f32 v3, v5;
	v3 =	vld [tilespmem:$0x1FED0]  }
0x217: {  	s24 =	sor.u32 $0x8C30, s23;
	v5 =	vld [tilespmem:$0x1FEE0]  }
0x218: {  	v59 =	vld [tilespmem:s24+$0xC200]  }
0x219: {  	v60 =	vld [tilespmem:s24+$0x200];
	s26 =	sor.u32 $0x8C20, s23  }
0x21a: {  	v58 =	vld [tilespmem:s26+$0x200]  }
0x21b: {  	[tilespmem:$0x1FF00] =	vst v0;
	v0 =	vld [tilespmem:s26+$0xC200]  }
0x21c: {  	s25 =	sand.u32 $0x3000, s3;
	s26 =	sand.u32 $0x380, s3;
	v3 =	vsub.f32 v3, v5;
	v5 =	vld [tilespmem:$0x1FEF0]  }
0x21d: {  	s23 =	sor.u32 s26, s25;
	v7 =	vld [tilespmem:$0x1FF00]  }
0x21e: {  	v61 =	vld [tilespmem:s23+$0x14A40]  }
0x21f: {  	v62 =	vld [tilespmem:s23+$0x8A40]  }
0x220: {  	v63 =	vld [tilespmem:s23+$0x14A50]  }
0x221: {  	v55 =	vld [tilespmem:s23+$0x8A50]  }
0x222: {  	v56 =	vld [tilespmem:s23+$0x14A60]  }
0x223: {  	v54 =	vld [tilespmem:s23+$0x8A60]  }
0x224: {  	v57 =	vld [tilespmem:s23+$0x14A70]  }
0x225: {  	v49 =	vld [tilespmem:s23+$0x8A70]  }
0x226: {  	v48 =	vld [tilespmem:s23+$0x14A00]  }
0x227: {  	v47 =	vld [tilespmem:s23+$0x8A00]  }
0x228: {  	v46 =	vld [tilespmem:s23+$0x14A10]  }
0x229: {  	v45 =	vld [tilespmem:s23+$0x8A10]  }
0x22a: {  	v41 =	vld [tilespmem:s23+$0x14A20]  }
0x22b: {  	v35 =	vld [tilespmem:s23+$0x8A20]  }
0x22c: {  	v50 =	vld [tilespmem:s23+$0x14A30]  }
0x22d: {  	v51 =	vld [tilespmem:s23+$0x8A30]  }
0x22e: {  	v36 =	vld [tilespmem:s23+$0x14640]  }
0x22f: {  	v52 =	vld [tilespmem:s23+$0x8640]  }
0x230: {  	v53 =	vld [tilespmem:s23+$0x14650]  }
0x231: {  	v38 =	vld [tilespmem:s23+$0x8650]  }
0x232: {  	v44 =	vld [tilespmem:s23+$0x14660]  }
0x233: {  	v39 =	vld [tilespmem:s23+$0x8660]  }
0x234: {  	v43 =	vld [tilespmem:s23+$0x14670]  }
0x235: {  	v42 =	vld [tilespmem:s23+$0x8670]  }
0x236: {  	v40 =	vld [tilespmem:s23+$0x14600]  }
0x237: {  	v20 =	vld [tilespmem:s23+$0x8600]  }
0x238: {  	v25 =	vld [tilespmem:s23+$0x14610]  }
0x239: {  	v2 =	vld [tilespmem:s23+$0x8610]  }
0x23a: {  	v1 =	vld [tilespmem:s23+$0x14620]  }
0x23b: {  	v27 =	vld [tilespmem:s23+$0x14630]  }
0x23c: {  	v28 =	vld [tilespmem:s23+$0x8630]  }
0x23d: {  	v26 =	vld [tilespmem:s23+$0x14240]  }
0x23e: {  	v16 =	vld [tilespmem:s23+$0x8240]  }
0x23f: {  	v15 =	vld [tilespmem:s23+$0x14250]  }
0x240: {  	v17 =	vld [tilespmem:s23+$0x8250]  }
0x241: {  	v19 =	vld [tilespmem:s23+$0x14260]  }
0x242: {  	v22 =	vld [tilespmem:s23+$0x8260];
	v24 =	vsub.f32 v5, v7;
	v23 =	vsub.f32 v61, v62  }
0x243: {  	v33 =	vld [tilespmem:s23+$0x14200];
	v32 =	vsub.f32 v63, v55;
	v12 =	vsub.f32 v56, v54  }
0x244: {  	[tilespmem:$0x1FF10] =	vst v0;
	v0 =	vld [tilespmem:s23+$0x8620];
	v31 =	vsub.f32 v48, v47;
	v11 =	vsub.f32 v57, v49  }
0x245: {  	v5 =	vld [tilespmem:$0x1FF10];
	v34 =	vsub.f32 v46, v45;
	v14 =	vsub.f32 v41, v35  }
0x246: {  	v37 =	vld [tilespmem:s23+$0x8200];
	v36 =	vsub.f32 v36, v52;
	v13 =	vsub.f32 v50, v51  }
0x247: {  	v35 =	vld [tilespmem:s23+$0x14210];
	v38 =	vsub.f32 v53, v38;
	v21 =	vsub.f32 v44, v39  }
0x248: {  	v41 =	vld [tilespmem:s23+$0x8210];
	v40 =	vsub.f32 v40, v20;
	v20 =	vsub.f32 v43, v42  }
0x249: {  	v39 =	vld [tilespmem:s23+$0x14220];
	v42 =	vsub.f32 v25, v2;
	v25 =	vsub.f32 v1, v0  }
0x24a: {  	s24 =	simm.s32 $0x200;
	v43 =	vld [tilespmem:s23+$0x8220];
	v7 =	vsub.f32 v5, v58;
	v5 =	vsub.f32 v59, v60  }
.LBB2_7:
0x24b: {  	p1 =	sne.s32 s24, $0x3E00;
	v0 =	vld [tilespmem:s23+$0x14230];
	v1 =	vsub.f32 v27, v28;
	v2 =	vmul.f32 v29, v29;
	v27 =	vmul.f32 v30, v30  }
0x24c: {  	s25 =	sand.u32 $0xFFFFF000, s24;
	v26 =	vsub.f32 v26, v16;
	v29 =	vmul.f32 v18, v18;
	v30 =	vmul.f32 v24, v24;
	s3 =	sadd.s32 $0x80, s3;
	v28 =	vld [tilespmem:s23+$0x8230]  }
0x24d: {  	v18 =	vsub.f32 v15, v17;
	v44 =	vmul.f32 v23, v23;
	v32 =	vmul.f32 v32, v32;
	s25 =	sadd.s32 s25, s3;
	v24 =	vld [tilespmem:s23+$0x14270]  }
0x24e: {  	v23 =	vsub.f32 v33, v37;
	v31 =	vmul.f32 v31, v31;
	v34 =	vmul.f32 v34, v34;
	s26 =	sor.u32 $0x8C40, s25;
	v33 =	vld [tilespmem:s23+$0x8270]  }
0x24f: {  	v36 =	vmul.f32 v36, v36;
	v37 =	vmul.f32 v38, v38;
	v35 =	vsub.f32 v35, v41;
	v15 =	vld [tilespmem:s26+$0xC200]  }
0x250: {  	s23 =	sor.u32 $0x8C50, s25;
	v38 =	vsub.f32 v39, v43;
	v39 =	vmul.f32 v40, v40;
	v40 =	vmul.f32 v42, v42;
	v16 =	vld [tilespmem:s26+$0x200]  }
0x251: {  	v26 =	vmul.f32 v26, v26;
	v17 =	vld [tilespmem:s23+$0xC200];
	v0 =	vsub.f32 v0, v28;
	v28 =	vmul.f32 v18, v18  }
0x252: {  	v23 =	vmul.f32 v23, v23;
	v41 =	vsub.f32 v19, v22;
	v35 =	vmul.f32 v35, v35;
	v18 =	vld [tilespmem:s23+$0x200];
	s23 =	sor.u32 $0x8C60, s25  }
0x253: {  	v38 =	vmul.f32 v38, v38;
	v19 =	vld [tilespmem:s23+$0xC200];
	v0 =	vmul.f32 v0, v0;
	v24 =	vsub.f32 v24, v33  }
0x254: {  	v8 =	vadd.f32 v23, v8;
	v10 =	vadd.f32 v35, v10;
	v33 =	vmul.f32 v41, v41;
	v22 =	vld [tilespmem:s23+$0x200];
	s23 =	sor.u32 $0x8C70, s25  }
0x255: {  	v6 =	vadd.f32 v38, v6;
	v23 =	vld [tilespmem:s23+$0xC200];
	v0 =	vadd.f32 v0, v9;
	v9 =	vmul.f32 v24, v24  }
0x256: {  	s26 =	sor.u32 $0x8C00, s25;
	v8 =	vadd.f32 v26, v8;
	v26 =	vmul.f32 v25, v25;
	v10 =	vadd.f32 v28, v10;
	v24 =	vld [tilespmem:s23+$0x200]  }
0x257: {  	v1 =	vmul.f32 v1, v1;
	v6 =	vadd.f32 v33, v6;
	v25 =	vld [tilespmem:s26+$0xC200];
	v0 =	vadd.f32 v9, v0  }
0x258: {  	v8 =	vadd.f32 v39, v8;
	s23 =	sor.u32 $0x8C10, s25;
	v9 =	vadd.f32 v40, v10;
	v10 =	vmul.f32 v21, v21;
	v33 =	vld [tilespmem:s26+$0x200]  }
0x259: {  	v6 =	vadd.f32 v26, v6;
	v21 =	vld [tilespmem:s23+$0xC200];
	v0 =	vadd.f32 v1, v0;
	v1 =	vmul.f32 v20, v20  }
0x25a: {  	v14 =	vmul.f32 v14, v14;
	v8 =	vadd.f32 v36, v8;
	v9 =	vadd.f32 v37, v9;
	v20 =	vld [tilespmem:s23+$0x200];
	s23 =	sor.u32 $0x8C20, s25  }
0x25b: {  	v6 =	vadd.f32 v10, v6;
	v35 =	vld [tilespmem:s23+$0xC200];
	v0 =	vadd.f32 v1, v0;
	v1 =	vmul.f32 v13, v13  }
0x25c: {  	v8 =	vadd.f32 v31, v8;
	v10 =	vmul.f32 v12, v12;
	s25 =	sor.u32 $0x8C30, s25;
	v9 =	vadd.f32 v34, v9;
	v13 =	vld [tilespmem:s23+$0x200]  }
0x25d: {  	s26 =	sand.u32 $0x380, s3;
	v6 =	vadd.f32 v14, v6;
	s23 =	sand.u32 $0x3000, s24;
	v12 =	vld [tilespmem:s25+$0xC200];
	v0 =	vadd.f32 v1, v0;
	v1 =	vmul.f32 v11, v11  }
0x25e: {  	v7 =	vmul.f32 v7, v7;
	v8 =	vadd.f32 v44, v8;
	s23 =	sor.u32 s26, s23;
	v9 =	vadd.f32 v32, v9;
	v11 =	vld [tilespmem:s25+$0x200]  }
0x25f: {  	v6 =	vadd.f32 v10, v6;
	v14 =	vld [tilespmem:s23+$0x14A40];
	v0 =	vadd.f32 v1, v0;
	v1 =	vmul.f32 v5, v5  }
0x260: {  	v4 =	vmul.f32 v4, v4;
	v8 =	vadd.f32 v29, v8;
	v9 =	vadd.f32 v30, v9;
	v5 =	vld [tilespmem:s23+$0x8A40]  }
0x261: {  	v6 =	vadd.f32 v7, v6;
	v31 =	vld [tilespmem:s23+$0x14A50];
	v0 =	vadd.f32 v1, v0;
	v1 =	vmul.f32 v3, v3  }
0x262: {  	v8 =	vadd.f32 v2, v8;
	v10 =	vadd.f32 v27, v9;
	v32 =	vld [tilespmem:s23+$0x8A50]  }
0x263: {  	v6 =	vadd.f32 v4, v6;
	v2 =	vld [tilespmem:s23+$0x14A60];
	v9 =	vadd.f32 v1, v0  }
0x264: {  	v0 =	vld [tilespmem:s23+$0x8A60]  }
0x265: {  	v1 =	vld [tilespmem:s23+$0x14A70]  }
0x266: {  	v34 =	vld [tilespmem:s23+$0x8A70]  }
0x267: {  	v36 =	vld [tilespmem:s23+$0x14A00]  }
0x268: {  	v37 =	vld [tilespmem:s23+$0x8A00]  }
0x269: {  	v38 =	vld [tilespmem:s23+$0x14A10]  }
0x26a: {  	v39 =	vld [tilespmem:s23+$0x8A10]  }
0x26b: {  	v40 =	vld [tilespmem:s23+$0x14A20]  }
0x26c: {  	v41 =	vld [tilespmem:s23+$0x8A20]  }
0x26d: {  	v42 =	vld [tilespmem:s23+$0x14A30]  }
0x26e: {  	v43 =	vld [tilespmem:s23+$0x8A30]  }
0x26f: {  	v44 =	vld [tilespmem:s23+$0x14640]  }
0x270: {  	v45 =	vld [tilespmem:s23+$0x8640]  }
0x271: {  	v46 =	vld [tilespmem:s23+$0x14650]  }
0x272: {  	v47 =	vld [tilespmem:s23+$0x8650]  }
0x273: {  	v48 =	vld [tilespmem:s23+$0x14660]  }
0x274: {  	v49 =	vld [tilespmem:s23+$0x8660]  }
0x275: {  	v50 =	vld [tilespmem:s23+$0x14670]  }
0x276: {  	v51 =	vld [tilespmem:s23+$0x8670]  }
0x277: {  	v52 =	vld [tilespmem:s23+$0x14600]  }
0x278: {  	v53 =	vld [tilespmem:s23+$0x8600]  }
0x279: {  	v54 =	vld [tilespmem:s23+$0x14610]  }
0x27a: {  	v55 =	vld [tilespmem:s23+$0x8610]  }
0x27b: {  	v56 =	vld [tilespmem:s23+$0x14620]  }
0x27c: {  	v57 =	vld [tilespmem:s23+$0x8620]  }
0x27d: {  	v27 =	vld [tilespmem:s23+$0x14630]  }
0x27e: {  	v28 =	vld [tilespmem:s23+$0x8630]  }
0x27f: {  	v29 =	vsub.f32 v15, v16;
	v26 =	vld [tilespmem:s23+$0x14240]  }
0x280: {  	v30 =	vsub.f32 v17, v18;
	v4 =	vsub.f32 v19, v22;
	v16 =	vld [tilespmem:s23+$0x8240]  }
0x281: {  	v18 =	vsub.f32 v25, v33;
	v3 =	vsub.f32 v23, v24;
	v15 =	vld [tilespmem:s23+$0x14250]  }
0x282: {  	v24 =	vsub.f32 v21, v20;
	v7 =	vsub.f32 v35, v13;
	v17 =	vld [tilespmem:s23+$0x8250]  }
0x283: {  	v23 =	vsub.f32 v14, v5;
	v5 =	vsub.f32 v12, v11;
	v19 =	vld [tilespmem:s23+$0x14260]  }
0x284: {  	v32 =	vsub.f32 v31, v32;
	v12 =	vsub.f32 v2, v0;
	v22 =	vld [tilespmem:s23+$0x8260]  }
0x285: {  	v11 =	vsub.f32 v1, v34;
	v31 =	vsub.f32 v36, v37;
	v33 =	vld [tilespmem:s23+$0x14200]  }
.Ltmp2:
0x286: {  	v34 =	vsub.f32 v38, v39;
	v14 =	vsub.f32 v40, v41;
	v37 =	vld [tilespmem:s23+$0x8200];
	(pc) =	sbr.rel @p1 .LBB2_7-.Ltmp2, $4  }
0x287: {  	v13 =	vsub.f32 v42, v43;
	v36 =	vsub.f32 v44, v45;
	v35 =	vld [tilespmem:s23+$0x14210]  }
0x288: {  	v38 =	vsub.f32 v46, v47;
	v21 =	vsub.f32 v48, v49;
	v41 =	vld [tilespmem:s23+$0x8210]  }
0x289: {  	v20 =	vsub.f32 v50, v51;
	v40 =	vsub.f32 v52, v53;
	v39 =	vld [tilespmem:s23+$0x14220]  }
0x28a: {  	s24 =	sadd.s32 $0x200, s24;
	v42 =	vsub.f32 v54, v55;
	v25 =	vsub.f32 v56, v57;
	v43 =	vld [tilespmem:s23+$0x8220]  }
0x28b: {  	v2 =	vmul.f32 v29, v29  }
0x28c: {  	v0 =	vld [tilespmem:s23+$0x14230];
	v1 =	vsub.f32 v27, v28;
	v27 =	vmul.f32 v30, v30;
	v18 =	vmul.f32 v18, v18  }
0x28d: {  	v44 =	vld [tilespmem:s23+$0x8230];
	v24 =	vmul.f32 v24, v24;
	v23 =	vmul.f32 v23, v23  }
0x28e: {  	v16 =	vsub.f32 v26, v16;
	v45 =	vld [tilespmem:s23+$0x14270];
	v46 =	vmul.f32 v32, v32;
	v31 =	vmul.f32 v31, v31  }
0x28f: {  	v15 =	vsub.f32 v15, v17;
	v48 =	vld [tilespmem:s23+$0x8270];
	v49 =	vmul.f32 v34, v34;
	v51 =	vmul.f32 v36, v36  }
0x290: {  	v47 =	vsub.f32 v33, v37;
	v52 =	vmul.f32 v38, v38;
	v54 =	vmul.f32 v40, v40  }
0x291: {  	v55 =	vmul.f32 v42, v42;
	v50 =	vsub.f32 v35, v41;
	v16 =	vmul.f32 v16, v16  }
0x292: {  	v15 =	vmul.f32 v15, v15;
	v53 =	vsub.f32 v39, v43;
	v0 =	vsub.f32 v0, v44  }
0x293: {  	v19 =	vsub.f32 v19, v22;
	v56 =	vmul.f32 v47, v47;
	v57 =	vmul.f32 v50, v50  }
0x294: {  	v17 =	vsub.f32 v45, v48;
	v58 =	vmul.f32 v53, v53;
	v0 =	vmul.f32 v0, v0  }
0x295: {  	v19 =	vmul.f32 v19, v19;
	v8 =	vadd.f32 v56, v8;
	v10 =	vadd.f32 v57, v10  }
0x296: {  	v59 =	vmul.f32 v17, v17;
	v6 =	vadd.f32 v58, v6;
	v0 =	vadd.f32 v0, v9  }
0x297: {  	v60 =	vmul.f32 v25, v25;
	v8 =	vadd.f32 v16, v8;
	v10 =	vadd.f32 v15, v10  }
0x298: {  	v1 =	vmul.f32 v1, v1;
	v6 =	vadd.f32 v19, v6;
	v0 =	vadd.f32 v59, v0  }
0x299: {  	v62 =	vmul.f32 v21, v21;
	v8 =	vadd.f32 v54, v8;
	v61 =	vadd.f32 v55, v10  }
0x29a: {  	v6 =	vadd.f32 v60, v6;
	v0 =	vadd.f32 v1, v0;
	v1 =	vmul.f32 v20, v20  }
0x29b: {  	v14 =	vmul.f32 v14, v14;
	v8 =	vadd.f32 v51, v8;
	v9 =	vadd.f32 v52, v61  }
0x29c: {  	v6 =	vadd.f32 v62, v6;
	v0 =	vadd.f32 v1, v0;
	v1 =	vmul.f32 v13, v13  }
0x29d: {  	v63 =	vmul.f32 v12, v12;
	v8 =	vadd.f32 v31, v8;
	v9 =	vadd.f32 v49, v9  }
0x29e: {  	v6 =	vadd.f32 v14, v6;
	v0 =	vadd.f32 v1, v0;
	v1 =	vmul.f32 v11, v11  }
0x29f: {  	v7 =	vmul.f32 v7, v7;
	v8 =	vadd.f32 v23, v8;
	v9 =	vadd.f32 v46, v9  }
.Ltmp3:
0x2a0: {  	v6 =	vadd.f32 v63, v6;
	v0 =	vadd.f32 v1, v0;
	v1 =	vmul.f32 v5, v5;
	(pc) =	sbr.rel @p0 .LBB2_10-.Ltmp3, $4  }
0x2a1: {  	v4 =	vmul.f32 v4, v4;
	v5 =	vadd.f32 v18, v8;
	v8 =	vadd.f32 v24, v9  }
0x2a2: {  	v7 =	vadd.f32 v7, v6;
	v0 =	vadd.f32 v1, v0;
	v1 =	vmul.f32 v3, v3  }
0x2a3: {  	v6 =	vadd.f32 v2, v5;
	v5 =	vadd.f32 v27, v8  }
0x2a4: {  	v4 =	vadd.f32 v4, v7;
	v3 =	vadd.f32 v1, v0  }
0x2a5: {  	v0 =	vld [tilespmem:s7+$0xA0];
	_ =	sdelay $0x2  }
0x2a6: {  	v2 =	vld [tilespmem:$0x1FFD0];
	_ =	sdelay $0x1  }
0x2a7: {  	v7 =	vld [tilespmem:$0x1FFE0];
	v1 =	vshll.u32 v0, $0x2  }
0x2a8: {  	v0 =	vand.u32 $0x7, v0;
	v1 =	vand.u32 $0xFFFFFFE0, v1  }
0x2a9: {  	v8 =	vld [tilespmem:$0x1FFF0];
	v0 =	vor.u32 v0, v1  }
0x2aa: {  	v1 =	vperm.xlane v0, v2;
	_ =	sdelay $0x1  }
0x2ab: {  	v1 =	vadd.s32 v7, v1;
	_ =	sdelay $0x1  }
0x2ac: {  	v0 =	vperm.xlane v0, v8;
	_ =	sdelay $0x1  }
0x2ad: {  	s3 =	simm.s32 $0x8200;
	v0 =	vadd.s32 v7, v0  }
0x2ae: {  	[tilespmem:s3], [sflag:$0x3] =	stream.indirect_vreg.gather [hbm4b:s2+s4], $0x80, v1, vm0, $0xb8;
	[tilespmem:$0x18280] =	vst v63  }
0x2af: {  	s26 =	simm.s32 $0x8A00  }
0x2b0: {  	[tilespmem:s26], [sflag:$0x3] =	stream.indirect_vreg.gather [hbm4b:s8+s4], $0x80, v1, vm0, $0xb8;
	[tilespmem:$0x18280] =	vst v63  }
0x2b1: {  	s23 =	simm.s32 $0x9200  }
0x2b2: {  	[tilespmem:s23], [sflag:$0x3] =	stream.indirect_vreg.gather [hbm4b:s2+s4], $0x80, v0, vm0, $0xb8;
	[tilespmem:$0x18280] =	vst v63  }
0x2b3: {  	s24 =	simm.s32 $0x9A00  }
0x2b4: {  	[tilespmem:s24], [sflag:$0x3] =	stream.indirect_vreg.gather [hbm4b:s8+s4], $0x80, v0, vm0, $0xb8;
	[tilespmem:$0x18280] =	vst v63  }
0x2b5: {  	v0 =	vld [tilespmem:s7+$0xB0];
	_ =	sdelay $0x4  }
0x2b6: {  	v1 =	vshll.u32 v0, $0x2  }
0x2b7: {  	v0 =	vand.u32 $0x7, v0;
	v1 =	vand.u32 $0xFFFFFFE0, v1  }
0x2b8: {  	v0 =	vor.u32 v0, v1  }
0x2b9: {  	v1 =	vperm.xlane v0, v2;
	_ =	sdelay $0x1  }
0x2ba: {  	v1 =	vadd.s32 v7, v1;
	_ =	sdelay $0x1  }
0x2bb: {  	v0 =	vperm.xlane v0, v8;
	_ =	sdelay $0x1  }
0x2bc: {  	s25 =	simm.s32 $0xA200;
	v0 =	vadd.s32 v7, v0  }
0x2bd: {  	[tilespmem:s25], [sflag:$0x3] =	stream.indirect_vreg.gather [hbm4b:s2+s4], $0x80, v1, vm0, $0xb8;
	[tilespmem:$0x18280] =	vst v63  }
0x2be: {  	_ = 	snop  }
0x2bf: {  	[tilespmem:s28], [sflag:$0x3] =	stream.indirect_vreg.gather [hbm4b:s8+s4], $0x80, v1, vm0, $0xb8;
	[tilespmem:$0x18280] =	vst v63  }
0x2c0: {  	s26 =	sadd.s32 $0xA0, s7  }
0x2c1: {  	[tilespmem:s29], [sflag:$0x3] =	stream.indirect_vreg.gather [hbm4b:s2+s4], $0x80, v0, vm0, $0xb8;
	[tilespmem:$0x18280] =	vst v63  }
.Ltmp4:
0x2c2: {  	s3 =	sadd.s32 s5, s26;
	(pc) =	sbr.rel .LBB2_2-.Ltmp4, $4  }
0x2c3: {  	s3 =	sshll.u32 s3, $0x6  }
0x2c4: {  	[tilespmem:s30], [sflag:$0x3] =	stream.indirect_vreg.gather [hbm4b:s8+s4], $0x80, v0, vm0, $0xb8;
	[tilespmem:$0x18280] =	vst v63  }
0x2c5: {  	s13 =	sadd.s32 $0x1, s13;
	s3 =	sadd.s32 s1, s3  }
0x2c6: {  	[tilespmem:s31], [sflag:$0x6] =	stream.linear.gather [hbm4b:s3+s4], $0x4000, $0x38;
	[tilespmem:$0x18280] =	vst v63  }
.LBB2_10:
0x2c7: {  	_ =	swait.ge [sflag:s0], $0x4000  }
0x2c8: {  	[sflag:s0] =	ssyncset.done $0x0  }
0x2c9: {  	[sflag:s0] =	ssyncadd.s32 $0xFFFFC000  }
0x2ca: {  	s7 =	simm.s32 $0x0;
	_ =	swait.ge [sflag:s6], $0x4000  }
0x2cb: {  	s3 =	sand.u32 $0x3000, s7;
	s13 =	sand.u32 $0x380, s7;
	[sflag:s6] =	ssyncset.done $0x0  }
0x2cc: {  	s3 =	sor.u32 s13, s3;
	[sflag:s6] =	ssyncadd.s32 $0xFFFFC000  }
0x2cd: {  	v0 =	vld [tilespmem:s3+$0xCE40]  }
0x2ce: {  	v1 =	vld [tilespmem:s3+$0xE40]  }
0x2cf: {  	v2 =	vld [tilespmem:s3+$0xCE50]  }
0x2d0: {  	v7 =	vld [tilespmem:s3+$0xE50]  }
0x2d1: {  	v8 =	vld [tilespmem:s3+$0xCE60]  }
0x2d2: {  	v9 =	vld [tilespmem:s3+$0xE60]  }
0x2d3: {  	v10 =	vld [tilespmem:s3+$0xCE70]  }
0x2d4: {  	v11 =	vld [tilespmem:s3+$0xE70]  }
0x2d5: {  	v12 =	vld [tilespmem:s3+$0xCE00]  }
0x2d6: {  	v13 =	vld [tilespmem:s3+$0xE00]  }
0x2d7: {  	v14 =	vld [tilespmem:s3+$0xCE10]  }
0x2d8: {  	v16 =	vld [tilespmem:s3+$0xE10]  }
0x2d9: {  	v17 =	vld [tilespmem:s3+$0xCE20]  }
0x2da: {  	v19 =	vld [tilespmem:s3+$0xE20]  }
0x2db: {  	v20 =	vld [tilespmem:s3+$0xCE30]  }
0x2dc: {  	v21 =	vld [tilespmem:s3+$0xE30]  }
0x2dd: {  	v22 =	vld [tilespmem:s3+$0xCA40]  }
0x2de: {  	v24 =	vld [tilespmem:s3+$0xA40]  }
0x2df: {  	v25 =	vld [tilespmem:s3+$0xCA50]  }
0x2e0: {  	v32 =	vld [tilespmem:s3+$0xA50]  }
0x2e1: {  	v33 =	vld [tilespmem:s3+$0xCA60]  }
0x2e2: {  	v34 =	vld [tilespmem:s3+$0xA60]  }
0x2e3: {  	v35 =	vld [tilespmem:s3+$0xCA70]  }
0x2e4: {  	v36 =	vld [tilespmem:s3+$0xA70]  }
0x2e5: {  	v37 =	vld [tilespmem:s3+$0xCA00]  }
0x2e6: {  	v38 =	vld [tilespmem:s3+$0xA00]  }
0x2e7: {  	v39 =	vld [tilespmem:s3+$0xCA10]  }
0x2e8: {  	v40 =	vld [tilespmem:s3+$0xA10]  }
0x2e9: {  	v41 =	vld [tilespmem:s3+$0xCA20]  }
0x2ea: {  	v42 =	vld [tilespmem:s3+$0xA20]  }
0x2eb: {  	v43 =	vld [tilespmem:s3+$0xCA30]  }
0x2ec: {  	v44 =	vld [tilespmem:s3+$0xA30]  }
0x2ed: {  	v45 =	vld [tilespmem:s3+$0xC640]  }
0x2ee: {  	v46 =	vld [tilespmem:s3+$0x640]  }
0x2ef: {  	v47 =	vld [tilespmem:s3+$0xC650]  }
0x2f0: {  	v48 =	vld [tilespmem:s3+$0x650]  }
0x2f1: {  	v49 =	vld [tilespmem:s3+$0xC660]  }
0x2f2: {  	v50 =	vld [tilespmem:s3+$0x660]  }
0x2f3: {  	v51 =	vld [tilespmem:s3+$0xC670]  }
0x2f4: {  	v52 =	vld [tilespmem:s3+$0x670]  }
0x2f5: {  	v53 =	vld [tilespmem:s3+$0xC600]  }
0x2f6: {  	v54 =	vld [tilespmem:s3+$0x600]  }
0x2f7: {  	v55 =	vld [tilespmem:s3+$0xC610]  }
0x2f8: {  	v56 =	vld [tilespmem:s3+$0x610]  }
0x2f9: {  	v57 =	vld [tilespmem:s3+$0xC620]  }
0x2fa: {  	v58 =	vld [tilespmem:s3+$0x620]  }
0x2fb: {  	v27 =	vld [tilespmem:s3+$0xC630]  }
0x2fc: {  	v28 =	vld [tilespmem:s3+$0x630]  }
0x2fd: {  	v26 =	vld [tilespmem:s3+$0xC240];
	v30 =	vsub.f32 v0, v1  }
0x2fe: {  	v29 =	vld [tilespmem:s3+$0x240];
	v15 =	vsub.f32 v2, v7;
	v8 =	vsub.f32 v8, v9  }
0x2ff: {  	v18 =	vld [tilespmem:s3+$0xC250];
	v31 =	vsub.f32 v12, v13;
	v7 =	vsub.f32 v10, v11  }
0x300: {  	v23 =	vld [tilespmem:s3+$0x250];
	v16 =	vsub.f32 v14, v16;
	v10 =	vsub.f32 v17, v19  }
0x301: {  	v19 =	vld [tilespmem:s3+$0xC260];
	v24 =	vsub.f32 v22, v24;
	v9 =	vsub.f32 v20, v21  }
0x302: {  	v22 =	vld [tilespmem:s3+$0x260];
	v17 =	vsub.f32 v25, v32;
	v12 =	vsub.f32 v33, v34  }
0x303: {  	v33 =	vld [tilespmem:s3+$0xC200];
	v32 =	vsub.f32 v37, v38;
	v11 =	vsub.f32 v35, v36  }
0x304: {  	v37 =	vld [tilespmem:s3+$0x200];
	v34 =	vsub.f32 v39, v40;
	v14 =	vsub.f32 v41, v42  }
0x305: {  	v35 =	vld [tilespmem:s3+$0xC210];
	v36 =	vsub.f32 v45, v46;
	v13 =	vsub.f32 v43, v44  }
0x306: {  	v41 =	vld [tilespmem:s3+$0x210];
	v38 =	vsub.f32 v47, v48;
	v21 =	vsub.f32 v49, v50  }
0x307: {  	v39 =	vld [tilespmem:s3+$0xC220];
	v40 =	vsub.f32 v53, v54;
	v20 =	vsub.f32 v51, v52  }
0x308: {  	s13 =	simm.s32 $0x200;
	v43 =	vld [tilespmem:s3+$0x220];
	v42 =	vsub.f32 v55, v56;
	v25 =	vsub.f32 v57, v58  }
.LBB2_11:
0x309: {  	p0 =	sne.s32 s13, $0x3E00;
	v0 =	vld [tilespmem:s3+$0xC230];
	v1 =	vsub.f32 v27, v28;
	v2 =	vmul.f32 v30, v30;
	v27 =	vmul.f32 v15, v15  }
0x30a: {  	v26 =	vsub.f32 v26, v29;
	v29 =	vmul.f32 v31, v31;
	v30 =	vmul.f32 v16, v16;
	s7 =	sadd.s32 $0x80, s7;
	v28 =	vld [tilespmem:s3+$0x230]  }
0x30b: {  	s23 =	sand.u32 $0x3000, s13;
	v18 =	vsub.f32 v18, v23;
	v31 =	vmul.f32 v24, v24;
	v44 =	vmul.f32 v17, v17;
	s24 =	sand.u32 $0x380, s7;
	v23 =	vld [tilespmem:s3+$0xC270]  }
0x30c: {  	v24 =	vsub.f32 v33, v37;
	v32 =	vmul.f32 v32, v32;
	v34 =	vmul.f32 v34, v34;
	v33 =	vld [tilespmem:s3+$0x270];
	s3 =	sor.u32 s24, s23  }
0x30d: {  	v36 =	vmul.f32 v36, v36;
	v37 =	vmul.f32 v38, v38;
	v35 =	vsub.f32 v35, v41;
	v15 =	vld [tilespmem:s3+$0xCE40]  }
0x30e: {  	v38 =	vsub.f32 v39, v43;
	v39 =	vmul.f32 v40, v40;
	v40 =	vmul.f32 v42, v42;
	v16 =	vld [tilespmem:s3+$0xE40]  }
0x30f: {  	v26 =	vmul.f32 v26, v26;
	v17 =	vld [tilespmem:s3+$0xCE50];
	v0 =	vsub.f32 v0, v28;
	v28 =	vmul.f32 v18, v18  }
0x310: {  	v24 =	vmul.f32 v24, v24;
	v41 =	vsub.f32 v19, v22;
	v35 =	vmul.f32 v35, v35;
	v18 =	vld [tilespmem:s3+$0xE50]  }
0x311: {  	v38 =	vmul.f32 v38, v38;
	v19 =	vld [tilespmem:s3+$0xCE60];
	v0 =	vmul.f32 v0, v0;
	v33 =	vsub.f32 v23, v33  }
0x312: {  	v6 =	vadd.f32 v24, v6;
	v5 =	vadd.f32 v35, v5;
	v35 =	vmul.f32 v41, v41;
	v22 =	vld [tilespmem:s3+$0xE60]  }
0x313: {  	v4 =	vadd.f32 v38, v4;
	v23 =	vld [tilespmem:s3+$0xCE70];
	v0 =	vadd.f32 v0, v3;
	v3 =	vmul.f32 v33, v33  }
0x314: {  	v25 =	vmul.f32 v25, v25;
	v6 =	vadd.f32 v26, v6;
	v5 =	vadd.f32 v28, v5;
	v24 =	vld [tilespmem:s3+$0xE70]  }
0x315: {  	v1 =	vmul.f32 v1, v1;
	v4 =	vadd.f32 v35, v4;
	v33 =	vld [tilespmem:s3+$0xCE00];
	v0 =	vadd.f32 v3, v0  }
0x316: {  	v5 =	vadd.f32 v40, v5;
	v3 =	vadd.f32 v39, v6;
	v6 =	vmul.f32 v21, v21;
	v35 =	vld [tilespmem:s3+$0xE00]  }
0x317: {  	v4 =	vadd.f32 v25, v4;
	v21 =	vld [tilespmem:s3+$0xCE10];
	v0 =	vadd.f32 v1, v0;
	v1 =	vmul.f32 v20, v20  }
0x318: {  	v14 =	vmul.f32 v14, v14;
	v5 =	vadd.f32 v37, v5;
	v3 =	vadd.f32 v36, v3;
	v20 =	vld [tilespmem:s3+$0xE10]  }
0x319: {  	v4 =	vadd.f32 v6, v4;
	v25 =	vld [tilespmem:s3+$0xCE20];
	v0 =	vadd.f32 v1, v0;
	v1 =	vmul.f32 v13, v13  }
0x31a: {  	v5 =	vadd.f32 v34, v5;
	v6 =	vmul.f32 v12, v12;
	v3 =	vadd.f32 v32, v3;
	v13 =	vld [tilespmem:s3+$0xE20]  }
0x31b: {  	v4 =	vadd.f32 v14, v4;
	v12 =	vld [tilespmem:s3+$0xCE30];
	v0 =	vadd.f32 v1, v0;
	v1 =	vmul.f32 v11, v11  }
0x31c: {  	v10 =	vmul.f32 v10, v10;
	v5 =	vadd.f32 v44, v5;
	v3 =	vadd.f32 v31, v3;
	v11 =	vld [tilespmem:s3+$0xE30]  }
0x31d: {  	v4 =	vadd.f32 v6, v4;
	v14 =	vld [tilespmem:s3+$0xCA40];
	v0 =	vadd.f32 v1, v0;
	v1 =	vmul.f32 v9, v9  }
0x31e: {  	v8 =	vmul.f32 v8, v8;
	v5 =	vadd.f32 v30, v5;
	v3 =	vadd.f32 v29, v3;
	v9 =	vld [tilespmem:s3+$0xA40]  }
0x31f: {  	v4 =	vadd.f32 v10, v4;
	v32 =	vld [tilespmem:s3+$0xCA50];
	v0 =	vadd.f32 v1, v0;
	v1 =	vmul.f32 v7, v7  }
0x320: {  	v5 =	vadd.f32 v27, v5;
	v6 =	vadd.f32 v2, v3;
	v34 =	vld [tilespmem:s3+$0xA50]  }
0x321: {  	v4 =	vadd.f32 v8, v4;
	v2 =	vld [tilespmem:s3+$0xCA60];
	v3 =	vadd.f32 v1, v0  }
0x322: {  	v0 =	vld [tilespmem:s3+$0xA60]  }
0x323: {  	v1 =	vld [tilespmem:s3+$0xCA70]  }
0x324: {  	v36 =	vld [tilespmem:s3+$0xA70]  }
0x325: {  	v37 =	vld [tilespmem:s3+$0xCA00]  }
0x326: {  	v38 =	vld [tilespmem:s3+$0xA00]  }
0x327: {  	v39 =	vld [tilespmem:s3+$0xCA10]  }
0x328: {  	v40 =	vld [tilespmem:s3+$0xA10]  }
0x329: {  	v41 =	vld [tilespmem:s3+$0xCA20]  }
0x32a: {  	v42 =	vld [tilespmem:s3+$0xA20]  }
0x32b: {  	v43 =	vld [tilespmem:s3+$0xCA30]  }
0x32c: {  	v44 =	vld [tilespmem:s3+$0xA30]  }
0x32d: {  	v45 =	vld [tilespmem:s3+$0xC640]  }
0x32e: {  	v46 =	vld [tilespmem:s3+$0x640]  }
0x32f: {  	v47 =	vld [tilespmem:s3+$0xC650]  }
0x330: {  	v48 =	vld [tilespmem:s3+$0x650]  }
0x331: {  	v49 =	vld [tilespmem:s3+$0xC660]  }
0x332: {  	v50 =	vld [tilespmem:s3+$0x660]  }
0x333: {  	v51 =	vld [tilespmem:s3+$0xC670]  }
0x334: {  	v52 =	vld [tilespmem:s3+$0x670]  }
0x335: {  	v53 =	vld [tilespmem:s3+$0xC600]  }
0x336: {  	v54 =	vld [tilespmem:s3+$0x600]  }
0x337: {  	v55 =	vld [tilespmem:s3+$0xC610]  }
0x338: {  	v56 =	vld [tilespmem:s3+$0x610]  }
0x339: {  	v57 =	vld [tilespmem:s3+$0xC620]  }
0x33a: {  	v58 =	vld [tilespmem:s3+$0x620]  }
0x33b: {  	v27 =	vld [tilespmem:s3+$0xC630]  }
0x33c: {  	v28 =	vld [tilespmem:s3+$0x630]  }
0x33d: {  	v30 =	vsub.f32 v15, v16;
	v26 =	vld [tilespmem:s3+$0xC240]  }
0x33e: {  	v15 =	vsub.f32 v17, v18;
	v8 =	vsub.f32 v19, v22;
	v29 =	vld [tilespmem:s3+$0x240]  }
0x33f: {  	v31 =	vsub.f32 v33, v35;
	v7 =	vsub.f32 v23, v24;
	v18 =	vld [tilespmem:s3+$0xC250]  }
0x340: {  	v16 =	vsub.f32 v21, v20;
	v10 =	vsub.f32 v25, v13;
	v23 =	vld [tilespmem:s3+$0x250]  }
0x341: {  	v24 =	vsub.f32 v14, v9;
	v9 =	vsub.f32 v12, v11;
	v19 =	vld [tilespmem:s3+$0xC260]  }
0x342: {  	v17 =	vsub.f32 v32, v34;
	v12 =	vsub.f32 v2, v0;
	v22 =	vld [tilespmem:s3+$0x260]  }
0x343: {  	v11 =	vsub.f32 v1, v36;
	v32 =	vsub.f32 v37, v38;
	v33 =	vld [tilespmem:s3+$0xC200]  }
.Ltmp5:
0x344: {  	v34 =	vsub.f32 v39, v40;
	v14 =	vsub.f32 v41, v42;
	v37 =	vld [tilespmem:s3+$0x200];
	(pc) =	sbr.rel @p0 .LBB2_11-.Ltmp5, $4  }
0x345: {  	v13 =	vsub.f32 v43, v44;
	v36 =	vsub.f32 v45, v46;
	v35 =	vld [tilespmem:s3+$0xC210]  }
0x346: {  	v38 =	vsub.f32 v47, v48;
	v21 =	vsub.f32 v49, v50;
	v41 =	vld [tilespmem:s3+$0x210]  }
0x347: {  	v20 =	vsub.f32 v51, v52;
	v40 =	vsub.f32 v53, v54;
	v39 =	vld [tilespmem:s3+$0xC220]  }
0x348: {  	s13 =	sadd.s32 $0x200, s13;
	v42 =	vsub.f32 v55, v56;
	v25 =	vsub.f32 v57, v58;
	v43 =	vld [tilespmem:s3+$0x220]  }
0x349: {  	v1 =	vsub.f32 v27, v28;
	v2 =	vmul.f32 v30, v30;
	v28 =	vmul.f32 v31, v31  }
0x34a: {  	v0 =	vld [tilespmem:s3+$0xC230];
	v26 =	vsub.f32 v26, v29;
	v24 =	vmul.f32 v24, v24;
	v61 =	vmul.f32 v32, v32  }
0x34b: {  	v57 =	vld [tilespmem:s3+$0x230];
	v18 =	vsub.f32 v18, v23;
	v62 =	vmul.f32 v34, v34;
	v44 =	vmul.f32 v38, v38  }
0x34c: {  	v58 =	vld [tilespmem:s3+$0xC270];
	v59 =	vsub.f32 v33, v37;
	v46 =	vmul.f32 v40, v40;
	v54 =	vmul.f32 v21, v21  }
0x34d: {  	v60 =	vld [tilespmem:s3+$0x270];
	v55 =	vmul.f32 v20, v20;
	v14 =	vmul.f32 v14, v14;
	v63 =	vsub.f32 v35, v41  }
0x34e: {  	v19 =	vsub.f32 v19, v22;
	v47 =	vmul.f32 v42, v42;
	v48 =	vmul.f32 v59, v59  }
0x34f: {  	v41 =	vmul.f32 v36, v36;
	v45 =	vsub.f32 v39, v43;
	v49 =	vmul.f32 v63, v63  }
0x350: {  	v26 =	vmul.f32 v26, v26;
	v6 =	vadd.f32 v48, v6;
	v0 =	vsub.f32 v0, v57  }
0x351: {  	v18 =	vmul.f32 v18, v18;
	v50 =	vmul.f32 v45, v45;
	v5 =	vadd.f32 v49, v5  }
0x352: {  	v23 =	vsub.f32 v58, v60;
	v6 =	vadd.f32 v26, v6;
	v0 =	vmul.f32 v0, v0  }
0x353: {  	v19 =	vmul.f32 v19, v19;
	v4 =	vadd.f32 v50, v4;
	v5 =	vadd.f32 v18, v5  }
0x354: {  	v51 =	vmul.f32 v23, v23;
	v53 =	vadd.f32 v46, v6;
	v0 =	vadd.f32 v0, v3  }
0x355: {  	v52 =	vmul.f32 v25, v25;
	v4 =	vadd.f32 v19, v4;
	v5 =	vadd.f32 v47, v5  }
0x356: {  	v1 =	vmul.f32 v1, v1;
	v3 =	vadd.f32 v41, v53;
	v0 =	vadd.f32 v51, v0  }
0x357: {  	v56 =	vmul.f32 v13, v13;
	v4 =	vadd.f32 v52, v4;
	v5 =	vadd.f32 v44, v5  }
0x358: {  	v12 =	vmul.f32 v12, v12;
	v3 =	vadd.f32 v61, v3;
	v0 =	vadd.f32 v1, v0  }
0x359: {  	v57 =	vmul.f32 v17, v17;
	v4 =	vadd.f32 v54, v4;
	v5 =	vadd.f32 v62, v5  }
0x35a: {  	v10 =	vmul.f32 v10, v10;
	v3 =	vadd.f32 v24, v3;
	v0 =	vadd.f32 v55, v0  }
0x35b: {  	v58 =	vmul.f32 v16, v16;
	v4 =	vadd.f32 v14, v4;
	v5 =	vadd.f32 v57, v5  }
0x35c: {  	v59 =	vmul.f32 v11, v11;
	v3 =	vadd.f32 v28, v3;
	v0 =	vadd.f32 v56, v0  }
0x35d: {  	v60 =	vmul.f32 v15, v15;
	v4 =	vadd.f32 v12, v4;
	v1 =	vadd.f32 v58, v5  }
0x35e: {  	v61 =	vmul.f32 v9, v9;
	v2 =	vadd.f32 v2, v3;
	v0 =	vadd.f32 v59, v0  }
0x35f: {  	v62 =	vmul.f32 v8, v8;
	v4 =	vadd.f32 v10, v4;
	v1 =	vadd.f32 v60, v1  }
0x360: {  	v0 =	vadd.f32 v61, v0  }
0x361: {  	v63 =	vmul.f32 v7, v7;
	v4 =	vadd.f32 v62, v4;
	v1 =	vadd.f32 v1, v2;
	_ =	sdelay $0x1  }
0x362: {  	v0 =	vadd.f32 v63, v0;
	v1 =	vadd.f32 v4, v1;
	_ =	sdelay $0x1  }
0x363: {  	v0 =	vadd.f32 v0, v1;
	_ =	sdelay $0x1  }
0x364: {  	s25 =	rddreg [dreg:$0x9];
	s7 =	simm.s32 $0x18200;
	[tilespmem:$0x18200] =	vst v0  }
0x365: {  	[hbm4b:s25+s4] =	stream.linear.scatter [tilespmem:s7], [sflag:$0x7], $0x80, $0x38;
	[tilespmem:$0x18280] =	vst v63  }
0x366: {  	s7 =	simm.s32 $0x7  }
0x367: {  	_ =	swait.ge [sflag:s7], $0x80  }
0x368: {  	s13 =	rddreg [dreg:$0xb]  }
0x369: {  	s26 =	rddreg [dreg:$0xa];
	s13 =	sadd.s32 $0x1, s13  }
0x36a: {  	p0 =	sne.s32 s13, s26  }
.Ltmp6:
0x36b: {  	_ = 	snop;
	(pc) =	sbr.rel @p0 .LBB2_1-.Ltmp6, $3  }
0x36c: {  	_ =	sdelay $0x1  }
0x36d: {  	[sflag:s7] =	ssyncset.done $0x0  }
0x36e: {  	[sflag:s7] =	ssyncadd.s32 $0xFFFFFF80  }
0x36f: {  	_ =	sfence.sel $0x180000  }
0x370: {  	[bflag:$0x0] =	sbarrier.arrive $0xFFFF  }
0x371: {  	_ =	strace $0x90000047  }
0x372: {  	s0 =	stileid.u32;
	[bflag:$0x2] =	sbarrier.arrive $0xFFFF  }
0x373: {  	p0 =	sne.s32 s0, $0x0;
	s0 =	rddreg [dreg:$0x4]  }
0x374: {  	s0 =	sadd.s32 @!p0 $0x100000, s0  }
0x375: {  	[sflag:s0] =	ssyncadd.tile.s32 @!p0 $0x1;
	_ =	shalt  }
.Lfunc_end2:
_tile_overlayer_lowered:
.L_overlay_start_2:
0x376: {  	(tag) =	ssettag $0x2  }
0x377: {  	s0 =	rddreg [dreg:$0x0];
	s2 =	stileid.u32  }
0x378: {  	s1 =	rddreg [dreg:$0x1];
	p0 =	sne.s32 s2, $0x0  }
0x379: {  	s3 =	rddreg [dreg:$0x2];
	[bflag:$0x3] =	sbarrier.arrive $0xFFFF;
	s2 =	simm.s32 @!p0 $0x1C07  }
0x37a: {  	[timem:s3], [sflag:s2] =	dma.local @!p0 [hbm:s0], s1  }
0x37b: {  	s0 =	simm.s32 @!p0 $0x7  }
0x37c: {  	_ =	swait.ge @!p0 [sflag:s0], s1  }
0x37d: {  	s1 =	ssub.s32 @!p0 $0x0, s1;
	[sflag:s0] =	ssyncset.done @!p0 $0x0  }
0x37e: {  	[sflag:s0] =	ssyncadd.s32 @!p0 s1  }
0x37f: {  	[bflag:$0x3] =	sbarrier.arrive $0xFFFF  }
0x380: {  	_ =	shalt  }

</sc_bundles>
